<compile_context>
chip_gen: v7x
topology: tpu7x:2x2x1
jax: 0.10.2.dev20260603
libtpu: 0.0.44.dev20260713+nightly
codegen_flags: <defaults>
</compile_context>

<pallas_src>
import functools

import jax
import jax.numpy as jnp
from jax import lax
from jax.experimental import pallas as pl
from jax.experimental.pallas import tpu as pltpu
from jax.experimental.pallas import tpu_sc as plsc

N = 10000
E = 320000
F = 128
H = 16
C = 4

NC = 2
NS = 16
NW = NC * NS

CHUNK = 400
NCH = 25
EPW = NCH * CHUNK

NP = 10240
RPS = NP // NS

NBUF = 5
AHEAD = 4

_mesh = plsc.VectorSubcoreMesh(
    core_axis_name="c", subcore_axis_name="s", num_cores=NC, num_subcores=NS
)

_sc_params = pltpu.CompilerParams(use_tc_tiling_on_sc=False)


def _stripe_out(zb_v, acc_sh, out_hbm, cid, sid):
    pltpu.sync_copy(acc_sh.at[pl.ds(sid * RPS, RPS)], zb_v)
    pltpu.sync_copy(zb_v, out_hbm.at[cid, sid])


LAGI = 8


def _idx_desc(ei_hbm, dst_v, axis, base, j, sem):
    return pltpu.make_async_copy(
        ei_hbm.at[axis, pl.ds(base + j * CHUNK, CHUNK)], dst_v.at[j], sem)


def _zero_acc(zb_v, acc_sh, sid):
    zero_row = jnp.zeros((H,), jnp.float32)

    def zfill(i, c):
        zb_v[i, :] = zero_row
        return c
    lax.fori_loop(0, RPS, zfill, 0)
    pltpu.sync_copy(zb_v, acc_sh.at[pl.ds(sid * RPS, RPS)])


@functools.partial(
    pl.kernel,
    out_type=jax.ShapeDtypeStruct((NC, NS, RPS, H), jnp.float32),
    mesh=_mesh,
    scratch_types=[
        pltpu.VMEM((NCH, CHUNK), jnp.int32),
        pltpu.VMEM((CHUNK, H), jnp.float32),
        pltpu.VMEM((RPS, H), jnp.float32),
        pltpu.VMEM_SHARED((NP, H), jnp.float32),
        pltpu.SemaphoreType.DMA,
    ],
    compiler_params=_sc_params,
)
def _deg_kernel(col_hbm, out_hbm, coli_v, ones_v, zb_v, acc_sh, sem_s):
    cid = lax.axis_index("c")
    sid = lax.axis_index("s")
    wid = cid * NS + sid

    one_row = jnp.full((H,), 1.0, jnp.float32)

    def fill(i, c):
        ones_v[i, :] = one_row
        return c
    lax.fori_loop(0, CHUNK, fill, 0)

    base = wid * EPW

    def cdesc(j):
        return pltpu.make_async_copy(
            col_hbm.at[pl.ds(base + j * CHUNK, CHUNK)], coli_v.at[j], sem_s)

    def ldf(j, c):
        cdesc(j).start()
        return c
    lax.fori_loop(0, NCH, ldf, 0)

    _zero_acc(zb_v, acc_sh, sid)

    def ldw(j, c):
        cdesc(j).wait()
        return c
    lax.fori_loop(0, NCH, ldw, 0)
    plsc.subcore_barrier()

    def scat(j):
        return pltpu.make_async_copy(ones_v, acc_sh.at[coli_v.at[j]], sem_s)

    LAG = 8

    def sc(j, c):
        scat(j).start(add=True)

        @pl.when(j >= LAG)
        def _():
            scat(j - LAG).wait()
        return c
    lax.fori_loop(0, NCH, sc, 0)

    def drain(j, c):
        scat(NCH - LAG + j).wait()
        return c
    lax.fori_loop(0, LAG, drain, 0)

    plsc.subcore_barrier()
    _stripe_out(zb_v, acc_sh, out_hbm, cid, sid)


@functools.partial(
    pl.kernel,
    out_type=jax.ShapeDtypeStruct((NC, NS, RPS, H), jnp.float32),
    mesh=_mesh,
    scratch_types=[
        pltpu.VMEM((NCH, CHUNK), jnp.int32),
        pltpu.VMEM((NCH, CHUNK), jnp.int32),
        [pltpu.VMEM((CHUNK, H), jnp.float32)] * NBUF,
        pltpu.VMEM((RPS, H), jnp.float32),
        pltpu.VMEM_SHARED((NP, H), jnp.float32),
        pltpu.SemaphoreType.DMA,
        pltpu.SemaphoreType.DMA,
    ],
    compiler_params=_sc_params,
)
def _prop_kernel(g_hbm, ei_hbm, out_hbm,
                 rowi_v, coli_v, bufs, zb_v, acc_sh, sem_g, sem_s):
    cid = lax.axis_index("c")
    sid = lax.axis_index("s")
    wid = cid * NS + sid

    base = wid * EPW

    def ldf(j, c):
        _idx_desc(ei_hbm, rowi_v, 0, base, j, sem_g).start()
        _idx_desc(ei_hbm, coli_v, 1, base, j, sem_g).start()
        return c
    lax.fori_loop(0, NCH, ldf, 0)

    _zero_acc(zb_v, acc_sh, sid)

    def ldw(j, c):
        _idx_desc(ei_hbm, rowi_v, 0, base, j, sem_g).wait()
        _idx_desc(ei_hbm, coli_v, 1, base, j, sem_g).wait()
        return c
    lax.fori_loop(0, NCH, ldw, 0)
    plsc.subcore_barrier()

    def gat(j, b):
        return pltpu.make_async_copy(g_hbm.at[rowi_v.at[j]], bufs[b], sem_g)

    def scat(j, b):
        return pltpu.make_async_copy(bufs[b], acc_sh.at[coli_v.at[j]], sem_s)

    for j in range(AHEAD):
        gat(j, j).start()

    def step(g, c):
        for b in range(NBUF):
            j = g * NBUF + b
            bp = (b + AHEAD) % NBUF
            back = NBUF - AHEAD
            if b >= back:
                scat(j - back, bp).wait()
            else:
                @pl.when(j >= back)
                def _():
                    scat(j - back, bp).wait()

            @pl.when(j + AHEAD < NCH)
            def _():
                gat(j + AHEAD, bp).start()

            gat(j, b).wait()
            scat(j, b).start(add=True)
        return c
    lax.fori_loop(0, NCH // NBUF, step, 0)

    for k in range(NBUF - AHEAD):
        j = NCH - (NBUF - AHEAD) + k
        scat(j, j % NBUF).wait()

    plsc.subcore_barrier()
    _stripe_out(zb_v, acc_sh, out_hbm, cid, sid)


PK = NP // 8
BNP = PK // 2


def _mm(a, b):
    return lax.dot_general(a, b, (((1,), (0,)), ((), ())),
                           preferred_element_type=jnp.float32)


def _dinv(dacc_ref):
    return lax.rsqrt(dacc_ref[0] + dacc_ref[1] + 1.0)


def _tc1a_body(x2_ref, w1_ref, h_ref):
    h_ref[...] = _mm(x2_ref[...], w1_ref[...])


_tc1a = pl.pallas_call(
    _tc1a_body,
    grid=(PK // BNP,),
    in_specs=[
        pl.BlockSpec((BNP, 8 * F), lambda i: (i, 0)),
        pl.BlockSpec((8 * F, 128), lambda i: (0, 0)),
    ],
    out_specs=pl.BlockSpec((BNP, 128), lambda i: (i, 0)),
    out_shape=jax.ShapeDtypeStruct((PK, 128), jnp.float32),
)


def _tc1b_body(h_ref, dacc_ref, g_ref):
    g_ref[...] = h_ref[...] * _dinv(dacc_ref)


_tc1b = pl.pallas_call(
    _tc1b_body,
    grid=(PK // BNP,),
    in_specs=[
        pl.BlockSpec((BNP, 128), lambda i: (i, 0)),
        pl.BlockSpec((NC, BNP, 128), lambda i: (0, i, 0)),
    ],
    out_specs=pl.BlockSpec((BNP, 128), lambda i: (i, 0)),
    out_shape=jax.ShapeDtypeStruct((PK, 128), jnp.float32),
)


def _tc2_body(acc_ref, g_ref, dacc_ref, w2_ref, b1_ref, out_ref):
    dinv = _dinv(dacc_ref)
    s1 = jnp.maximum(dinv * (acc_ref[0] + acc_ref[1] + g_ref[...]) + b1_ref[...],
                     0.0)
    out_ref[...] = _mm(s1, w2_ref[...]) * dinv


_tc2 = pl.pallas_call(
    _tc2_body,
    grid=(PK // BNP,),
    in_specs=[
        pl.BlockSpec((NC, BNP, 128), lambda i: (0, i, 0)),
        pl.BlockSpec((BNP, 128), lambda i: (i, 0)),
        pl.BlockSpec((NC, BNP, 128), lambda i: (0, i, 0)),
        pl.BlockSpec((128, 128), lambda i: (0, 0)),
        pl.BlockSpec((1, 128), lambda i: (0, 0)),
    ],
    out_specs=pl.BlockSpec((BNP, 128), lambda i: (i, 0)),
    out_shape=jax.ShapeDtypeStruct((PK, 128), jnp.float32),
)


PKR = N // 8


def _tc3_body(acc_ref, g_ref, dacc_ref, wfc_ref, b2_ref, bfc_ref, out_ref):
    dinv = _dinv(dacc_ref)
    s2 = jnp.maximum(dinv * (acc_ref[0] + acc_ref[1] + g_ref[...]) + b2_ref[...],
                     0.0)
    out_ref[...] = (_mm(s2, wfc_ref[...]) + bfc_ref[...])[:PKR]


_tc3 = pl.pallas_call(
    _tc3_body,
    grid=(1,),
    in_specs=[
        pl.BlockSpec((NC, PK, 128), lambda i: (0, 0, 0)),
        pl.BlockSpec((PK, 128), lambda i: (0, 0)),
        pl.BlockSpec((NC, PK, 128), lambda i: (0, 0, 0)),
        pl.BlockSpec((128, 8 * C), lambda i: (0, 0)),
        pl.BlockSpec((1, 128), lambda i: (0, 0)),
        pl.BlockSpec((1, 8 * C), lambda i: (0, 0)),
    ],
    out_specs=pl.BlockSpec((PKR, 8 * C), lambda i: (0, 0)),
    out_shape=jax.ShapeDtypeStruct((PKR, 8 * C), jnp.float32),
)


def _kron8(w):
    return jnp.kron(jnp.eye(8, dtype=w.dtype), w)


@jax.jit
def kernel(x, edge_index, W1, b1, W2, b2, Wfc, bfc):
    ei = edge_index.astype(jnp.int32)
    col = ei[1]

    x2 = jnp.pad(x, ((0, NP - N), (0, 0))).reshape(PK, 8 * F)
    dacc = _deg_kernel(col).reshape(NC, PK, 128)
    g1 = _tc1b(_tc1a(x2, _kron8(W1)), dacc)
    acc1 = _prop_kernel(g1.reshape(NP, H), ei).reshape(NC, PK, 128)
    g2 = _tc2(acc1, g1, dacc, _kron8(W2), jnp.tile(b1, 8).reshape(1, 128))
    acc2 = _prop_kernel(g2.reshape(NP, H), ei).reshape(NC, PK, 128)
    out = _tc3(acc2, g2, dacc, _kron8(Wfc), jnp.tile(b2, 8).reshape(1, 128),
               jnp.tile(bfc, 8).reshape(1, 8 * C))
    return out.reshape(N, C)

# --- scband reference (transcript-rebuilt; emitter-appended) ---
"""Pipeline reference for scband-mutation-gnn-87574383165812 (READ-ONLY COPY).

The authoritative reference and input builder live on the scoring server;
editing this copy changes nothing except your own understanding.
"""

import jax, jax.numpy as jnp
import numpy as np

NUM_NODES = 10000
NUM_EDGES = 320000
NUM_FEATURES = 128
HIDDEN_DIM = 16
NUM_CLASSES = 4


def setup_inputs(seed: int = 0) -> dict:
    key = jax.random.key(seed)
    ks = jax.random.split(key, 8)
    x = jax.random.normal(ks[0], (NUM_NODES, NUM_FEATURES), dtype=jnp.float32)
    edge_index = jax.random.randint(ks[1], (2, NUM_EDGES), 0, NUM_NODES, dtype=jnp.int64)
    # GCNConv parameters (glorot-style scaling)
    W1 = jax.random.normal(ks[2], (NUM_FEATURES, HIDDEN_DIM), dtype=jnp.float32) * (1.0 / np.sqrt(NUM_FEATURES))
    b1 = jnp.zeros((HIDDEN_DIM,), dtype=jnp.float32)
    W2 = jax.random.normal(ks[3], (HIDDEN_DIM, HIDDEN_DIM), dtype=jnp.float32) * (1.0 / np.sqrt(HIDDEN_DIM))
    b2 = jnp.zeros((HIDDEN_DIM,), dtype=jnp.float32)
    Wfc = jax.random.normal(ks[4], (HIDDEN_DIM, NUM_CLASSES), dtype=jnp.float32) * (1.0 / np.sqrt(HIDDEN_DIM))
    bfc = jnp.zeros((NUM_CLASSES,), dtype=jnp.float32)
    return {"x": x, "edge_index": edge_index, "W1": W1, "b1": b1, "W2": W2, "b2": b2, "Wfc": Wfc, "bfc": bfc}


def gcn_conv(x, row, col, W, b, num_nodes):
    # x' = D^{-1/2} (A + I) D^{-1/2} X W + b  (PyG GCNConv with add_self_loops=True)
    h = x @ W
    deg = jnp.zeros((num_nodes,), dtype=x.dtype).at[col].add(1.0)
    dinv = jnp.where(deg > 0, jax.lax.rsqrt(deg), 0.0)
    norm = dinv[row] * dinv[col]
    msg = norm[:, None] * jnp.take(h, row, axis=0)
    out = jnp.zeros_like(h).at[col].add(msg)
    return out + b


def reference(x, edge_index, W1, b1, W2, b2, Wfc, bfc):
    num_nodes = x.shape[0]
    loop = jnp.arange(num_nodes, dtype=edge_index.dtype)
    row = jnp.concatenate([edge_index[0], loop])
    col = jnp.concatenate([edge_index[1], loop])
    h = gcn_conv(x, row, col, W1, b1, num_nodes)
    h = jax.nn.relu(h)
    h = gcn_conv(h, row, col, W2, b2, num_nodes)
    h = jax.nn.relu(h)
    out = h @ Wfc + bfc
    return out

if __name__ == "__main__":
    import jax
    _d = setup_inputs()
    print(jax.jit(kernel)(*tuple(_d.values())))

</pallas_src>

<mosaic_0001>
#map = affine_map<(d0, d1) -> (0)>
#map1 = affine_map<(d0, d1) -> (0, 0, 0, 0)>
module attributes {stable_mosaic.version = 14 : i64} {
  func.func @_deg_kernel(%arg0: i32, %arg1: i32, %arg2: memref<320000xi32, #tpu.memory_space<hbm>>, %arg3: memref<2x16x640x16xf32, #tpu.memory_space<hbm>>, %arg4: memref<25x400xi32, #tpu.memory_space<vmem>>, %arg5: memref<400x16xf32, #tpu.memory_space<vmem>>, %arg6: memref<640x16xf32, #tpu.memory_space<vmem>>, %arg7: memref<10240x16xf32, #tpu.memory_space<vmem_shared>>, %arg8: memref<!tpu.dma_semaphore, #tpu.memory_space<semaphore_mem>>) attributes {dimension_semantics = [#tpu.dimension_semantics<core_parallel>, #tpu.dimension_semantics<subcore_parallel>], iteration_bounds = array<i64: 2, 16>, scalar_prefetch = 0 : i64, scratch_operands = 5 : i64, tpu.core_type = #tpu.core_type<sc_vector_subcore>, window_params = [{transform_indices = #map}, {transform_indices = #map1}]} {
    %mul3A = arith.constant 16 : i32
    %mul3A_0 = arith.muli %arg0, %mul3A : i32
    %add3A = arith.addi %mul3A_0, %arg1 : i32
    %broadcast_in_dim3A = arith.constant 1.000000e+00 : f32
    %broadcast_in_dim3A_1 = vector.broadcast %broadcast_in_dim3A : f32 to vector<16xf32>
    %scan3A = arith.constant 0 : i32
    %scan3A_2 = arith.constant 0 : i32
    %scan3A_3 = arith.constant 400 : i32
    %scan3A_4 = arith.addi %scan3A_2, %scan3A_3 : i32
    %scan3A_5 = arith.constant 1 : i32
    scf.for %scan3A_46 = %scan3A_2 to %scan3A_4 step %scan3A_5  : i32 {
      %swap3A = arith.index_cast %scan3A_46 : i32 to index
      %swap3A_47 = arith.constant 0 : index
      %swap3A_48 = tpu.vector_load %arg5[%swap3A, %swap3A_47] {strides = array<i32>} : memref<400x16xf32, #tpu.memory_space<vmem>>, vector<1x16xf32>,
      %swap3A_49 = vector.shape_cast %swap3A_48 : vector<1x16xf32> to vector<16xf32>
      %swap3A_50 = vector.shape_cast %broadcast_in_dim3A_1 : vector<16xf32> to vector<1x16xf32>
      tpu.vector_store %arg5[%swap3A, %swap3A_47], %swap3A_50 {strides = array<i32>} : memref<400x16xf32, #tpu.memory_space<vmem>>, vector<1x16xf32>,
    }
    %scan3A_6 = arith.constant 400 : i32
    %mul3A_7 = arith.constant 10000 : i32
    %mul3A_8 = arith.muli %add3A, %mul3A_7 : i32
    %scan3A_9 = arith.constant 0 : i32
    %scan3A_10 = arith.constant 0 : i32
    %scan3A_11 = arith.constant 25 : i32
    %scan3A_12 = arith.addi %scan3A_10, %scan3A_11 : i32
    %scan3A_13 = arith.constant 1 : i32
    scf.for %scan3A_46 = %scan3A_10 to %scan3A_12 step %scan3A_13  : i32 {
      %mul3A_47 = arith.constant 400 : i32
      %mul3A_48 = arith.muli %scan3A_46, %mul3A_47 : i32
      %add3A_49 = arith.addi %mul3A_8, %mul3A_48 : i32
      %dma_start3A = arith.constant 0 : i32
      %dma_start3A_50 = tpu.memref_slice %arg4[%scan3A_46, %dma_start3A] : memref<25x400xi32, #tpu.memory_space<vmem>> -> memref<1x400xi32, #tpu.memory_space<vmem>>
      %dma_start3A_51 = tpu.memref_squeeze %dma_start3A_50 : memref<1x400xi32, #tpu.memory_space<vmem>> -> memref<400xi32, #tpu.memory_space<vmem>>
      %dma_start3A_52 = tpu.memref_slice %arg2[%add3A_49] : memref<320000xi32, #tpu.memory_space<hbm>> -> memref<400xi32, #tpu.memory_space<hbm>>
      %dma_start3A_53 = arith.constant 0 : i32
      %dma_start3A_54 = tpu.memref_slice %arg4[%scan3A_46, %dma_start3A_53] : memref<25x400xi32, #tpu.memory_space<vmem>> -> memref<1x400xi32, #tpu.memory_space<vmem>>
      %dma_start3A_55 = tpu.memref_squeeze %dma_start3A_54 : memref<1x400xi32, #tpu.memory_space<vmem>> -> memref<400xi32, #tpu.memory_space<vmem>>
      %dma_start3A_56 = tpu.memref_slice %arg2[%add3A_49] : memref<320000xi32, #tpu.memory_space<hbm>> -> memref<400xi32, #tpu.memory_space<hbm>>
      tpu.enqueue_dma source(%dma_start3A_56 : memref<400xi32, #tpu.memory_space<hbm>>) target(%dma_start3A_55 : memref<400xi32, #tpu.memory_space<vmem>>) target_semaphore(%arg8 : memref<!tpu.dma_semaphore, #tpu.memory_space<semaphore_mem>>)
    }
    %scan3A_14 = arith.constant 25 : i32
    %broadcast_in_dim3A_15 = arith.constant 0.000000e+00 : f32
    %broadcast_in_dim3A_16 = vector.broadcast %broadcast_in_dim3A_15 : f32 to vector<16xf32>
    %scan3A_17 = arith.constant 0 : i32
    %scan3A_18 = arith.constant 0 : i32
    %scan3A_19 = arith.constant 640 : i32
    %scan3A_20 = arith.addi %scan3A_18, %scan3A_19 : i32
    %scan3A_21 = arith.constant 1 : i32
    scf.for %scan3A_46 = %scan3A_18 to %scan3A_20 step %scan3A_21  : i32 {
      %swap3A = arith.index_cast %scan3A_46 : i32 to index
      %swap3A_47 = arith.constant 0 : index
      %swap3A_48 = tpu.vector_load %arg6[%swap3A, %swap3A_47] {strides = array<i32>} : memref<640x16xf32, #tpu.memory_space<vmem>>, vector<1x16xf32>,
      %swap3A_49 = vector.shape_cast %swap3A_48 : vector<1x16xf32> to vector<16xf32>
      %swap3A_50 = vector.shape_cast %broadcast_in_dim3A_16 : vector<16xf32> to vector<1x16xf32>
      tpu.vector_store %arg6[%swap3A, %swap3A_47], %swap3A_50 {strides = array<i32>} : memref<640x16xf32, #tpu.memory_space<vmem>>, vector<1x16xf32>,
    }
    %scan3A_22 = arith.constant 640 : i32
    %mul3A_23 = arith.constant 640 : i32
    %mul3A_24 = arith.muli %arg1, %mul3A_23 : i32
    "tpu.region"() ({
      %run_scoped3A = tpu.sem_alloc : memref<!tpu.dma_semaphore, #tpu.memory_space<semaphore_mem>>
      %dma_start3A = arith.constant 0 : i32
      %dma_start3A_46 = tpu.memref_slice %arg7[%mul3A_24, %dma_start3A] : memref<10240x16xf32, #tpu.memory_space<vmem_shared>> -> memref<640x16xf32, #tpu.memory_space<vmem_shared>>
      %dma_start3A_47 = arith.constant 0 : i32
      %dma_start3A_48 = tpu.memref_slice %arg7[%mul3A_24, %dma_start3A_47] : memref<10240x16xf32, #tpu.memory_space<vmem_shared>> -> memref<640x16xf32, #tpu.memory_space<vmem_shared>>
      tpu.enqueue_dma source(%arg6 : memref<640x16xf32, #tpu.memory_space<vmem>>) target(%dma_start3A_48 : memref<640x16xf32, #tpu.memory_space<vmem_shared>>) target_semaphore(%run_scoped3A : memref<!tpu.dma_semaphore, #tpu.memory_space<semaphore_mem>>)
      %dma_wait3A = arith.constant 0 : i32
      %dma_wait3A_49 = tpu.memref_slice %arg7[%mul3A_24, %dma_wait3A] : memref<10240x16xf32, #tpu.memory_space<vmem_shared>> -> memref<640x16xf32, #tpu.memory_space<vmem_shared>>
      %dma_wait3A_50 = arith.constant 0 : i32
      %dma_wait3A_51 = tpu.memref_slice %arg7[%mul3A_24, %dma_wait3A_50] : memref<10240x16xf32, #tpu.memory_space<vmem_shared>> -> memref<640x16xf32, #tpu.memory_space<vmem_shared>>
      tpu.wait_dma2 semaphore(%run_scoped3A : memref<!tpu.dma_semaphore, #tpu.memory_space<semaphore_mem>>) src(%arg6 : memref<640x16xf32, #tpu.memory_space<vmem>>) dst(%dma_wait3A_51 : memref<640x16xf32, #tpu.memory_space<vmem_shared>>)
      tpu.yield
    }) : () -> ()
    %scan3A_25 = arith.constant 0 : i32
    %scan3A_26 = arith.constant 0 : i32
    %scan3A_27 = arith.constant 25 : i32
    %scan3A_28 = arith.addi %scan3A_26, %scan3A_27 : i32
    %scan3A_29 = arith.constant 1 : i32
    scf.for %scan3A_46 = %scan3A_26 to %scan3A_28 step %scan3A_29  : i32 {
      %mul3A_47 = arith.constant 400 : i32
      %mul3A_48 = arith.muli %scan3A_46, %mul3A_47 : i32
      %add3A_49 = arith.addi %mul3A_8, %mul3A_48 : i32
      %dma_wait3A = arith.constant 0 : i32
      %dma_wait3A_50 = tpu.memref_slice %arg4[%scan3A_46, %dma_wait3A] : memref<25x400xi32, #tpu.memory_space<vmem>> -> memref<1x400xi32, #tpu.memory_space<vmem>>
      %dma_wait3A_51 = tpu.memref_squeeze %dma_wait3A_50 : memref<1x400xi32, #tpu.memory_space<vmem>> -> memref<400xi32, #tpu.memory_space<vmem>>
      %dma_wait3A_52 = tpu.memref_slice %arg2[%add3A_49] : memref<320000xi32, #tpu.memory_space<hbm>> -> memref<400xi32, #tpu.memory_space<hbm>>
      %dma_wait3A_53 = arith.constant 0 : i32
      %dma_wait3A_54 = tpu.memref_slice %arg4[%scan3A_46, %dma_wait3A_53] : memref<25x400xi32, #tpu.memory_space<vmem>> -> memref<1x400xi32, #tpu.memory_space<vmem>>
      %dma_wait3A_55 = tpu.memref_squeeze %dma_wait3A_54 : memref<1x400xi32, #tpu.memory_space<vmem>> -> memref<400xi32, #tpu.memory_space<vmem>>
      %dma_wait3A_56 = tpu.memref_slice %arg2[%add3A_49] : memref<320000xi32, #tpu.memory_space<hbm>> -> memref<400xi32, #tpu.memory_space<hbm>>
      tpu.wait_dma2 semaphore(%arg8 : memref<!tpu.dma_semaphore, #tpu.memory_space<semaphore_mem>>) src(%dma_wait3A_56 : memref<400xi32, #tpu.memory_space<hbm>>) dst(%dma_wait3A_55 : memref<400xi32, #tpu.memory_space<vmem>>)
    }
    %scan3A_30 = arith.constant 25 : i32
    %barrier3A = arith.constant 0 : index
    tpu.barrier barrier_id(%barrier3A)
    %scan3A_31 = arith.constant 0 : i32
    %scan3A_32 = arith.constant 0 : i32
    %scan3A_33 = arith.constant 25 : i32
    %scan3A_34 = arith.addi %scan3A_32, %scan3A_33 : i32
    %scan3A_35 = arith.constant 1 : i32
    scf.for %scan3A_46 = %scan3A_32 to %scan3A_34 step %scan3A_35  : i32 {
      %dma_start3A = arith.constant 0 : i32
      %dma_start3A_47 = tpu.memref_slice %arg4[%scan3A_46, %dma_start3A] : memref<25x400xi32, #tpu.memory_space<vmem>> -> memref<1x400xi32, #tpu.memory_space<vmem>>
      %dma_start3A_48 = tpu.memref_squeeze %dma_start3A_47 : memref<1x400xi32, #tpu.memory_space<vmem>> -> memref<400xi32, #tpu.memory_space<vmem>>
      %dma_start3A_49 = arith.constant 0 : i32
      %dma_start3A_50 = arith.constant 0 : i32
      %dma_start3A_51 = tpu.memref_slice %arg7[%dma_start3A_49, %dma_start3A_50] : memref<10240x16xf32, #tpu.memory_space<vmem_shared>> -> memref<10240x16xf32, #tpu.memory_space<vmem_shared>>
      tpu.enqueue_indirect_dma source(%arg5 : memref<400x16xf32, #tpu.memory_space<vmem>>) target(%dma_start3A_51 : memref<10240x16xf32, #tpu.memory_space<vmem_shared>>) offsets(%dma_start3A_48 : memref<400xi32, #tpu.memory_space<vmem>>) semaphore(%arg8 : memref<!tpu.dma_semaphore, #tpu.memory_space<semaphore_mem>>) {add = true}
      %ge3A = arith.constant 8 : i32
      %ge3A_52 = arith.cmpi sge, %scan3A_46, %ge3A : i32
      %convert_element_type3A = arith.extui %ge3A_52 : i1 to i32
      %cond3A = arith.constant 0 : i32
      %cond3A_53 = arith.cmpi ne, %convert_element_type3A, %cond3A : i32
      scf.if %cond3A_53 {
        %sub3A = arith.constant 8 : i32
        %sub3A_54 = arith.subi %scan3A_46, %sub3A : i32
        %dma_wait3A = arith.constant 0 : i32
        %dma_wait3A_55 = tpu.memref_slice %arg4[%sub3A_54, %dma_wait3A] : memref<25x400xi32, #tpu.memory_space<vmem>> -> memref<1x400xi32, #tpu.memory_space<vmem>>
        %dma_wait3A_56 = tpu.memref_squeeze %dma_wait3A_55 : memref<1x400xi32, #tpu.memory_space<vmem>> -> memref<400xi32, #tpu.memory_space<vmem>>
        %dma_wait3A_57 = arith.constant 0 : i32
        %dma_wait3A_58 = arith.constant 0 : i32
        %dma_wait3A_59 = tpu.memref_slice %arg7[%dma_wait3A_57, %dma_wait3A_58] : memref<10240x16xf32, #tpu.memory_space<vmem_shared>> -> memref<10240x16xf32, #tpu.memory_space<vmem_shared>>
        tpu.wait_indirect_dma semaphore(%arg8 : memref<!tpu.dma_semaphore, #tpu.memory_space<semaphore_mem>>) src(%arg5 : memref<400x16xf32, #tpu.memory_space<vmem>>) dst(%dma_wait3A_59 : memref<10240x16xf32, #tpu.memory_space<vmem_shared>>)
      } else {
      }
    }
    %scan3A_36 = arith.constant 25 : i32
    %scan3A_37 = arith.constant 0 : i32
    %scan3A_38 = arith.constant 0 : i32
    %scan3A_39 = arith.constant 8 : i32
    %scan3A_40 = arith.addi %scan3A_38, %scan3A_39 : i32
    %scan3A_41 = arith.constant 1 : i32
    scf.for %scan3A_46 = %scan3A_38 to %scan3A_40 step %scan3A_41  : i32 {
      %add3A_47 = arith.constant 17 : i32
      %add3A_48 = arith.addi %add3A_47, %scan3A_46 : i32
      %dma_wait3A = arith.constant 0 : i32
      %dma_wait3A_49 = tpu.memref_slice %arg4[%add3A_48, %dma_wait3A] : memref<25x400xi32, #tpu.memory_space<vmem>> -> memref<1x400xi32, #tpu.memory_space<vmem>>
      %dma_wait3A_50 = tpu.memref_squeeze %dma_wait3A_49 : memref<1x400xi32, #tpu.memory_space<vmem>> -> memref<400xi32, #tpu.memory_space<vmem>>
      %dma_wait3A_51 = arith.constant 0 : i32
      %dma_wait3A_52 = arith.constant 0 : i32
      %dma_wait3A_53 = tpu.memref_slice %arg7[%dma_wait3A_51, %dma_wait3A_52] : memref<10240x16xf32, #tpu.memory_space<vmem_shared>> -> memref<10240x16xf32, #tpu.memory_space<vmem_shared>>
      tpu.wait_indirect_dma semaphore(%arg8 : memref<!tpu.dma_semaphore, #tpu.memory_space<semaphore_mem>>) src(%arg5 : memref<400x16xf32, #tpu.memory_space<vmem>>) dst(%dma_wait3A_53 : memref<10240x16xf32, #tpu.memory_space<vmem_shared>>)
    }
    %scan3A_42 = arith.constant 8 : i32
    %barrier3A_43 = arith.constant 0 : index
    tpu.barrier barrier_id(%barrier3A_43)
    %mul3A_44 = arith.constant 640 : i32
    %mul3A_45 = arith.muli %arg1, %mul3A_44 : i32
    "tpu.region"() ({
      %run_scoped3A = tpu.sem_alloc : memref<!tpu.dma_semaphore, #tpu.memory_space<semaphore_mem>>
      %dma_start3A = arith.constant 0 : i32
      %dma_start3A_46 = tpu.memref_slice %arg7[%mul3A_45, %dma_start3A] : memref<10240x16xf32, #tpu.memory_space<vmem_shared>> -> memref<640x16xf32, #tpu.memory_space<vmem_shared>>
      %dma_start3A_47 = arith.constant 0 : i32
      %dma_start3A_48 = tpu.memref_slice %arg7[%mul3A_45, %dma_start3A_47] : memref<10240x16xf32, #tpu.memory_space<vmem_shared>> -> memref<640x16xf32, #tpu.memory_space<vmem_shared>>
      tpu.enqueue_dma source(%dma_start3A_48 : memref<640x16xf32, #tpu.memory_space<vmem_shared>>) target(%arg6 : memref<640x16xf32, #tpu.memory_space<vmem>>) target_semaphore(%run_scoped3A : memref<!tpu.dma_semaphore, #tpu.memory_space<semaphore_mem>>)
      %dma_wait3A = arith.constant 0 : i32
      %dma_wait3A_49 = tpu.memref_slice %arg7[%mul3A_45, %dma_wait3A] : memref<10240x16xf32, #tpu.memory_space<vmem_shared>> -> memref<640x16xf32, #tpu.memory_space<vmem_shared>>
      %dma_wait3A_50 = arith.constant 0 : i32
      %dma_wait3A_51 = tpu.memref_slice %arg7[%mul3A_45, %dma_wait3A_50] : memref<10240x16xf32, #tpu.memory_space<vmem_shared>> -> memref<640x16xf32, #tpu.memory_space<vmem_shared>>
      tpu.wait_dma2 semaphore(%run_scoped3A : memref<!tpu.dma_semaphore, #tpu.memory_space<semaphore_mem>>) src(%dma_wait3A_51 : memref<640x16xf32, #tpu.memory_space<vmem_shared>>) dst(%arg6 : memref<640x16xf32, #tpu.memory_space<vmem>>)
      tpu.yield
    }) : () -> ()
    "tpu.region"() ({
      %run_scoped3A = tpu.sem_alloc : memref<!tpu.dma_semaphore, #tpu.memory_space<semaphore_mem>>
      %dma_start3A = arith.constant 0 : i32
      %dma_start3A_46 = arith.constant 0 : i32
      %dma_start3A_47 = tpu.memref_slice %arg3[%arg0, %arg1, %dma_start3A, %dma_start3A_46] : memref<2x16x640x16xf32, #tpu.memory_space<hbm>> -> memref<1x1x640x16xf32, #tpu.memory_space<hbm>>
      %dma_start3A_48 = tpu.memref_squeeze %dma_start3A_47 : memref<1x1x640x16xf32, #tpu.memory_space<hbm>> -> memref<640x16xf32, #tpu.memory_space<hbm>>
      %dma_start3A_49 = arith.constant 0 : i32
      %dma_start3A_50 = arith.constant 0 : i32
      %dma_start3A_51 = tpu.memref_slice %arg3[%arg0, %arg1, %dma_start3A_49, %dma_start3A_50] : memref<2x16x640x16xf32, #tpu.memory_space<hbm>> -> memref<1x1x640x16xf32, #tpu.memory_space<hbm>>
      %dma_start3A_52 = tpu.memref_squeeze %dma_start3A_51 : memref<1x1x640x16xf32, #tpu.memory_space<hbm>> -> memref<640x16xf32, #tpu.memory_space<hbm>>
      tpu.enqueue_dma source(%arg6 : memref<640x16xf32, #tpu.memory_space<vmem>>) target(%dma_start3A_52 : memref<640x16xf32, #tpu.memory_space<hbm>>) target_semaphore(%run_scoped3A : memref<!tpu.dma_semaphore, #tpu.memory_space<semaphore_mem>>)
      %dma_wait3A = arith.constant 0 : i32
      %dma_wait3A_53 = arith.constant 0 : i32
      %dma_wait3A_54 = tpu.memref_slice %arg3[%arg0, %arg1, %dma_wait3A, %dma_wait3A_53] : memref<2x16x640x16xf32, #tpu.memory_space<hbm>> -> memref<1x1x640x16xf32, #tpu.memory_space<hbm>>
      %dma_wait3A_55 = tpu.memref_squeeze %dma_wait3A_54 : memref<1x1x640x16xf32, #tpu.memory_space<hbm>> -> memref<640x16xf32, #tpu.memory_space<hbm>>
      %dma_wait3A_56 = arith.constant 0 : i32
      %dma_wait3A_57 = arith.constant 0 : i32
      %dma_wait3A_58 = tpu.memref_slice %arg3[%arg0, %arg1, %dma_wait3A_56, %dma_wait3A_57] : memref<2x16x640x16xf32, #tpu.memory_space<hbm>> -> memref<1x1x640x16xf32, #tpu.memory_space<hbm>>
      %dma_wait3A_59 = tpu.memref_squeeze %dma_wait3A_58 : memref<1x1x640x16xf32, #tpu.memory_space<hbm>> -> memref<640x16xf32, #tpu.memory_space<hbm>>
      tpu.wait_dma2 semaphore(%run_scoped3A : memref<!tpu.dma_semaphore, #tpu.memory_space<semaphore_mem>>) src(%arg6 : memref<640x16xf32, #tpu.memory_space<vmem>>) dst(%dma_wait3A_59 : memref<640x16xf32, #tpu.memory_space<hbm>>)
      tpu.yield
    }) : () -> ()
    return
  }
}

#map = affine_map<(d0, d1) -> (0, 0)>
#map1 = affine_map<(d0, d1) -> (0, 0, 0, 0)>
module attributes {stable_mosaic.version = 14 : i64} {
  func.func @_prop_kernel(%arg0: i32, %arg1: i32, %arg2: memref<10240x16xf32, #tpu.memory_space<hbm>>, %arg3: memref<2x320000xi32, #tpu.memory_space<hbm>>, %arg4: memref<2x16x640x16xf32, #tpu.memory_space<hbm>>, %arg5: memref<25x400xi32, #tpu.memory_space<vmem>>, %arg6: memref<25x400xi32, #tpu.memory_space<vmem>>, %arg7: memref<400x16xf32, #tpu.memory_space<vmem>>, %arg8: memref<400x16xf32, #tpu.memory_space<vmem>>, %arg9: memref<400x16xf32, #tpu.memory_space<vmem>>, %arg10: memref<400x16xf32, #tpu.memory_space<vmem>>, %arg11: memref<400x16xf32, #tpu.memory_space<vmem>>, %arg12: memref<640x16xf32, #tpu.memory_space<vmem>>, %arg13: memref<10240x16xf32, #tpu.memory_space<vmem_shared>>, %arg14: memref<!tpu.dma_semaphore, #tpu.memory_space<semaphore_mem>>, %arg15: memref<!tpu.dma_semaphore, #tpu.memory_space<semaphore_mem>>) attributes {dimension_semantics = [#tpu.dimension_semantics<core_parallel>, #tpu.dimension_semantics<subcore_parallel>], iteration_bounds = array<i64: 2, 16>, scalar_prefetch = 0 : i64, scratch_operands = 11 : i64, tpu.core_type = #tpu.core_type<sc_vector_subcore>, window_params = [{transform_indices = #map}, {transform_indices = #map}, {transform_indices = #map1}]} {
    %mul3A = arith.constant 16 : i32
    %mul3A_0 = arith.muli %arg0, %mul3A : i32
    %add3A = arith.addi %mul3A_0, %arg1 : i32
    %mul3A_1 = arith.constant 10000 : i32
    %mul3A_2 = arith.muli %add3A, %mul3A_1 : i32
    %scan3A = arith.constant 0 : i32
    %scan3A_3 = arith.constant 0 : i32
    %scan3A_4 = arith.constant 25 : i32
    %scan3A_5 = arith.addi %scan3A_3, %scan3A_4 : i32
    %scan3A_6 = arith.constant 1 : i32
    scf.for %scan3A_65 = %scan3A_3 to %scan3A_5 step %scan3A_6  : i32 {
      %mul3A_66 = arith.constant 400 : i32
      %mul3A_67 = arith.muli %scan3A_65, %mul3A_66 : i32
      %add3A_68 = arith.addi %mul3A_2, %mul3A_67 : i32
      %dma_start3A_69 = arith.constant 0 : i32
      %dma_start3A_70 = arith.constant 0 : i32
      %dma_start3A_71 = tpu.memref_slice %arg5[%scan3A_65, %dma_start3A_70] : memref<25x400xi32, #tpu.memory_space<vmem>> -> memref<1x400xi32, #tpu.memory_space<vmem>>
      %dma_start3A_72 = tpu.memref_squeeze %dma_start3A_71 : memref<1x400xi32, #tpu.memory_space<vmem>> -> memref<400xi32, #tpu.memory_space<vmem>>
      %dma_start3A_73 = tpu.memref_slice %arg3[%dma_start3A_69, %add3A_68] : memref<2x320000xi32, #tpu.memory_space<hbm>> -> memref<1x400xi32, #tpu.memory_space<hbm>>
      %dma_start3A_74 = tpu.memref_squeeze %dma_start3A_73 : memref<1x400xi32, #tpu.memory_space<hbm>> -> memref<400xi32, #tpu.memory_space<hbm>>
      %dma_start3A_75 = arith.constant 0 : i32
      %dma_start3A_76 = tpu.memref_slice %arg5[%scan3A_65, %dma_start3A_75] : memref<25x400xi32, #tpu.memory_space<vmem>> -> memref<1x400xi32, #tpu.memory_space<vmem>>
      %dma_start3A_77 = tpu.memref_squeeze %dma_start3A_76 : memref<1x400xi32, #tpu.memory_space<vmem>> -> memref<400xi32, #tpu.memory_space<vmem>>
      %dma_start3A_78 = tpu.memref_slice %arg3[%dma_start3A_69, %add3A_68] : memref<2x320000xi32, #tpu.memory_space<hbm>> -> memref<1x400xi32, #tpu.memory_space<hbm>>
      %dma_start3A_79 = tpu.memref_squeeze %dma_start3A_78 : memref<1x400xi32, #tpu.memory_space<hbm>> -> memref<400xi32, #tpu.memory_space<hbm>>
      tpu.enqueue_dma source(%dma_start3A_79 : memref<400xi32, #tpu.memory_space<hbm>>) target(%dma_start3A_77 : memref<400xi32, #tpu.memory_space<vmem>>) target_semaphore(%arg14 : memref<!tpu.dma_semaphore, #tpu.memory_space<semaphore_mem>>)
      %mul3A_80 = arith.constant 400 : i32
      %mul3A_81 = arith.muli %scan3A_65, %mul3A_80 : i32
      %add3A_82 = arith.addi %mul3A_2, %mul3A_81 : i32
      %dma_start3A_83 = arith.constant 1 : i32
      %dma_start3A_84 = arith.constant 0 : i32
      %dma_start3A_85 = tpu.memref_slice %arg6[%scan3A_65, %dma_start3A_84] : memref<25x400xi32, #tpu.memory_space<vmem>> -> memref<1x400xi32, #tpu.memory_space<vmem>>
      %dma_start3A_86 = tpu.memref_squeeze %dma_start3A_85 : memref<1x400xi32, #tpu.memory_space<vmem>> -> memref<400xi32, #tpu.memory_space<vmem>>
      %dma_start3A_87 = tpu.memref_slice %arg3[%dma_start3A_83, %add3A_82] : memref<2x320000xi32, #tpu.memory_space<hbm>> -> memref<1x400xi32, #tpu.memory_space<hbm>>
      %dma_start3A_88 = tpu.memref_squeeze %dma_start3A_87 : memref<1x400xi32, #tpu.memory_space<hbm>> -> memref<400xi32, #tpu.memory_space<hbm>>
      %dma_start3A_89 = arith.constant 0 : i32
      %dma_start3A_90 = tpu.memref_slice %arg6[%scan3A_65, %dma_start3A_89] : memref<25x400xi32, #tpu.memory_space<vmem>> -> memref<1x400xi32, #tpu.memory_space<vmem>>
      %dma_start3A_91 = tpu.memref_squeeze %dma_start3A_90 : memref<1x400xi32, #tpu.memory_space<vmem>> -> memref<400xi32, #tpu.memory_space<vmem>>
      %dma_start3A_92 = tpu.memref_slice %arg3[%dma_start3A_83, %add3A_82] : memref<2x320000xi32, #tpu.memory_space<hbm>> -> memref<1x400xi32, #tpu.memory_space<hbm>>
      %dma_start3A_93 = tpu.memref_squeeze %dma_start3A_92 : memref<1x400xi32, #tpu.memory_space<hbm>> -> memref<400xi32, #tpu.memory_space<hbm>>
      tpu.enqueue_dma source(%dma_start3A_93 : memref<400xi32, #tpu.memory_space<hbm>>) target(%dma_start3A_91 : memref<400xi32, #tpu.memory_space<vmem>>) target_semaphore(%arg14 : memref<!tpu.dma_semaphore, #tpu.memory_space<semaphore_mem>>)
    }
    %scan3A_7 = arith.constant 25 : i32
    %broadcast_in_dim3A = arith.constant 0.000000e+00 : f32
    %broadcast_in_dim3A_8 = vector.broadcast %broadcast_in_dim3A : f32 to vector<16xf32>
    %scan3A_9 = arith.constant 0 : i32
    %scan3A_10 = arith.constant 0 : i32
    %scan3A_11 = arith.constant 640 : i32
    %scan3A_12 = arith.addi %scan3A_10, %scan3A_11 : i32
    %scan3A_13 = arith.constant 1 : i32
    scf.for %scan3A_65 = %scan3A_10 to %scan3A_12 step %scan3A_13  : i32 {
      %swap3A = arith.index_cast %scan3A_65 : i32 to index
      %swap3A_66 = arith.constant 0 : index
      %swap3A_67 = tpu.vector_load %arg12[%swap3A, %swap3A_66] {strides = array<i32>} : memref<640x16xf32, #tpu.memory_space<vmem>>, vector<1x16xf32>,
      %swap3A_68 = vector.shape_cast %swap3A_67 : vector<1x16xf32> to vector<16xf32>
      %swap3A_69 = vector.shape_cast %broadcast_in_dim3A_8 : vector<16xf32> to vector<1x16xf32>
      tpu.vector_store %arg12[%swap3A, %swap3A_66], %swap3A_69 {strides = array<i32>} : memref<640x16xf32, #tpu.memory_space<vmem>>, vector<1x16xf32>,
    }
    %scan3A_14 = arith.constant 640 : i32
    %mul3A_15 = arith.constant 640 : i32
    %mul3A_16 = arith.muli %arg1, %mul3A_15 : i32
    "tpu.region"() ({
      %run_scoped3A = tpu.sem_alloc : memref<!tpu.dma_semaphore, #tpu.memory_space<semaphore_mem>>
      %dma_start3A_65 = arith.constant 0 : i32
      %dma_start3A_66 = tpu.memref_slice %arg13[%mul3A_16, %dma_start3A_65] : memref<10240x16xf32, #tpu.memory_space<vmem_shared>> -> memref<640x16xf32, #tpu.memory_space<vmem_shared>>
      %dma_start3A_67 = arith.constant 0 : i32
      %dma_start3A_68 = tpu.memref_slice %arg13[%mul3A_16, %dma_start3A_67] : memref<10240x16xf32, #tpu.memory_space<vmem_shared>> -> memref<640x16xf32, #tpu.memory_space<vmem_shared>>
      tpu.enqueue_dma source(%arg12 : memref<640x16xf32, #tpu.memory_space<vmem>>) target(%dma_start3A_68 : memref<640x16xf32, #tpu.memory_space<vmem_shared>>) target_semaphore(%run_scoped3A : memref<!tpu.dma_semaphore, #tpu.memory_space<semaphore_mem>>)
      %dma_wait3A_69 = arith.constant 0 : i32
      %dma_wait3A_70 = tpu.memref_slice %arg13[%mul3A_16, %dma_wait3A_69] : memref<10240x16xf32, #tpu.memory_space<vmem_shared>> -> memref<640x16xf32, #tpu.memory_space<vmem_shared>>
      %dma_wait3A_71 = arith.constant 0 : i32
      %dma_wait3A_72 = tpu.memref_slice %arg13[%mul3A_16, %dma_wait3A_71] : memref<10240x16xf32, #tpu.memory_space<vmem_shared>> -> memref<640x16xf32, #tpu.memory_space<vmem_shared>>
      tpu.wait_dma2 semaphore(%run_scoped3A : memref<!tpu.dma_semaphore, #tpu.memory_space<semaphore_mem>>) src(%arg12 : memref<640x16xf32, #tpu.memory_space<vmem>>) dst(%dma_wait3A_72 : memref<640x16xf32, #tpu.memory_space<vmem_shared>>)
      tpu.yield
    }) : () -> ()
    %scan3A_17 = arith.constant 0 : i32
    %scan3A_18 = arith.constant 0 : i32
    %scan3A_19 = arith.constant 25 : i32
    %scan3A_20 = arith.addi %scan3A_18, %scan3A_19 : i32
    %scan3A_21 = arith.constant 1 : i32
    scf.for %scan3A_65 = %scan3A_18 to %scan3A_20 step %scan3A_21  : i32 {
      %mul3A_66 = arith.constant 400 : i32
      %mul3A_67 = arith.muli %scan3A_65, %mul3A_66 : i32
      %add3A_68 = arith.addi %mul3A_2, %mul3A_67 : i32
      %dma_wait3A_69 = arith.constant 0 : i32
      %dma_wait3A_70 = arith.constant 0 : i32
      %dma_wait3A_71 = tpu.memref_slice %arg5[%scan3A_65, %dma_wait3A_70] : memref<25x400xi32, #tpu.memory_space<vmem>> -> memref<1x400xi32, #tpu.memory_space<vmem>>
      %dma_wait3A_72 = tpu.memref_squeeze %dma_wait3A_71 : memref<1x400xi32, #tpu.memory_space<vmem>> -> memref<400xi32, #tpu.memory_space<vmem>>
      %dma_wait3A_73 = tpu.memref_slice %arg3[%dma_wait3A_69, %add3A_68] : memref<2x320000xi32, #tpu.memory_space<hbm>> -> memref<1x400xi32, #tpu.memory_space<hbm>>
      %dma_wait3A_74 = tpu.memref_squeeze %dma_wait3A_73 : memref<1x400xi32, #tpu.memory_space<hbm>> -> memref<400xi32, #tpu.memory_space<hbm>>
      %dma_wait3A_75 = arith.constant 0 : i32
      %dma_wait3A_76 = tpu.memref_slice %arg5[%scan3A_65, %dma_wait3A_75] : memref<25x400xi32, #tpu.memory_space<vmem>> -> memref<1x400xi32, #tpu.memory_space<vmem>>
      %dma_wait3A_77 = tpu.memref_squeeze %dma_wait3A_76 : memref<1x400xi32, #tpu.memory_space<vmem>> -> memref<400xi32, #tpu.memory_space<vmem>>
      %dma_wait3A_78 = tpu.memref_slice %arg3[%dma_wait3A_69, %add3A_68] : memref<2x320000xi32, #tpu.memory_space<hbm>> -> memref<1x400xi32, #tpu.memory_space<hbm>>
      %dma_wait3A_79 = tpu.memref_squeeze %dma_wait3A_78 : memref<1x400xi32, #tpu.memory_space<hbm>> -> memref<400xi32, #tpu.memory_space<hbm>>
      tpu.wait_dma2 semaphore(%arg14 : memref<!tpu.dma_semaphore, #tpu.memory_space<semaphore_mem>>) src(%dma_wait3A_79 : memref<400xi32, #tpu.memory_space<hbm>>) dst(%dma_wait3A_77 : memref<400xi32, #tpu.memory_space<vmem>>)
      %mul3A_80 = arith.constant 400 : i32
      %mul3A_81 = arith.muli %scan3A_65, %mul3A_80 : i32
      %add3A_82 = arith.addi %mul3A_2, %mul3A_81 : i32
      %dma_wait3A_83 = arith.constant 1 : i32
      %dma_wait3A_84 = arith.constant 0 : i32
      %dma_wait3A_85 = tpu.memref_slice %arg6[%scan3A_65, %dma_wait3A_84] : memref<25x400xi32, #tpu.memory_space<vmem>> -> memref<1x400xi32, #tpu.memory_space<vmem>>
      %dma_wait3A_86 = tpu.memref_squeeze %dma_wait3A_85 : memref<1x400xi32, #tpu.memory_space<vmem>> -> memref<400xi32, #tpu.memory_space<vmem>>
      %dma_wait3A_87 = tpu.memref_slice %arg3[%dma_wait3A_83, %add3A_82] : memref<2x320000xi32, #tpu.memory_space<hbm>> -> memref<1x400xi32, #tpu.memory_space<hbm>>
      %dma_wait3A_88 = tpu.memref_squeeze %dma_wait3A_87 : memref<1x400xi32, #tpu.memory_space<hbm>> -> memref<400xi32, #tpu.memory_space<hbm>>
      %dma_wait3A_89 = arith.constant 0 : i32
      %dma_wait3A_90 = tpu.memref_slice %arg6[%scan3A_65, %dma_wait3A_89] : memref<25x400xi32, #tpu.memory_space<vmem>> -> memref<1x400xi32, #tpu.memory_space<vmem>>
      %dma_wait3A_91 = tpu.memref_squeeze %dma_wait3A_90 : memref<1x400xi32, #tpu.memory_space<vmem>> -> memref<400xi32, #tpu.memory_space<vmem>>
      %dma_wait3A_92 = tpu.memref_slice %arg3[%dma_wait3A_83, %add3A_82] : memref<2x320000xi32, #tpu.memory_space<hbm>> -> memref<1x400xi32, #tpu.memory_space<hbm>>
      %dma_wait3A_93 = tpu.memref_squeeze %dma_wait3A_92 : memref<1x400xi32, #tpu.memory_space<hbm>> -> memref<400xi32, #tpu.memory_space<hbm>>
      tpu.wait_dma2 semaphore(%arg14 : memref<!tpu.dma_semaphore, #tpu.memory_space<semaphore_mem>>) src(%dma_wait3A_93 : memref<400xi32, #tpu.memory_space<hbm>>) dst(%dma_wait3A_91 : memref<400xi32, #tpu.memory_space<vmem>>)
    }
    %scan3A_22 = arith.constant 25 : i32
    %barrier3A = arith.constant 0 : index
    tpu.barrier barrier_id(%barrier3A)
    %dma_start3A = arith.constant 0 : i32
    %dma_start3A_23 = arith.constant 0 : i32
    %dma_start3A_24 = tpu.memref_slice %arg5[%dma_start3A, %dma_start3A_23] : memref<25x400xi32, #tpu.memory_space<vmem>> -> memref<1x400xi32, #tpu.memory_space<vmem>>
    %dma_start3A_25 = tpu.memref_squeeze %dma_start3A_24 : memref<1x400xi32, #tpu.memory_space<vmem>> -> memref<400xi32, #tpu.memory_space<vmem>>
    %dma_start3A_26 = arith.constant 0 : i32
    %dma_start3A_27 = arith.constant 0 : i32
    %dma_start3A_28 = tpu.memref_slice %arg2[%dma_start3A_26, %dma_start3A_27] : memref<10240x16xf32, #tpu.memory_space<hbm>> -> memref<10240x16xf32, #tpu.memory_space<hbm>>
    tpu.enqueue_indirect_dma source(%dma_start3A_28 : memref<10240x16xf32, #tpu.memory_space<hbm>>) target(%arg7 : memref<400x16xf32, #tpu.memory_space<vmem>>) offsets(%dma_start3A_25 : memref<400xi32, #tpu.memory_space<vmem>>) semaphore(%arg14 : memref<!tpu.dma_semaphore, #tpu.memory_space<semaphore_mem>>)
    %dma_start3A_29 = arith.constant 1 : i32
    %dma_start3A_30 = arith.constant 0 : i32
    %dma_start3A_31 = tpu.memref_slice %arg5[%dma_start3A_29, %dma_start3A_30] : memref<25x400xi32, #tpu.memory_space<vmem>> -> memref<1x400xi32, #tpu.memory_space<vmem>>
    %dma_start3A_32 = tpu.memref_squeeze %dma_start3A_31 : memref<1x400xi32, #tpu.memory_space<vmem>> -> memref<400xi32, #tpu.memory_space<vmem>>
    %dma_start3A_33 = arith.constant 0 : i32
    %dma_start3A_34 = arith.constant 0 : i32
    %dma_start3A_35 = tpu.memref_slice %arg2[%dma_start3A_33, %dma_start3A_34] : memref<10240x16xf32, #tpu.memory_space<hbm>> -> memref<10240x16xf32, #tpu.memory_space<hbm>>
    tpu.enqueue_indirect_dma source(%dma_start3A_35 : memref<10240x16xf32, #tpu.memory_space<hbm>>) target(%arg8 : memref<400x16xf32, #tpu.memory_space<vmem>>) offsets(%dma_start3A_32 : memref<400xi32, #tpu.memory_space<vmem>>) semaphore(%arg14 : memref<!tpu.dma_semaphore, #tpu.memory_space<semaphore_mem>>)
    %dma_start3A_36 = arith.constant 2 : i32
    %dma_start3A_37 = arith.constant 0 : i32
    %dma_start3A_38 = tpu.memref_slice %arg5[%dma_start3A_36, %dma_start3A_37] : memref<25x400xi32, #tpu.memory_space<vmem>> -> memref<1x400xi32, #tpu.memory_space<vmem>>
    %dma_start3A_39 = tpu.memref_squeeze %dma_start3A_38 : memref<1x400xi32, #tpu.memory_space<vmem>> -> memref<400xi32, #tpu.memory_space<vmem>>
    %dma_start3A_40 = arith.constant 0 : i32
    %dma_start3A_41 = arith.constant 0 : i32
    %dma_start3A_42 = tpu.memref_slice %arg2[%dma_start3A_40, %dma_start3A_41] : memref<10240x16xf32, #tpu.memory_space<hbm>> -> memref<10240x16xf32, #tpu.memory_space<hbm>>
    tpu.enqueue_indirect_dma source(%dma_start3A_42 : memref<10240x16xf32, #tpu.memory_space<hbm>>) target(%arg9 : memref<400x16xf32, #tpu.memory_space<vmem>>) offsets(%dma_start3A_39 : memref<400xi32, #tpu.memory_space<vmem>>) semaphore(%arg14 : memref<!tpu.dma_semaphore, #tpu.memory_space<semaphore_mem>>)
    %dma_start3A_43 = arith.constant 3 : i32
    %dma_start3A_44 = arith.constant 0 : i32
    %dma_start3A_45 = tpu.memref_slice %arg5[%dma_start3A_43, %dma_start3A_44] : memref<25x400xi32, #tpu.memory_space<vmem>> -> memref<1x400xi32, #tpu.memory_space<vmem>>
    %dma_start3A_46 = tpu.memref_squeeze %dma_start3A_45 : memref<1x400xi32, #tpu.memory_space<vmem>> -> memref<400xi32, #tpu.memory_space<vmem>>
    %dma_start3A_47 = arith.constant 0 : i32
    %dma_start3A_48 = arith.constant 0 : i32
    %dma_start3A_49 = tpu.memref_slice %arg2[%dma_start3A_47, %dma_start3A_48] : memref<10240x16xf32, #tpu.memory_space<hbm>> -> memref<10240x16xf32, #tpu.memory_space<hbm>>
    tpu.enqueue_indirect_dma source(%dma_start3A_49 : memref<10240x16xf32, #tpu.memory_space<hbm>>) target(%arg10 : memref<400x16xf32, #tpu.memory_space<vmem>>) offsets(%dma_start3A_46 : memref<400xi32, #tpu.memory_space<vmem>>) semaphore(%arg14 : memref<!tpu.dma_semaphore, #tpu.memory_space<semaphore_mem>>)
    %scan3A_50 = arith.constant 0 : i32
    %scan3A_51 = arith.constant 0 : i32
    %scan3A_52 = arith.constant 5 : i32
    %scan3A_53 = arith.addi %scan3A_51, %scan3A_52 : i32
    %scan3A_54 = arith.constant 1 : i32
    scf.for %scan3A_65 = %scan3A_51 to %scan3A_53 step %scan3A_54  : i32 {
      %mul3A_66 = arith.constant 5 : i32
      %mul3A_67 = arith.muli %scan3A_65, %mul3A_66 : i32
      %add3A_68 = arith.constant 0 : i32
      %add3A_69 = arith.addi %mul3A_67, %add3A_68 : i32
      %ge3A = arith.constant 1 : i32
      %ge3A_70 = arith.cmpi sge, %add3A_69, %ge3A : i32
      %convert_element_type3A = arith.extui %ge3A_70 : i1 to i32
      %cond3A = arith.constant 0 : i32
      %cond3A_71 = arith.cmpi ne, %convert_element_type3A, %cond3A : i32
      scf.if %cond3A_71 {
        %sub3A_213 = arith.constant 1 : i32
        %sub3A_214 = arith.subi %add3A_69, %sub3A_213 : i32
        %dma_wait3A_215 = arith.constant 0 : i32
        %dma_wait3A_216 = tpu.memref_slice %arg6[%sub3A_214, %dma_wait3A_215] : memref<25x400xi32, #tpu.memory_space<vmem>> -> memref<1x400xi32, #tpu.memory_space<vmem>>
        %dma_wait3A_217 = tpu.memref_squeeze %dma_wait3A_216 : memref<1x400xi32, #tpu.memory_space<vmem>> -> memref<400xi32, #tpu.memory_space<vmem>>
        %dma_wait3A_218 = arith.constant 0 : i32
        %dma_wait3A_219 = arith.constant 0 : i32
        %dma_wait3A_220 = tpu.memref_slice %arg13[%dma_wait3A_218, %dma_wait3A_219] : memref<10240x16xf32, #tpu.memory_space<vmem_shared>> -> memref<10240x16xf32, #tpu.memory_space<vmem_shared>>
        tpu.wait_indirect_dma semaphore(%arg15 : memref<!tpu.dma_semaphore, #tpu.memory_space<semaphore_mem>>) src(%arg11 : memref<400x16xf32, #tpu.memory_space<vmem>>) dst(%dma_wait3A_220 : memref<10240x16xf32, #tpu.memory_space<vmem_shared>>)
      } else {
      }
      %add3A_72 = arith.constant 4 : i32
      %add3A_73 = arith.addi %add3A_69, %add3A_72 : i32
      %lt3A = arith.constant 25 : i32
      %lt3A_74 = arith.cmpi slt, %add3A_73, %lt3A : i32
      %convert_element_type3A_75 = arith.extui %lt3A_74 : i1 to i32
      %cond3A_76 = arith.constant 0 : i32
      %cond3A_77 = arith.cmpi ne, %convert_element_type3A_75, %cond3A_76 : i32
      scf.if %cond3A_77 {
        %add3A_213 = arith.constant 4 : i32
        %add3A_214 = arith.addi %add3A_69, %add3A_213 : i32
        %dma_start3A_215 = arith.constant 0 : i32
        %dma_start3A_216 = tpu.memref_slice %arg5[%add3A_214, %dma_start3A_215] : memref<25x400xi32, #tpu.memory_space<vmem>> -> memref<1x400xi32, #tpu.memory_space<vmem>>
        %dma_start3A_217 = tpu.memref_squeeze %dma_start3A_216 : memref<1x400xi32, #tpu.memory_space<vmem>> -> memref<400xi32, #tpu.memory_space<vmem>>
        %dma_start3A_218 = arith.constant 0 : i32
        %dma_start3A_219 = arith.constant 0 : i32
        %dma_start3A_220 = tpu.memref_slice %arg2[%dma_start3A_218, %dma_start3A_219] : memref<10240x16xf32, #tpu.memory_space<hbm>> -> memref<10240x16xf32, #tpu.memory_space<hbm>>
        tpu.enqueue_indirect_dma source(%dma_start3A_220 : memref<10240x16xf32, #tpu.memory_space<hbm>>) target(%arg11 : memref<400x16xf32, #tpu.memory_space<vmem>>) offsets(%dma_start3A_217 : memref<400xi32, #tpu.memory_space<vmem>>) semaphore(%arg14 : memref<!tpu.dma_semaphore, #tpu.memory_space<semaphore_mem>>)
      } else {
      }
      %dma_wait3A_78 = arith.constant 0 : i32
      %dma_wait3A_79 = tpu.memref_slice %arg5[%add3A_69, %dma_wait3A_78] : memref<25x400xi32, #tpu.memory_space<vmem>> -> memref<1x400xi32, #tpu.memory_space<vmem>>
      %dma_wait3A_80 = tpu.memref_squeeze %dma_wait3A_79 : memref<1x400xi32, #tpu.memory_space<vmem>> -> memref<400xi32, #tpu.memory_space<vmem>>
      %dma_wait3A_81 = arith.constant 0 : i32
      %dma_wait3A_82 = arith.constant 0 : i32
      %dma_wait3A_83 = tpu.memref_slice %arg2[%dma_wait3A_81, %dma_wait3A_82] : memref<10240x16xf32, #tpu.memory_space<hbm>> -> memref<10240x16xf32, #tpu.memory_space<hbm>>
      tpu.wait_indirect_dma semaphore(%arg14 : memref<!tpu.dma_semaphore, #tpu.memory_space<semaphore_mem>>) src(%dma_wait3A_83 : memref<10240x16xf32, #tpu.memory_space<hbm>>) dst(%arg7 : memref<400x16xf32, #tpu.memory_space<vmem>>)
      %dma_start3A_84 = arith.constant 0 : i32
      %dma_start3A_85 = tpu.memref_slice %arg6[%add3A_69, %dma_start3A_84] : memref<25x400xi32, #tpu.memory_space<vmem>> -> memref<1x400xi32, #tpu.memory_space<vmem>>
      %dma_start3A_86 = tpu.memref_squeeze %dma_start3A_85 : memref<1x400xi32, #tpu.memory_space<vmem>> -> memref<400xi32, #tpu.memory_space<vmem>>
      %dma_start3A_87 = arith.constant 0 : i32
      %dma_start3A_88 = arith.constant 0 : i32
      %dma_start3A_89 = tpu.memref_slice %arg13[%dma_start3A_87, %dma_start3A_88] : memref<10240x16xf32, #tpu.memory_space<vmem_shared>> -> memref<10240x16xf32, #tpu.memory_space<vmem_shared>>
      tpu.enqueue_indirect_dma source(%arg7 : memref<400x16xf32, #tpu.memory_space<vmem>>) target(%dma_start3A_89 : memref<10240x16xf32, #tpu.memory_space<vmem_shared>>) offsets(%dma_start3A_86 : memref<400xi32, #tpu.memory_space<vmem>>) semaphore(%arg15 : memref<!tpu.dma_semaphore, #tpu.memory_space<semaphore_mem>>) {add = true}
      %mul3A_90 = arith.constant 5 : i32
      %mul3A_91 = arith.muli %scan3A_65, %mul3A_90 : i32
      %add3A_92 = arith.constant 1 : i32
      %add3A_93 = arith.addi %mul3A_91, %add3A_92 : i32
      %sub3A = arith.constant 1 : i32
      %sub3A_94 = arith.subi %add3A_93, %sub3A : i32
      %dma_wait3A_95 = arith.constant 0 : i32
      %dma_wait3A_96 = tpu.memref_slice %arg6[%sub3A_94, %dma_wait3A_95] : memref<25x400xi32, #tpu.memory_space<vmem>> -> memref<1x400xi32, #tpu.memory_space<vmem>>
      %dma_wait3A_97 = tpu.memref_squeeze %dma_wait3A_96 : memref<1x400xi32, #tpu.memory_space<vmem>> -> memref<400xi32, #tpu.memory_space<vmem>>
      %dma_wait3A_98 = arith.constant 0 : i32
      %dma_wait3A_99 = arith.constant 0 : i32
      %dma_wait3A_100 = tpu.memref_slice %arg13[%dma_wait3A_98, %dma_wait3A_99] : memref<10240x16xf32, #tpu.memory_space<vmem_shared>> -> memref<10240x16xf32, #tpu.memory_space<vmem_shared>>
      tpu.wait_indirect_dma semaphore(%arg15 : memref<!tpu.dma_semaphore, #tpu.memory_space<semaphore_mem>>) src(%arg7 : memref<400x16xf32, #tpu.memory_space<vmem>>) dst(%dma_wait3A_100 : memref<10240x16xf32, #tpu.memory_space<vmem_shared>>)
      %add3A_101 = arith.constant 4 : i32
      %add3A_102 = arith.addi %add3A_93, %add3A_101 : i32
      %lt3A_103 = arith.constant 25 : i32
      %lt3A_104 = arith.cmpi slt, %add3A_102, %lt3A_103 : i32
      %convert_element_type3A_105 = arith.extui %lt3A_104 : i1 to i32
      %cond3A_106 = arith.constant 0 : i32
      %cond3A_107 = arith.cmpi ne, %convert_element_type3A_105, %cond3A_106 : i32
      scf.if %cond3A_107 {
        %add3A_213 = arith.constant 4 : i32
        %add3A_214 = arith.addi %add3A_93, %add3A_213 : i32
        %dma_start3A_215 = arith.constant 0 : i32
        %dma_start3A_216 = tpu.memref_slice %arg5[%add3A_214, %dma_start3A_215] : memref<25x400xi32, #tpu.memory_space<vmem>> -> memref<1x400xi32, #tpu.memory_space<vmem>>
        %dma_start3A_217 = tpu.memref_squeeze %dma_start3A_216 : memref<1x400xi32, #tpu.memory_space<vmem>> -> memref<400xi32, #tpu.memory_space<vmem>>
        %dma_start3A_218 = arith.constant 0 : i32
        %dma_start3A_219 = arith.constant 0 : i32
        %dma_start3A_220 = tpu.memref_slice %arg2[%dma_start3A_218, %dma_start3A_219] : memref<10240x16xf32, #tpu.memory_space<hbm>> -> memref<10240x16xf32, #tpu.memory_space<hbm>>
        tpu.enqueue_indirect_dma source(%dma_start3A_220 : memref<10240x16xf32, #tpu.memory_space<hbm>>) target(%arg7 : memref<400x16xf32, #tpu.memory_space<vmem>>) offsets(%dma_start3A_217 : memref<400xi32, #tpu.memory_space<vmem>>) semaphore(%arg14 : memref<!tpu.dma_semaphore, #tpu.memory_space<semaphore_mem>>)
      } else {
      }
      %dma_wait3A_108 = arith.constant 0 : i32
      %dma_wait3A_109 = tpu.memref_slice %arg5[%add3A_93, %dma_wait3A_108] : memref<25x400xi32, #tpu.memory_space<vmem>> -> memref<1x400xi32, #tpu.memory_space<vmem>>
      %dma_wait3A_110 = tpu.memref_squeeze %dma_wait3A_109 : memref<1x400xi32, #tpu.memory_space<vmem>> -> memref<400xi32, #tpu.memory_space<vmem>>
      %dma_wait3A_111 = arith.constant 0 : i32
      %dma_wait3A_112 = arith.constant 0 : i32
      %dma_wait3A_113 = tpu.memref_slice %arg2[%dma_wait3A_111, %dma_wait3A_112] : memref<10240x16xf32, #tpu.memory_space<hbm>> -> memref<10240x16xf32, #tpu.memory_space<hbm>>
      tpu.wait_indirect_dma semaphore(%arg14 : memref<!tpu.dma_semaphore, #tpu.memory_space<semaphore_mem>>) src(%dma_wait3A_113 : memref<10240x16xf32, #tpu.memory_space<hbm>>) dst(%arg8 : memref<400x16xf32, #tpu.memory_space<vmem>>)
      %dma_start3A_114 = arith.constant 0 : i32
      %dma_start3A_115 = tpu.memref_slice %arg6[%add3A_93, %dma_start3A_114] : memref<25x400xi32, #tpu.memory_space<vmem>> -> memref<1x400xi32, #tpu.memory_space<vmem>>
      %dma_start3A_116 = tpu.memref_squeeze %dma_start3A_115 : memref<1x400xi32, #tpu.memory_space<vmem>> -> memref<400xi32, #tpu.memory_space<vmem>>
      %dma_start3A_117 = arith.constant 0 : i32
      %dma_start3A_118 = arith.constant 0 : i32
      %dma_start3A_119 = tpu.memref_slice %arg13[%dma_start3A_117, %dma_start3A_118] : memref<10240x16xf32, #tpu.memory_space<vmem_shared>> -> memref<10240x16xf32, #tpu.memory_space<vmem_shared>>
      tpu.enqueue_indirect_dma source(%arg8 : memref<400x16xf32, #tpu.memory_space<vmem>>) target(%dma_start3A_119 : memref<10240x16xf32, #tpu.memory_space<vmem_shared>>) offsets(%dma_start3A_116 : memref<400xi32, #tpu.memory_space<vmem>>) semaphore(%arg15 : memref<!tpu.dma_semaphore, #tpu.memory_space<semaphore_mem>>) {add = true}
      %mul3A_120 = arith.constant 5 : i32
      %mul3A_121 = arith.muli %scan3A_65, %mul3A_120 : i32
      %add3A_122 = arith.constant 2 : i32
      %add3A_123 = arith.addi %mul3A_121, %add3A_122 : i32
      %sub3A_124 = arith.constant 1 : i32
      %sub3A_125 = arith.subi %add3A_123, %sub3A_124 : i32
      %dma_wait3A_126 = arith.constant 0 : i32
      %dma_wait3A_127 = tpu.memref_slice %arg6[%sub3A_125, %dma_wait3A_126] : memref<25x400xi32, #tpu.memory_space<vmem>> -> memref<1x400xi32, #tpu.memory_space<vmem>>
      %dma_wait3A_128 = tpu.memref_squeeze %dma_wait3A_127 : memref<1x400xi32, #tpu.memory_space<vmem>> -> memref<400xi32, #tpu.memory_space<vmem>>
      %dma_wait3A_129 = arith.constant 0 : i32
      %dma_wait3A_130 = arith.constant 0 : i32
      %dma_wait3A_131 = tpu.memref_slice %arg13[%dma_wait3A_129, %dma_wait3A_130] : memref<10240x16xf32, #tpu.memory_space<vmem_shared>> -> memref<10240x16xf32, #tpu.memory_space<vmem_shared>>
      tpu.wait_indirect_dma semaphore(%arg15 : memref<!tpu.dma_semaphore, #tpu.memory_space<semaphore_mem>>) src(%arg8 : memref<400x16xf32, #tpu.memory_space<vmem>>) dst(%dma_wait3A_131 : memref<10240x16xf32, #tpu.memory_space<vmem_shared>>)
      %add3A_132 = arith.constant 4 : i32
      %add3A_133 = arith.addi %add3A_123, %add3A_132 : i32
      %lt3A_134 = arith.constant 25 : i32
      %lt3A_135 = arith.cmpi slt, %add3A_133, %lt3A_134 : i32
      %convert_element_type3A_136 = arith.extui %lt3A_135 : i1 to i32
      %cond3A_137 = arith.constant 0 : i32
      %cond3A_138 = arith.cmpi ne, %convert_element_type3A_136, %cond3A_137 : i32
      scf.if %cond3A_138 {
        %add3A_213 = arith.constant 4 : i32
        %add3A_214 = arith.addi %add3A_123, %add3A_213 : i32
        %dma_start3A_215 = arith.constant 0 : i32
        %dma_start3A_216 = tpu.memref_slice %arg5[%add3A_214, %dma_start3A_215] : memref<25x400xi32, #tpu.memory_space<vmem>> -> memref<1x400xi32, #tpu.memory_space<vmem>>
        %dma_start3A_217 = tpu.memref_squeeze %dma_start3A_216 : memref<1x400xi32, #tpu.memory_space<vmem>> -> memref<400xi32, #tpu.memory_space<vmem>>
        %dma_start3A_218 = arith.constant 0 : i32
        %dma_start3A_219 = arith.constant 0 : i32
        %dma_start3A_220 = tpu.memref_slice %arg2[%dma_start3A_218, %dma_start3A_219] : memref<10240x16xf32, #tpu.memory_space<hbm>> -> memref<10240x16xf32, #tpu.memory_space<hbm>>
        tpu.enqueue_indirect_dma source(%dma_start3A_220 : memref<10240x16xf32, #tpu.memory_space<hbm>>) target(%arg8 : memref<400x16xf32, #tpu.memory_space<vmem>>) offsets(%dma_start3A_217 : memref<400xi32, #tpu.memory_space<vmem>>) semaphore(%arg14 : memref<!tpu.dma_semaphore, #tpu.memory_space<semaphore_mem>>)
      } else {
      }
      %dma_wait3A_139 = arith.constant 0 : i32
      %dma_wait3A_140 = tpu.memref_slice %arg5[%add3A_123, %dma_wait3A_139] : memref<25x400xi32, #tpu.memory_space<vmem>> -> memref<1x400xi32, #tpu.memory_space<vmem>>
      %dma_wait3A_141 = tpu.memref_squeeze %dma_wait3A_140 : memref<1x400xi32, #tpu.memory_space<vmem>> -> memref<400xi32, #tpu.memory_space<vmem>>
      %dma_wait3A_142 = arith.constant 0 : i32
      %dma_wait3A_143 = arith.constant 0 : i32
      %dma_wait3A_144 = tpu.memref_slice %arg2[%dma_wait3A_142, %dma_wait3A_143] : memref<10240x16xf32, #tpu.memory_space<hbm>> -> memref<10240x16xf32, #tpu.memory_space<hbm>>
      tpu.wait_indirect_dma semaphore(%arg14 : memref<!tpu.dma_semaphore, #tpu.memory_space<semaphore_mem>>) src(%dma_wait3A_144 : memref<10240x16xf32, #tpu.memory_space<hbm>>) dst(%arg9 : memref<400x16xf32, #tpu.memory_space<vmem>>)
      %dma_start3A_145 = arith.constant 0 : i32
      %dma_start3A_146 = tpu.memref_slice %arg6[%add3A_123, %dma_start3A_145] : memref<25x400xi32, #tpu.memory_space<vmem>> -> memref<1x400xi32, #tpu.memory_space<vmem>>
      %dma_start3A_147 = tpu.memref_squeeze %dma_start3A_146 : memref<1x400xi32, #tpu.memory_space<vmem>> -> memref<400xi32, #tpu.memory_space<vmem>>
      %dma_start3A_148 = arith.constant 0 : i32
      %dma_start3A_149 = arith.constant 0 : i32
      %dma_start3A_150 = tpu.memref_slice %arg13[%dma_start3A_148, %dma_start3A_149] : memref<10240x16xf32, #tpu.memory_space<vmem_shared>> -> memref<10240x16xf32, #tpu.memory_space<vmem_shared>>
      tpu.enqueue_indirect_dma source(%arg9 : memref<400x16xf32, #tpu.memory_space<vmem>>) target(%dma_start3A_150 : memref<10240x16xf32, #tpu.memory_space<vmem_shared>>) offsets(%dma_start3A_147 : memref<400xi32, #tpu.memory_space<vmem>>) semaphore(%arg15 : memref<!tpu.dma_semaphore, #tpu.memory_space<semaphore_mem>>) {add = true}
      %mul3A_151 = arith.constant 5 : i32
      %mul3A_152 = arith.muli %scan3A_65, %mul3A_151 : i32
      %add3A_153 = arith.constant 3 : i32
      %add3A_154 = arith.addi %mul3A_152, %add3A_153 : i32
      %sub3A_155 = arith.constant 1 : i32
      %sub3A_156 = arith.subi %add3A_154, %sub3A_155 : i32
      %dma_wait3A_157 = arith.constant 0 : i32
      %dma_wait3A_158 = tpu.memref_slice %arg6[%sub3A_156, %dma_wait3A_157] : memref<25x400xi32, #tpu.memory_space<vmem>> -> memref<1x400xi32, #tpu.memory_space<vmem>>
      %dma_wait3A_159 = tpu.memref_squeeze %dma_wait3A_158 : memref<1x400xi32, #tpu.memory_space<vmem>> -> memref<400xi32, #tpu.memory_space<vmem>>
      %dma_wait3A_160 = arith.constant 0 : i32
      %dma_wait3A_161 = arith.constant 0 : i32
      %dma_wait3A_162 = tpu.memref_slice %arg13[%dma_wait3A_160, %dma_wait3A_161] : memref<10240x16xf32, #tpu.memory_space<vmem_shared>> -> memref<10240x16xf32, #tpu.memory_space<vmem_shared>>
      tpu.wait_indirect_dma semaphore(%arg15 : memref<!tpu.dma_semaphore, #tpu.memory_space<semaphore_mem>>) src(%arg9 : memref<400x16xf32, #tpu.memory_space<vmem>>) dst(%dma_wait3A_162 : memref<10240x16xf32, #tpu.memory_space<vmem_shared>>)
      %add3A_163 = arith.constant 4 : i32
      %add3A_164 = arith.addi %add3A_154, %add3A_163 : i32
      %lt3A_165 = arith.constant 25 : i32
      %lt3A_166 = arith.cmpi slt, %add3A_164, %lt3A_165 : i32
      %convert_element_type3A_167 = arith.extui %lt3A_166 : i1 to i32
      %cond3A_168 = arith.constant 0 : i32
      %cond3A_169 = arith.cmpi ne, %convert_element_type3A_167, %cond3A_168 : i32
      scf.if %cond3A_169 {
        %add3A_213 = arith.constant 4 : i32
        %add3A_214 = arith.addi %add3A_154, %add3A_213 : i32
        %dma_start3A_215 = arith.constant 0 : i32
        %dma_start3A_216 = tpu.memref_slice %arg5[%add3A_214, %dma_start3A_215] : memref<25x400xi32, #tpu.memory_space<vmem>> -> memref<1x400xi32, #tpu.memory_space<vmem>>
        %dma_start3A_217 = tpu.memref_squeeze %dma_start3A_216 : memref<1x400xi32, #tpu.memory_space<vmem>> -> memref<400xi32, #tpu.memory_space<vmem>>
        %dma_start3A_218 = arith.constant 0 : i32
        %dma_start3A_219 = arith.constant 0 : i32
        %dma_start3A_220 = tpu.memref_slice %arg2[%dma_start3A_218, %dma_start3A_219] : memref<10240x16xf32, #tpu.memory_space<hbm>> -> memref<10240x16xf32, #tpu.memory_space<hbm>>
        tpu.enqueue_indirect_dma source(%dma_start3A_220 : memref<10240x16xf32, #tpu.memory_space<hbm>>) target(%arg9 : memref<400x16xf32, #tpu.memory_space<vmem>>) offsets(%dma_start3A_217 : memref<400xi32, #tpu.memory_space<vmem>>) semaphore(%arg14 : memref<!tpu.dma_semaphore, #tpu.memory_space<semaphore_mem>>)
      } else {
      }
      %dma_wait3A_170 = arith.constant 0 : i32
      %dma_wait3A_171 = tpu.memref_slice %arg5[%add3A_154, %dma_wait3A_170] : memref<25x400xi32, #tpu.memory_space<vmem>> -> memref<1x400xi32, #tpu.memory_space<vmem>>
      %dma_wait3A_172 = tpu.memref_squeeze %dma_wait3A_171 : memref<1x400xi32, #tpu.memory_space<vmem>> -> memref<400xi32, #tpu.memory_space<vmem>>
      %dma_wait3A_173 = arith.constant 0 : i32
      %dma_wait3A_174 = arith.constant 0 : i32
      %dma_wait3A_175 = tpu.memref_slice %arg2[%dma_wait3A_173, %dma_wait3A_174] : memref<10240x16xf32, #tpu.memory_space<hbm>> -> memref<10240x16xf32, #tpu.memory_space<hbm>>
      tpu.wait_indirect_dma semaphore(%arg14 : memref<!tpu.dma_semaphore, #tpu.memory_space<semaphore_mem>>) src(%dma_wait3A_175 : memref<10240x16xf32, #tpu.memory_space<hbm>>) dst(%arg10 : memref<400x16xf32, #tpu.memory_space<vmem>>)
      %dma_start3A_176 = arith.constant 0 : i32
      %dma_start3A_177 = tpu.memref_slice %arg6[%add3A_154, %dma_start3A_176] : memref<25x400xi32, #tpu.memory_space<vmem>> -> memref<1x400xi32, #tpu.memory_space<vmem>>
      %dma_start3A_178 = tpu.memref_squeeze %dma_start3A_177 : memref<1x400xi32, #tpu.memory_space<vmem>> -> memref<400xi32, #tpu.memory_space<vmem>>
      %dma_start3A_179 = arith.constant 0 : i32
      %dma_start3A_180 = arith.constant 0 : i32
      %dma_start3A_181 = tpu.memref_slice %arg13[%dma_start3A_179, %dma_start3A_180] : memref<10240x16xf32, #tpu.memory_space<vmem_shared>> -> memref<10240x16xf32, #tpu.memory_space<vmem_shared>>
      tpu.enqueue_indirect_dma source(%arg10 : memref<400x16xf32, #tpu.memory_space<vmem>>) target(%dma_start3A_181 : memref<10240x16xf32, #tpu.memory_space<vmem_shared>>) offsets(%dma_start3A_178 : memref<400xi32, #tpu.memory_space<vmem>>) semaphore(%arg15 : memref<!tpu.dma_semaphore, #tpu.memory_space<semaphore_mem>>) {add = true}
      %mul3A_182 = arith.constant 5 : i32
      %mul3A_183 = arith.muli %scan3A_65, %mul3A_182 : i32
      %add3A_184 = arith.constant 4 : i32
      %add3A_185 = arith.addi %mul3A_183, %add3A_184 : i32
      %sub3A_186 = arith.constant 1 : i32
      %sub3A_187 = arith.subi %add3A_185, %sub3A_186 : i32
      %dma_wait3A_188 = arith.constant 0 : i32
      %dma_wait3A_189 = tpu.memref_slice %arg6[%sub3A_187, %dma_wait3A_188] : memref<25x400xi32, #tpu.memory_space<vmem>> -> memref<1x400xi32, #tpu.memory_space<vmem>>
      %dma_wait3A_190 = tpu.memref_squeeze %dma_wait3A_189 : memref<1x400xi32, #tpu.memory_space<vmem>> -> memref<400xi32, #tpu.memory_space<vmem>>
      %dma_wait3A_191 = arith.constant 0 : i32
      %dma_wait3A_192 = arith.constant 0 : i32
      %dma_wait3A_193 = tpu.memref_slice %arg13[%dma_wait3A_191, %dma_wait3A_192] : memref<10240x16xf32, #tpu.memory_space<vmem_shared>> -> memref<10240x16xf32, #tpu.memory_space<vmem_shared>>
      tpu.wait_indirect_dma semaphore(%arg15 : memref<!tpu.dma_semaphore, #tpu.memory_space<semaphore_mem>>) src(%arg10 : memref<400x16xf32, #tpu.memory_space<vmem>>) dst(%dma_wait3A_193 : memref<10240x16xf32, #tpu.memory_space<vmem_shared>>)
      %add3A_194 = arith.constant 4 : i32
      %add3A_195 = arith.addi %add3A_185, %add3A_194 : i32
      %lt3A_196 = arith.constant 25 : i32
      %lt3A_197 = arith.cmpi slt, %add3A_195, %lt3A_196 : i32
      %convert_element_type3A_198 = arith.extui %lt3A_197 : i1 to i32
      %cond3A_199 = arith.constant 0 : i32
      %cond3A_200 = arith.cmpi ne, %convert_element_type3A_198, %cond3A_199 : i32
      scf.if %cond3A_200 {
        %add3A_213 = arith.constant 4 : i32
        %add3A_214 = arith.addi %add3A_185, %add3A_213 : i32
        %dma_start3A_215 = arith.constant 0 : i32
        %dma_start3A_216 = tpu.memref_slice %arg5[%add3A_214, %dma_start3A_215] : memref<25x400xi32, #tpu.memory_space<vmem>> -> memref<1x400xi32, #tpu.memory_space<vmem>>
        %dma_start3A_217 = tpu.memref_squeeze %dma_start3A_216 : memref<1x400xi32, #tpu.memory_space<vmem>> -> memref<400xi32, #tpu.memory_space<vmem>>
        %dma_start3A_218 = arith.constant 0 : i32
        %dma_start3A_219 = arith.constant 0 : i32
        %dma_start3A_220 = tpu.memref_slice %arg2[%dma_start3A_218, %dma_start3A_219] : memref<10240x16xf32, #tpu.memory_space<hbm>> -> memref<10240x16xf32, #tpu.memory_space<hbm>>
        tpu.enqueue_indirect_dma source(%dma_start3A_220 : memref<10240x16xf32, #tpu.memory_space<hbm>>) target(%arg10 : memref<400x16xf32, #tpu.memory_space<vmem>>) offsets(%dma_start3A_217 : memref<400xi32, #tpu.memory_space<vmem>>) semaphore(%arg14 : memref<!tpu.dma_semaphore, #tpu.memory_space<semaphore_mem>>)
      } else {
      }
      %dma_wait3A_201 = arith.constant 0 : i32
      %dma_wait3A_202 = tpu.memref_slice %arg5[%add3A_185, %dma_wait3A_201] : memref<25x400xi32, #tpu.memory_space<vmem>> -> memref<1x400xi32, #tpu.memory_space<vmem>>
      %dma_wait3A_203 = tpu.memref_squeeze %dma_wait3A_202 : memref<1x400xi32, #tpu.memory_space<vmem>> -> memref<400xi32, #tpu.memory_space<vmem>>
      %dma_wait3A_204 = arith.constant 0 : i32
      %dma_wait3A_205 = arith.constant 0 : i32
      %dma_wait3A_206 = tpu.memref_slice %arg2[%dma_wait3A_204, %dma_wait3A_205] : memref<10240x16xf32, #tpu.memory_space<hbm>> -> memref<10240x16xf32, #tpu.memory_space<hbm>>
      tpu.wait_indirect_dma semaphore(%arg14 : memref<!tpu.dma_semaphore, #tpu.memory_space<semaphore_mem>>) src(%dma_wait3A_206 : memref<10240x16xf32, #tpu.memory_space<hbm>>) dst(%arg11 : memref<400x16xf32, #tpu.memory_space<vmem>>)
      %dma_start3A_207 = arith.constant 0 : i32
      %dma_start3A_208 = tpu.memref_slice %arg6[%add3A_185, %dma_start3A_207] : memref<25x400xi32, #tpu.memory_space<vmem>> -> memref<1x400xi32, #tpu.memory_space<vmem>>
      %dma_start3A_209 = tpu.memref_squeeze %dma_start3A_208 : memref<1x400xi32, #tpu.memory_space<vmem>> -> memref<400xi32, #tpu.memory_space<vmem>>
      %dma_start3A_210 = arith.constant 0 : i32
      %dma_start3A_211 = arith.constant 0 : i32
      %dma_start3A_212 = tpu.memref_slice %arg13[%dma_start3A_210, %dma_start3A_211] : memref<10240x16xf32, #tpu.memory_space<vmem_shared>> -> memref<10240x16xf32, #tpu.memory_space<vmem_shared>>
      tpu.enqueue_indirect_dma source(%arg11 : memref<400x16xf32, #tpu.memory_space<vmem>>) target(%dma_start3A_212 : memref<10240x16xf32, #tpu.memory_space<vmem_shared>>) offsets(%dma_start3A_209 : memref<400xi32, #tpu.memory_space<vmem>>) semaphore(%arg15 : memref<!tpu.dma_semaphore, #tpu.memory_space<semaphore_mem>>) {add = true}
    }
    %scan3A_55 = arith.constant 5 : i32
    %dma_wait3A = arith.constant 24 : i32
    %dma_wait3A_56 = arith.constant 0 : i32
    %dma_wait3A_57 = tpu.memref_slice %arg6[%dma_wait3A, %dma_wait3A_56] : memref<25x400xi32, #tpu.memory_space<vmem>> -> memref<1x400xi32, #tpu.memory_space<vmem>>
    %dma_wait3A_58 = tpu.memref_squeeze %dma_wait3A_57 : memref<1x400xi32, #tpu.memory_space<vmem>> -> memref<400xi32, #tpu.memory_space<vmem>>
    %dma_wait3A_59 = arith.constant 0 : i32
    %dma_wait3A_60 = arith.constant 0 : i32
    %dma_wait3A_61 = tpu.memref_slice %arg13[%dma_wait3A_59, %dma_wait3A_60] : memref<10240x16xf32, #tpu.memory_space<vmem_shared>> -> memref<10240x16xf32, #tpu.memory_space<vmem_shared>>
    tpu.wait_indirect_dma semaphore(%arg15 : memref<!tpu.dma_semaphore, #tpu.memory_space<semaphore_mem>>) src(%arg11 : memref<400x16xf32, #tpu.memory_space<vmem>>) dst(%dma_wait3A_61 : memref<10240x16xf32, #tpu.memory_space<vmem_shared>>)
    %barrier3A_62 = arith.constant 0 : index
    tpu.barrier barrier_id(%barrier3A_62)
    %mul3A_63 = arith.constant 640 : i32
    %mul3A_64 = arith.muli %arg1, %mul3A_63 : i32
    "tpu.region"() ({
      %run_scoped3A = tpu.sem_alloc : memref<!tpu.dma_semaphore, #tpu.memory_space<semaphore_mem>>
      %dma_start3A_65 = arith.constant 0 : i32
      %dma_start3A_66 = tpu.memref_slice %arg13[%mul3A_64, %dma_start3A_65] : memref<10240x16xf32, #tpu.memory_space<vmem_shared>> -> memref<640x16xf32, #tpu.memory_space<vmem_shared>>
      %dma_start3A_67 = arith.constant 0 : i32
      %dma_start3A_68 = tpu.memref_slice %arg13[%mul3A_64, %dma_start3A_67] : memref<10240x16xf32, #tpu.memory_space<vmem_shared>> -> memref<640x16xf32, #tpu.memory_space<vmem_shared>>
      tpu.enqueue_dma source(%dma_start3A_68 : memref<640x16xf32, #tpu.memory_space<vmem_shared>>) target(%arg12 : memref<640x16xf32, #tpu.memory_space<vmem>>) target_semaphore(%run_scoped3A : memref<!tpu.dma_semaphore, #tpu.memory_space<semaphore_mem>>)
      %dma_wait3A_69 = arith.constant 0 : i32
      %dma_wait3A_70 = tpu.memref_slice %arg13[%mul3A_64, %dma_wait3A_69] : memref<10240x16xf32, #tpu.memory_space<vmem_shared>> -> memref<640x16xf32, #tpu.memory_space<vmem_shared>>
      %dma_wait3A_71 = arith.constant 0 : i32
      %dma_wait3A_72 = tpu.memref_slice %arg13[%mul3A_64, %dma_wait3A_71] : memref<10240x16xf32, #tpu.memory_space<vmem_shared>> -> memref<640x16xf32, #tpu.memory_space<vmem_shared>>
      tpu.wait_dma2 semaphore(%run_scoped3A : memref<!tpu.dma_semaphore, #tpu.memory_space<semaphore_mem>>) src(%dma_wait3A_72 : memref<640x16xf32, #tpu.memory_space<vmem_shared>>) dst(%arg12 : memref<640x16xf32, #tpu.memory_space<vmem>>)
      tpu.yield
    }) : () -> ()
    "tpu.region"() ({
      %run_scoped3A = tpu.sem_alloc : memref<!tpu.dma_semaphore, #tpu.memory_space<semaphore_mem>>
      %dma_start3A_65 = arith.constant 0 : i32
      %dma_start3A_66 = arith.constant 0 : i32
      %dma_start3A_67 = tpu.memref_slice %arg4[%arg0, %arg1, %dma_start3A_65, %dma_start3A_66] : memref<2x16x640x16xf32, #tpu.memory_space<hbm>> -> memref<1x1x640x16xf32, #tpu.memory_space<hbm>>
      %dma_start3A_68 = tpu.memref_squeeze %dma_start3A_67 : memref<1x1x640x16xf32, #tpu.memory_space<hbm>> -> memref<640x16xf32, #tpu.memory_space<hbm>>
      %dma_start3A_69 = arith.constant 0 : i32
      %dma_start3A_70 = arith.constant 0 : i32
      %dma_start3A_71 = tpu.memref_slice %arg4[%arg0, %arg1, %dma_start3A_69, %dma_start3A_70] : memref<2x16x640x16xf32, #tpu.memory_space<hbm>> -> memref<1x1x640x16xf32, #tpu.memory_space<hbm>>
      %dma_start3A_72 = tpu.memref_squeeze %dma_start3A_71 : memref<1x1x640x16xf32, #tpu.memory_space<hbm>> -> memref<640x16xf32, #tpu.memory_space<hbm>>
      tpu.enqueue_dma source(%arg12 : memref<640x16xf32, #tpu.memory_space<vmem>>) target(%dma_start3A_72 : memref<640x16xf32, #tpu.memory_space<hbm>>) target_semaphore(%run_scoped3A : memref<!tpu.dma_semaphore, #tpu.memory_space<semaphore_mem>>)
      %dma_wait3A_73 = arith.constant 0 : i32
      %dma_wait3A_74 = arith.constant 0 : i32
      %dma_wait3A_75 = tpu.memref_slice %arg4[%arg0, %arg1, %dma_wait3A_73, %dma_wait3A_74] : memref<2x16x640x16xf32, #tpu.memory_space<hbm>> -> memref<1x1x640x16xf32, #tpu.memory_space<hbm>>
      %dma_wait3A_76 = tpu.memref_squeeze %dma_wait3A_75 : memref<1x1x640x16xf32, #tpu.memory_space<hbm>> -> memref<640x16xf32, #tpu.memory_space<hbm>>
      %dma_wait3A_77 = arith.constant 0 : i32
      %dma_wait3A_78 = arith.constant 0 : i32
      %dma_wait3A_79 = tpu.memref_slice %arg4[%arg0, %arg1, %dma_wait3A_77, %dma_wait3A_78] : memref<2x16x640x16xf32, #tpu.memory_space<hbm>> -> memref<1x1x640x16xf32, #tpu.memory_space<hbm>>
      %dma_wait3A_80 = tpu.memref_squeeze %dma_wait3A_79 : memref<1x1x640x16xf32, #tpu.memory_space<hbm>> -> memref<640x16xf32, #tpu.memory_space<hbm>>
      tpu.wait_dma2 semaphore(%run_scoped3A : memref<!tpu.dma_semaphore, #tpu.memory_space<semaphore_mem>>) src(%arg12 : memref<640x16xf32, #tpu.memory_space<vmem>>) dst(%dma_wait3A_80 : memref<640x16xf32, #tpu.memory_space<hbm>>)
      tpu.yield
    }) : () -> ()
    return
  }
}

#map = affine_map<(d0, d1) -> (0, 0)>
#map1 = affine_map<(d0, d1) -> (0, 0, 0, 0)>
module attributes {stable_mosaic.version = 14 : i64} {
  func.func @_prop_kernel(%arg0: i32, %arg1: i32, %arg2: memref<10240x16xf32, #tpu.memory_space<hbm>>, %arg3: memref<2x320000xi32, #tpu.memory_space<hbm>>, %arg4: memref<2x16x640x16xf32, #tpu.memory_space<hbm>>, %arg5: memref<25x400xi32, #tpu.memory_space<vmem>>, %arg6: memref<25x400xi32, #tpu.memory_space<vmem>>, %arg7: memref<400x16xf32, #tpu.memory_space<vmem>>, %arg8: memref<400x16xf32, #tpu.memory_space<vmem>>, %arg9: memref<400x16xf32, #tpu.memory_space<vmem>>, %arg10: memref<400x16xf32, #tpu.memory_space<vmem>>, %arg11: memref<400x16xf32, #tpu.memory_space<vmem>>, %arg12: memref<640x16xf32, #tpu.memory_space<vmem>>, %arg13: memref<10240x16xf32, #tpu.memory_space<vmem_shared>>, %arg14: memref<!tpu.dma_semaphore, #tpu.memory_space<semaphore_mem>>, %arg15: memref<!tpu.dma_semaphore, #tpu.memory_space<semaphore_mem>>) attributes {dimension_semantics = [#tpu.dimension_semantics<core_parallel>, #tpu.dimension_semantics<subcore_parallel>], iteration_bounds = array<i64: 2, 16>, scalar_prefetch = 0 : i64, scratch_operands = 11 : i64, tpu.core_type = #tpu.core_type<sc_vector_subcore>, window_params = [{transform_indices = #map}, {transform_indices = #map}, {transform_indices = #map1}]} {
    %mul3A = arith.constant 16 : i32
    %mul3A_0 = arith.muli %arg0, %mul3A : i32
    %add3A = arith.addi %mul3A_0, %arg1 : i32
    %mul3A_1 = arith.constant 10000 : i32
    %mul3A_2 = arith.muli %add3A, %mul3A_1 : i32
    %scan3A = arith.constant 0 : i32
    %scan3A_3 = arith.constant 0 : i32
    %scan3A_4 = arith.constant 25 : i32
    %scan3A_5 = arith.addi %scan3A_3, %scan3A_4 : i32
    %scan3A_6 = arith.constant 1 : i32
    scf.for %scan3A_65 = %scan3A_3 to %scan3A_5 step %scan3A_6  : i32 {
      %mul3A_66 = arith.constant 400 : i32
      %mul3A_67 = arith.muli %scan3A_65, %mul3A_66 : i32
      %add3A_68 = arith.addi %mul3A_2, %mul3A_67 : i32
      %dma_start3A_69 = arith.constant 0 : i32
      %dma_start3A_70 = arith.constant 0 : i32
      %dma_start3A_71 = tpu.memref_slice %arg5[%scan3A_65, %dma_start3A_70] : memref<25x400xi32, #tpu.memory_space<vmem>> -> memref<1x400xi32, #tpu.memory_space<vmem>>
      %dma_start3A_72 = tpu.memref_squeeze %dma_start3A_71 : memref<1x400xi32, #tpu.memory_space<vmem>> -> memref<400xi32, #tpu.memory_space<vmem>>
      %dma_start3A_73 = tpu.memref_slice %arg3[%dma_start3A_69, %add3A_68] : memref<2x320000xi32, #tpu.memory_space<hbm>> -> memref<1x400xi32, #tpu.memory_space<hbm>>
      %dma_start3A_74 = tpu.memref_squeeze %dma_start3A_73 : memref<1x400xi32, #tpu.memory_space<hbm>> -> memref<400xi32, #tpu.memory_space<hbm>>
      %dma_start3A_75 = arith.constant 0 : i32
      %dma_start3A_76 = tpu.memref_slice %arg5[%scan3A_65, %dma_start3A_75] : memref<25x400xi32, #tpu.memory_space<vmem>> -> memref<1x400xi32, #tpu.memory_space<vmem>>
      %dma_start3A_77 = tpu.memref_squeeze %dma_start3A_76 : memref<1x400xi32, #tpu.memory_space<vmem>> -> memref<400xi32, #tpu.memory_space<vmem>>
      %dma_start3A_78 = tpu.memref_slice %arg3[%dma_start3A_69, %add3A_68] : memref<2x320000xi32, #tpu.memory_space<hbm>> -> memref<1x400xi32, #tpu.memory_space<hbm>>
      %dma_start3A_79 = tpu.memref_squeeze %dma_start3A_78 : memref<1x400xi32, #tpu.memory_space<hbm>> -> memref<400xi32, #tpu.memory_space<hbm>>
      tpu.enqueue_dma source(%dma_start3A_79 : memref<400xi32, #tpu.memory_space<hbm>>) target(%dma_start3A_77 : memref<400xi32, #tpu.memory_space<vmem>>) target_semaphore(%arg14 : memref<!tpu.dma_semaphore, #tpu.memory_space<semaphore_mem>>)
      %mul3A_80 = arith.constant 400 : i32
      %mul3A_81 = arith.muli %scan3A_65, %mul3A_80 : i32
      %add3A_82 = arith.addi %mul3A_2, %mul3A_81 : i32
      %dma_start3A_83 = arith.constant 1 : i32
      %dma_start3A_84 = arith.constant 0 : i32
      %dma_start3A_85 = tpu.memref_slice %arg6[%scan3A_65, %dma_start3A_84] : memref<25x400xi32, #tpu.memory_space<vmem>> -> memref<1x400xi32, #tpu.memory_space<vmem>>
      %dma_start3A_86 = tpu.memref_squeeze %dma_start3A_85 : memref<1x400xi32, #tpu.memory_space<vmem>> -> memref<400xi32, #tpu.memory_space<vmem>>
      %dma_start3A_87 = tpu.memref_slice %arg3[%dma_start3A_83, %add3A_82] : memref<2x320000xi32, #tpu.memory_space<hbm>> -> memref<1x400xi32, #tpu.memory_space<hbm>>
      %dma_start3A_88 = tpu.memref_squeeze %dma_start3A_87 : memref<1x400xi32, #tpu.memory_space<hbm>> -> memref<400xi32, #tpu.memory_space<hbm>>
      %dma_start3A_89 = arith.constant 0 : i32
      %dma_start3A_90 = tpu.memref_slice %arg6[%scan3A_65, %dma_start3A_89] : memref<25x400xi32, #tpu.memory_space<vmem>> -> memref<1x400xi32, #tpu.memory_space<vmem>>
      %dma_start3A_91 = tpu.memref_squeeze %dma_start3A_90 : memref<1x400xi32, #tpu.memory_space<vmem>> -> memref<400xi32, #tpu.memory_space<vmem>>
      %dma_start3A_92 = tpu.memref_slice %arg3[%dma_start3A_83, %add3A_82] : memref<2x320000xi32, #tpu.memory_space<hbm>> -> memref<1x400xi32, #tpu.memory_space<hbm>>
      %dma_start3A_93 = tpu.memref_squeeze %dma_start3A_92 : memref<1x400xi32, #tpu.memory_space<hbm>> -> memref<400xi32, #tpu.memory_space<hbm>>
      tpu.enqueue_dma source(%dma_start3A_93 : memref<400xi32, #tpu.memory_space<hbm>>) target(%dma_start3A_91 : memref<400xi32, #tpu.memory_space<vmem>>) target_semaphore(%arg14 : memref<!tpu.dma_semaphore, #tpu.memory_space<semaphore_mem>>)
    }
    %scan3A_7 = arith.constant 25 : i32
    %broadcast_in_dim3A = arith.constant 0.000000e+00 : f32
    %broadcast_in_dim3A_8 = vector.broadcast %broadcast_in_dim3A : f32 to vector<16xf32>
    %scan3A_9 = arith.constant 0 : i32
    %scan3A_10 = arith.constant 0 : i32
    %scan3A_11 = arith.constant 640 : i32
    %scan3A_12 = arith.addi %scan3A_10, %scan3A_11 : i32
    %scan3A_13 = arith.constant 1 : i32
    scf.for %scan3A_65 = %scan3A_10 to %scan3A_12 step %scan3A_13  : i32 {
      %swap3A = arith.index_cast %scan3A_65 : i32 to index
      %swap3A_66 = arith.constant 0 : index
      %swap3A_67 = tpu.vector_load %arg12[%swap3A, %swap3A_66] {strides = array<i32>} : memref<640x16xf32, #tpu.memory_space<vmem>>, vector<1x16xf32>,
      %swap3A_68 = vector.shape_cast %swap3A_67 : vector<1x16xf32> to vector<16xf32>
      %swap3A_69 = vector.shape_cast %broadcast_in_dim3A_8 : vector<16xf32> to vector<1x16xf32>
      tpu.vector_store %arg12[%swap3A, %swap3A_66], %swap3A_69 {strides = array<i32>} : memref<640x16xf32, #tpu.memory_space<vmem>>, vector<1x16xf32>,
    }
    %scan3A_14 = arith.constant 640 : i32
    %mul3A_15 = arith.constant 640 : i32
    %mul3A_16 = arith.muli %arg1, %mul3A_15 : i32
    "tpu.region"() ({
      %run_scoped3A = tpu.sem_alloc : memref<!tpu.dma_semaphore, #tpu.memory_space<semaphore_mem>>
      %dma_start3A_65 = arith.constant 0 : i32
      %dma_start3A_66 = tpu.memref_slice %arg13[%mul3A_16, %dma_start3A_65] : memref<10240x16xf32, #tpu.memory_space<vmem_shared>> -> memref<640x16xf32, #tpu.memory_space<vmem_shared>>
      %dma_start3A_67 = arith.constant 0 : i32
      %dma_start3A_68 = tpu.memref_slice %arg13[%mul3A_16, %dma_start3A_67] : memref<10240x16xf32, #tpu.memory_space<vmem_shared>> -> memref<640x16xf32, #tpu.memory_space<vmem_shared>>
      tpu.enqueue_dma source(%arg12 : memref<640x16xf32, #tpu.memory_space<vmem>>) target(%dma_start3A_68 : memref<640x16xf32, #tpu.memory_space<vmem_shared>>) target_semaphore(%run_scoped3A : memref<!tpu.dma_semaphore, #tpu.memory_space<semaphore_mem>>)
      %dma_wait3A_69 = arith.constant 0 : i32
      %dma_wait3A_70 = tpu.memref_slice %arg13[%mul3A_16, %dma_wait3A_69] : memref<10240x16xf32, #tpu.memory_space<vmem_shared>> -> memref<640x16xf32, #tpu.memory_space<vmem_shared>>
      %dma_wait3A_71 = arith.constant 0 : i32
      %dma_wait3A_72 = tpu.memref_slice %arg13[%mul3A_16, %dma_wait3A_71] : memref<10240x16xf32, #tpu.memory_space<vmem_shared>> -> memref<640x16xf32, #tpu.memory_space<vmem_shared>>
      tpu.wait_dma2 semaphore(%run_scoped3A : memref<!tpu.dma_semaphore, #tpu.memory_space<semaphore_mem>>) src(%arg12 : memref<640x16xf32, #tpu.memory_space<vmem>>) dst(%dma_wait3A_72 : memref<640x16xf32, #tpu.memory_space<vmem_shared>>)
      tpu.yield
    }) : () -> ()
    %scan3A_17 = arith.constant 0 : i32
    %scan3A_18 = arith.constant 0 : i32
    %scan3A_19 = arith.constant 25 : i32
    %scan3A_20 = arith.addi %scan3A_18, %scan3A_19 : i32
    %scan3A_21 = arith.constant 1 : i32
    scf.for %scan3A_65 = %scan3A_18 to %scan3A_20 step %scan3A_21  : i32 {
      %mul3A_66 = arith.constant 400 : i32
      %mul3A_67 = arith.muli %scan3A_65, %mul3A_66 : i32
      %add3A_68 = arith.addi %mul3A_2, %mul3A_67 : i32
      %dma_wait3A_69 = arith.constant 0 : i32
      %dma_wait3A_70 = arith.constant 0 : i32
      %dma_wait3A_71 = tpu.memref_slice %arg5[%scan3A_65, %dma_wait3A_70] : memref<25x400xi32, #tpu.memory_space<vmem>> -> memref<1x400xi32, #tpu.memory_space<vmem>>
      %dma_wait3A_72 = tpu.memref_squeeze %dma_wait3A_71 : memref<1x400xi32, #tpu.memory_space<vmem>> -> memref<400xi32, #tpu.memory_space<vmem>>
      %dma_wait3A_73 = tpu.memref_slice %arg3[%dma_wait3A_69, %add3A_68] : memref<2x320000xi32, #tpu.memory_space<hbm>> -> memref<1x400xi32, #tpu.memory_space<hbm>>
      %dma_wait3A_74 = tpu.memref_squeeze %dma_wait3A_73 : memref<1x400xi32, #tpu.memory_space<hbm>> -> memref<400xi32, #tpu.memory_space<hbm>>
      %dma_wait3A_75 = arith.constant 0 : i32
      %dma_wait3A_76 = tpu.memref_slice %arg5[%scan3A_65, %dma_wait3A_75] : memref<25x400xi32, #tpu.memory_space<vmem>> -> memref<1x400xi32, #tpu.memory_space<vmem>>
      %dma_wait3A_77 = tpu.memref_squeeze %dma_wait3A_76 : memref<1x400xi32, #tpu.memory_space<vmem>> -> memref<400xi32, #tpu.memory_space<vmem>>
      %dma_wait3A_78 = tpu.memref_slice %arg3[%dma_wait3A_69, %add3A_68] : memref<2x320000xi32, #tpu.memory_space<hbm>> -> memref<1x400xi32, #tpu.memory_space<hbm>>
      %dma_wait3A_79 = tpu.memref_squeeze %dma_wait3A_78 : memref<1x400xi32, #tpu.memory_space<hbm>> -> memref<400xi32, #tpu.memory_space<hbm>>
      tpu.wait_dma2 semaphore(%arg14 : memref<!tpu.dma_semaphore, #tpu.memory_space<semaphore_mem>>) src(%dma_wait3A_79 : memref<400xi32, #tpu.memory_space<hbm>>) dst(%dma_wait3A_77 : memref<400xi32, #tpu.memory_space<vmem>>)
      %mul3A_80 = arith.constant 400 : i32
      %mul3A_81 = arith.muli %scan3A_65, %mul3A_80 : i32
      %add3A_82 = arith.addi %mul3A_2, %mul3A_81 : i32
      %dma_wait3A_83 = arith.constant 1 : i32
      %dma_wait3A_84 = arith.constant 0 : i32
      %dma_wait3A_85 = tpu.memref_slice %arg6[%scan3A_65, %dma_wait3A_84] : memref<25x400xi32, #tpu.memory_space<vmem>> -> memref<1x400xi32, #tpu.memory_space<vmem>>
      %dma_wait3A_86 = tpu.memref_squeeze %dma_wait3A_85 : memref<1x400xi32, #tpu.memory_space<vmem>> -> memref<400xi32, #tpu.memory_space<vmem>>
      %dma_wait3A_87 = tpu.memref_slice %arg3[%dma_wait3A_83, %add3A_82] : memref<2x320000xi32, #tpu.memory_space<hbm>> -> memref<1x400xi32, #tpu.memory_space<hbm>>
      %dma_wait3A_88 = tpu.memref_squeeze %dma_wait3A_87 : memref<1x400xi32, #tpu.memory_space<hbm>> -> memref<400xi32, #tpu.memory_space<hbm>>
      %dma_wait3A_89 = arith.constant 0 : i32
      %dma_wait3A_90 = tpu.memref_slice %arg6[%scan3A_65, %dma_wait3A_89] : memref<25x400xi32, #tpu.memory_space<vmem>> -> memref<1x400xi32, #tpu.memory_space<vmem>>
      %dma_wait3A_91 = tpu.memref_squeeze %dma_wait3A_90 : memref<1x400xi32, #tpu.memory_space<vmem>> -> memref<400xi32, #tpu.memory_space<vmem>>
      %dma_wait3A_92 = tpu.memref_slice %arg3[%dma_wait3A_83, %add3A_82] : memref<2x320000xi32, #tpu.memory_space<hbm>> -> memref<1x400xi32, #tpu.memory_space<hbm>>
      %dma_wait3A_93 = tpu.memref_squeeze %dma_wait3A_92 : memref<1x400xi32, #tpu.memory_space<hbm>> -> memref<400xi32, #tpu.memory_space<hbm>>
      tpu.wait_dma2 semaphore(%arg14 : memref<!tpu.dma_semaphore, #tpu.memory_space<semaphore_mem>>) src(%dma_wait3A_93 : memref<400xi32, #tpu.memory_space<hbm>>) dst(%dma_wait3A_91 : memref<400xi32, #tpu.memory_space<vmem>>)
    }
    %scan3A_22 = arith.constant 25 : i32
    %barrier3A = arith.constant 0 : index
    tpu.barrier barrier_id(%barrier3A)
    %dma_start3A = arith.constant 0 : i32
    %dma_start3A_23 = arith.constant 0 : i32
    %dma_start3A_24 = tpu.memref_slice %arg5[%dma_start3A, %dma_start3A_23] : memref<25x400xi32, #tpu.memory_space<vmem>> -> memref<1x400xi32, #tpu.memory_space<vmem>>
    %dma_start3A_25 = tpu.memref_squeeze %dma_start3A_24 : memref<1x400xi32, #tpu.memory_space<vmem>> -> memref<400xi32, #tpu.memory_space<vmem>>
    %dma_start3A_26 = arith.constant 0 : i32
    %dma_start3A_27 = arith.constant 0 : i32
    %dma_start3A_28 = tpu.memref_slice %arg2[%dma_start3A_26, %dma_start3A_27] : memref<10240x16xf32, #tpu.memory_space<hbm>> -> memref<10240x16xf32, #tpu.memory_space<hbm>>
    tpu.enqueue_indirect_dma source(%dma_start3A_28 : memref<10240x16xf32, #tpu.memory_space<hbm>>) target(%arg7 : memref<400x16xf32, #tpu.memory_space<vmem>>) offsets(%dma_start3A_25 : memref<400xi32, #tpu.memory_space<vmem>>) semaphore(%arg14 : memref<!tpu.dma_semaphore, #tpu.memory_space<semaphore_mem>>)
    %dma_start3A_29 = arith.constant 1 : i32
    %dma_start3A_30 = arith.constant 0 : i32
    %dma_start3A_31 = tpu.memref_slice %arg5[%dma_start3A_29, %dma_start3A_30] : memref<25x400xi32, #tpu.memory_space<vmem>> -> memref<1x400xi32, #tpu.memory_space<vmem>>
    %dma_start3A_32 = tpu.memref_squeeze %dma_start3A_31 : memref<1x400xi32, #tpu.memory_space<vmem>> -> memref<400xi32, #tpu.memory_space<vmem>>
    %dma_start3A_33 = arith.constant 0 : i32
    %dma_start3A_34 = arith.constant 0 : i32
    %dma_start3A_35 = tpu.memref_slice %arg2[%dma_start3A_33, %dma_start3A_34] : memref<10240x16xf32, #tpu.memory_space<hbm>> -> memref<10240x16xf32, #tpu.memory_space<hbm>>
    tpu.enqueue_indirect_dma source(%dma_start3A_35 : memref<10240x16xf32, #tpu.memory_space<hbm>>) target(%arg8 : memref<400x16xf32, #tpu.memory_space<vmem>>) offsets(%dma_start3A_32 : memref<400xi32, #tpu.memory_space<vmem>>) semaphore(%arg14 : memref<!tpu.dma_semaphore, #tpu.memory_space<semaphore_mem>>)
    %dma_start3A_36 = arith.constant 2 : i32
    %dma_start3A_37 = arith.constant 0 : i32
    %dma_start3A_38 = tpu.memref_slice %arg5[%dma_start3A_36, %dma_start3A_37] : memref<25x400xi32, #tpu.memory_space<vmem>> -> memref<1x400xi32, #tpu.memory_space<vmem>>
    %dma_start3A_39 = tpu.memref_squeeze %dma_start3A_38 : memref<1x400xi32, #tpu.memory_space<vmem>> -> memref<400xi32, #tpu.memory_space<vmem>>
    %dma_start3A_40 = arith.constant 0 : i32
    %dma_start3A_41 = arith.constant 0 : i32
    %dma_start3A_42 = tpu.memref_slice %arg2[%dma_start3A_40, %dma_start3A_41] : memref<10240x16xf32, #tpu.memory_space<hbm>> -> memref<10240x16xf32, #tpu.memory_space<hbm>>
    tpu.enqueue_indirect_dma source(%dma_start3A_42 : memref<10240x16xf32, #tpu.memory_space<hbm>>) target(%arg9 : memref<400x16xf32, #tpu.memory_space<vmem>>) offsets(%dma_start3A_39 : memref<400xi32, #tpu.memory_space<vmem>>) semaphore(%arg14 : memref<!tpu.dma_semaphore, #tpu.memory_space<semaphore_mem>>)
    %dma_start3A_43 = arith.constant 3 : i32
    %dma_start3A_44 = arith.constant 0 : i32
    %dma_start3A_45 = tpu.memref_slice %arg5[%dma_start3A_43, %dma_start3A_44] : memref<25x400xi32, #tpu.memory_space<vmem>> -> memref<1x400xi32, #tpu.memory_space<vmem>>
    %dma_start3A_46 = tpu.memref_squeeze %dma_start3A_45 : memref<1x400xi32, #tpu.memory_space<vmem>> -> memref<400xi32, #tpu.memory_space<vmem>>
    %dma_start3A_47 = arith.constant 0 : i32
    %dma_start3A_48 = arith.constant 0 : i32
    %dma_start3A_49 = tpu.memref_slice %arg2[%dma_start3A_47, %dma_start3A_48] : memref<10240x16xf32, #tpu.memory_space<hbm>> -> memref<10240x16xf32, #tpu.memory_space<hbm>>
    tpu.enqueue_indirect_dma source(%dma_start3A_49 : memref<10240x16xf32, #tpu.memory_space<hbm>>) target(%arg10 : memref<400x16xf32, #tpu.memory_space<vmem>>) offsets(%dma_start3A_46 : memref<400xi32, #tpu.memory_space<vmem>>) semaphore(%arg14 : memref<!tpu.dma_semaphore, #tpu.memory_space<semaphore_mem>>)
    %scan3A_50 = arith.constant 0 : i32
    %scan3A_51 = arith.constant 0 : i32
    %scan3A_52 = arith.constant 5 : i32
    %scan3A_53 = arith.addi %scan3A_51, %scan3A_52 : i32
    %scan3A_54 = arith.constant 1 : i32
    scf.for %scan3A_65 = %scan3A_51 to %scan3A_53 step %scan3A_54  : i32 {
      %mul3A_66 = arith.constant 5 : i32
      %mul3A_67 = arith.muli %scan3A_65, %mul3A_66 : i32
      %add3A_68 = arith.constant 0 : i32
      %add3A_69 = arith.addi %mul3A_67, %add3A_68 : i32
      %ge3A = arith.constant 1 : i32
      %ge3A_70 = arith.cmpi sge, %add3A_69, %ge3A : i32
      %convert_element_type3A = arith.extui %ge3A_70 : i1 to i32
      %cond3A = arith.constant 0 : i32
      %cond3A_71 = arith.cmpi ne, %convert_element_type3A, %cond3A : i32
      scf.if %cond3A_71 {
        %sub3A_213 = arith.constant 1 : i32
        %sub3A_214 = arith.subi %add3A_69, %sub3A_213 : i32
        %dma_wait3A_215 = arith.constant 0 : i32
        %dma_wait3A_216 = tpu.memref_slice %arg6[%sub3A_214, %dma_wait3A_215] : memref<25x400xi32, #tpu.memory_space<vmem>> -> memref<1x400xi32, #tpu.memory_space<vmem>>
        %dma_wait3A_217 = tpu.memref_squeeze %dma_wait3A_216 : memref<1x400xi32, #tpu.memory_space<vmem>> -> memref<400xi32, #tpu.memory_space<vmem>>
        %dma_wait3A_218 = arith.constant 0 : i32
        %dma_wait3A_219 = arith.constant 0 : i32
        %dma_wait3A_220 = tpu.memref_slice %arg13[%dma_wait3A_218, %dma_wait3A_219] : memref<10240x16xf32, #tpu.memory_space<vmem_shared>> -> memref<10240x16xf32, #tpu.memory_space<vmem_shared>>
        tpu.wait_indirect_dma semaphore(%arg15 : memref<!tpu.dma_semaphore, #tpu.memory_space<semaphore_mem>>) src(%arg11 : memref<400x16xf32, #tpu.memory_space<vmem>>) dst(%dma_wait3A_220 : memref<10240x16xf32, #tpu.memory_space<vmem_shared>>)
      } else {
      }
      %add3A_72 = arith.constant 4 : i32
      %add3A_73 = arith.addi %add3A_69, %add3A_72 : i32
      %lt3A = arith.constant 25 : i32
      %lt3A_74 = arith.cmpi slt, %add3A_73, %lt3A : i32
      %convert_element_type3A_75 = arith.extui %lt3A_74 : i1 to i32
      %cond3A_76 = arith.constant 0 : i32
      %cond3A_77 = arith.cmpi ne, %convert_element_type3A_75, %cond3A_76 : i32
      scf.if %cond3A_77 {
        %add3A_213 = arith.constant 4 : i32
        %add3A_214 = arith.addi %add3A_69, %add3A_213 : i32
        %dma_start3A_215 = arith.constant 0 : i32
        %dma_start3A_216 = tpu.memref_slice %arg5[%add3A_214, %dma_start3A_215] : memref<25x400xi32, #tpu.memory_space<vmem>> -> memref<1x400xi32, #tpu.memory_space<vmem>>
        %dma_start3A_217 = tpu.memref_squeeze %dma_start3A_216 : memref<1x400xi32, #tpu.memory_space<vmem>> -> memref<400xi32, #tpu.memory_space<vmem>>
        %dma_start3A_218 = arith.constant 0 : i32
        %dma_start3A_219 = arith.constant 0 : i32
        %dma_start3A_220 = tpu.memref_slice %arg2[%dma_start3A_218, %dma_start3A_219] : memref<10240x16xf32, #tpu.memory_space<hbm>> -> memref<10240x16xf32, #tpu.memory_space<hbm>>
        tpu.enqueue_indirect_dma source(%dma_start3A_220 : memref<10240x16xf32, #tpu.memory_space<hbm>>) target(%arg11 : memref<400x16xf32, #tpu.memory_space<vmem>>) offsets(%dma_start3A_217 : memref<400xi32, #tpu.memory_space<vmem>>) semaphore(%arg14 : memref<!tpu.dma_semaphore, #tpu.memory_space<semaphore_mem>>)
      } else {
      }
      %dma_wait3A_78 = arith.constant 0 : i32
      %dma_wait3A_79 = tpu.memref_slice %arg5[%add3A_69, %dma_wait3A_78] : memref<25x400xi32, #tpu.memory_space<vmem>> -> memref<1x400xi32, #tpu.memory_space<vmem>>
      %dma_wait3A_80 = tpu.memref_squeeze %dma_wait3A_79 : memref<1x400xi32, #tpu.memory_space<vmem>> -> memref<400xi32, #tpu.memory_space<vmem>>
      %dma_wait3A_81 = arith.constant 0 : i32
      %dma_wait3A_82 = arith.constant 0 : i32
      %dma_wait3A_83 = tpu.memref_slice %arg2[%dma_wait3A_81, %dma_wait3A_82] : memref<10240x16xf32, #tpu.memory_space<hbm>> -> memref<10240x16xf32, #tpu.memory_space<hbm>>
      tpu.wait_indirect_dma semaphore(%arg14 : memref<!tpu.dma_semaphore, #tpu.memory_space<semaphore_mem>>) src(%dma_wait3A_83 : memref<10240x16xf32, #tpu.memory_space<hbm>>) dst(%arg7 : memref<400x16xf32, #tpu.memory_space<vmem>>)
      %dma_start3A_84 = arith.constant 0 : i32
      %dma_start3A_85 = tpu.memref_slice %arg6[%add3A_69, %dma_start3A_84] : memref<25x400xi32, #tpu.memory_space<vmem>> -> memref<1x400xi32, #tpu.memory_space<vmem>>
      %dma_start3A_86 = tpu.memref_squeeze %dma_start3A_85 : memref<1x400xi32, #tpu.memory_space<vmem>> -> memref<400xi32, #tpu.memory_space<vmem>>
      %dma_start3A_87 = arith.constant 0 : i32
      %dma_start3A_88 = arith.constant 0 : i32
      %dma_start3A_89 = tpu.memref_slice %arg13[%dma_start3A_87, %dma_start3A_88] : memref<10240x16xf32, #tpu.memory_space<vmem_shared>> -> memref<10240x16xf32, #tpu.memory_space<vmem_shared>>
      tpu.enqueue_indirect_dma source(%arg7 : memref<400x16xf32, #tpu.memory_space<vmem>>) target(%dma_start3A_89 : memref<10240x16xf32, #tpu.memory_space<vmem_shared>>) offsets(%dma_start3A_86 : memref<400xi32, #tpu.memory_space<vmem>>) semaphore(%arg15 : memref<!tpu.dma_semaphore, #tpu.memory_space<semaphore_mem>>) {add = true}
      %mul3A_90 = arith.constant 5 : i32
      %mul3A_91 = arith.muli %scan3A_65, %mul3A_90 : i32
      %add3A_92 = arith.constant 1 : i32
      %add3A_93 = arith.addi %mul3A_91, %add3A_92 : i32
      %sub3A = arith.constant 1 : i32
      %sub3A_94 = arith.subi %add3A_93, %sub3A : i32
      %dma_wait3A_95 = arith.constant 0 : i32
      %dma_wait3A_96 = tpu.memref_slice %arg6[%sub3A_94, %dma_wait3A_95] : memref<25x400xi32, #tpu.memory_space<vmem>> -> memref<1x400xi32, #tpu.memory_space<vmem>>
      %dma_wait3A_97 = tpu.memref_squeeze %dma_wait3A_96 : memref<1x400xi32, #tpu.memory_space<vmem>> -> memref<400xi32, #tpu.memory_space<vmem>>
      %dma_wait3A_98 = arith.constant 0 : i32
      %dma_wait3A_99 = arith.constant 0 : i32
      %dma_wait3A_100 = tpu.memref_slice %arg13[%dma_wait3A_98, %dma_wait3A_99] : memref<10240x16xf32, #tpu.memory_space<vmem_shared>> -> memref<10240x16xf32, #tpu.memory_space<vmem_shared>>
      tpu.wait_indirect_dma semaphore(%arg15 : memref<!tpu.dma_semaphore, #tpu.memory_space<semaphore_mem>>) src(%arg7 : memref<400x16xf32, #tpu.memory_space<vmem>>) dst(%dma_wait3A_100 : memref<10240x16xf32, #tpu.memory_space<vmem_shared>>)
      %add3A_101 = arith.constant 4 : i32
      %add3A_102 = arith.addi %add3A_93, %add3A_101 : i32
      %lt3A_103 = arith.constant 25 : i32
      %lt3A_104 = arith.cmpi slt, %add3A_102, %lt3A_103 : i32
      %convert_element_type3A_105 = arith.extui %lt3A_104 : i1 to i32
      %cond3A_106 = arith.constant 0 : i32
      %cond3A_107 = arith.cmpi ne, %convert_element_type3A_105, %cond3A_106 : i32
      scf.if %cond3A_107 {
        %add3A_213 = arith.constant 4 : i32
        %add3A_214 = arith.addi %add3A_93, %add3A_213 : i32
        %dma_start3A_215 = arith.constant 0 : i32
        %dma_start3A_216 = tpu.memref_slice %arg5[%add3A_214, %dma_start3A_215] : memref<25x400xi32, #tpu.memory_space<vmem>> -> memref<1x400xi32, #tpu.memory_space<vmem>>
        %dma_start3A_217 = tpu.memref_squeeze %dma_start3A_216 : memref<1x400xi32, #tpu.memory_space<vmem>> -> memref<400xi32, #tpu.memory_space<vmem>>
        %dma_start3A_218 = arith.constant 0 : i32
        %dma_start3A_219 = arith.constant 0 : i32
        %dma_start3A_220 = tpu.memref_slice %arg2[%dma_start3A_218, %dma_start3A_219] : memref<10240x16xf32, #tpu.memory_space<hbm>> -> memref<10240x16xf32, #tpu.memory_space<hbm>>
        tpu.enqueue_indirect_dma source(%dma_start3A_220 : memref<10240x16xf32, #tpu.memory_space<hbm>>) target(%arg7 : memref<400x16xf32, #tpu.memory_space<vmem>>) offsets(%dma_start3A_217 : memref<400xi32, #tpu.memory_space<vmem>>) semaphore(%arg14 : memref<!tpu.dma_semaphore, #tpu.memory_space<semaphore_mem>>)
      } else {
      }
      %dma_wait3A_108 = arith.constant 0 : i32
      %dma_wait3A_109 = tpu.memref_slice %arg5[%add3A_93, %dma_wait3A_108] : memref<25x400xi32, #tpu.memory_space<vmem>> -> memref<1x400xi32, #tpu.memory_space<vmem>>
      %dma_wait3A_110 = tpu.memref_squeeze %dma_wait3A_109 : memref<1x400xi32, #tpu.memory_space<vmem>> -> memref<400xi32, #tpu.memory_space<vmem>>
      %dma_wait3A_111 = arith.constant 0 : i32
      %dma_wait3A_112 = arith.constant 0 : i32
      %dma_wait3A_113 = tpu.memref_slice %arg2[%dma_wait3A_111, %dma_wait3A_112] : memref<10240x16xf32, #tpu.memory_space<hbm>> -> memref<10240x16xf32, #tpu.memory_space<hbm>>
      tpu.wait_indirect_dma semaphore(%arg14 : memref<!tpu.dma_semaphore, #tpu.memory_space<semaphore_mem>>) src(%dma_wait3A_113 : memref<10240x16xf32, #tpu.memory_space<hbm>>) dst(%arg8 : memref<400x16xf32, #tpu.memory_space<vmem>>)
      %dma_start3A_114 = arith.constant 0 : i32
      %dma_start3A_115 = tpu.memref_slice %arg6[%add3A_93, %dma_start3A_114] : memref<25x400xi32, #tpu.memory_space<vmem>> -> memref<1x400xi32, #tpu.memory_space<vmem>>
      %dma_start3A_116 = tpu.memref_squeeze %dma_start3A_115 : memref<1x400xi32, #tpu.memory_space<vmem>> -> memref<400xi32, #tpu.memory_space<vmem>>
      %dma_start3A_117 = arith.constant 0 : i32
      %dma_start3A_118 = arith.constant 0 : i32
      %dma_start3A_119 = tpu.memref_slice %arg13[%dma_start3A_117, %dma_start3A_118] : memref<10240x16xf32, #tpu.memory_space<vmem_shared>> -> memref<10240x16xf32, #tpu.memory_space<vmem_shared>>
      tpu.enqueue_indirect_dma source(%arg8 : memref<400x16xf32, #tpu.memory_space<vmem>>) target(%dma_start3A_119 : memref<10240x16xf32, #tpu.memory_space<vmem_shared>>) offsets(%dma_start3A_116 : memref<400xi32, #tpu.memory_space<vmem>>) semaphore(%arg15 : memref<!tpu.dma_semaphore, #tpu.memory_space<semaphore_mem>>) {add = true}
      %mul3A_120 = arith.constant 5 : i32
      %mul3A_121 = arith.muli %scan3A_65, %mul3A_120 : i32
      %add3A_122 = arith.constant 2 : i32
      %add3A_123 = arith.addi %mul3A_121, %add3A_122 : i32
      %sub3A_124 = arith.constant 1 : i32
      %sub3A_125 = arith.subi %add3A_123, %sub3A_124 : i32
      %dma_wait3A_126 = arith.constant 0 : i32
      %dma_wait3A_127 = tpu.memref_slice %arg6[%sub3A_125, %dma_wait3A_126] : memref<25x400xi32, #tpu.memory_space<vmem>> -> memref<1x400xi32, #tpu.memory_space<vmem>>
      %dma_wait3A_128 = tpu.memref_squeeze %dma_wait3A_127 : memref<1x400xi32, #tpu.memory_space<vmem>> -> memref<400xi32, #tpu.memory_space<vmem>>
      %dma_wait3A_129 = arith.constant 0 : i32
      %dma_wait3A_130 = arith.constant 0 : i32
      %dma_wait3A_131 = tpu.memref_slice %arg13[%dma_wait3A_129, %dma_wait3A_130] : memref<10240x16xf32, #tpu.memory_space<vmem_shared>> -> memref<10240x16xf32, #tpu.memory_space<vmem_shared>>
      tpu.wait_indirect_dma semaphore(%arg15 : memref<!tpu.dma_semaphore, #tpu.memory_space<semaphore_mem>>) src(%arg8 : memref<400x16xf32, #tpu.memory_space<vmem>>) dst(%dma_wait3A_131 : memref<10240x16xf32, #tpu.memory_space<vmem_shared>>)
      %add3A_132 = arith.constant 4 : i32
      %add3A_133 = arith.addi %add3A_123, %add3A_132 : i32
      %lt3A_134 = arith.constant 25 : i32
      %lt3A_135 = arith.cmpi slt, %add3A_133, %lt3A_134 : i32
      %convert_element_type3A_136 = arith.extui %lt3A_135 : i1 to i32
      %cond3A_137 = arith.constant 0 : i32
      %cond3A_138 = arith.cmpi ne, %convert_element_type3A_136, %cond3A_137 : i32
      scf.if %cond3A_138 {
        %add3A_213 = arith.constant 4 : i32
        %add3A_214 = arith.addi %add3A_123, %add3A_213 : i32
        %dma_start3A_215 = arith.constant 0 : i32
        %dma_start3A_216 = tpu.memref_slice %arg5[%add3A_214, %dma_start3A_215] : memref<25x400xi32, #tpu.memory_space<vmem>> -> memref<1x400xi32, #tpu.memory_space<vmem>>
        %dma_start3A_217 = tpu.memref_squeeze %dma_start3A_216 : memref<1x400xi32, #tpu.memory_space<vmem>> -> memref<400xi32, #tpu.memory_space<vmem>>
        %dma_start3A_218 = arith.constant 0 : i32
        %dma_start3A_219 = arith.constant 0 : i32
        %dma_start3A_220 = tpu.memref_slice %arg2[%dma_start3A_218, %dma_start3A_219] : memref<10240x16xf32, #tpu.memory_space<hbm>> -> memref<10240x16xf32, #tpu.memory_space<hbm>>
        tpu.enqueue_indirect_dma source(%dma_start3A_220 : memref<10240x16xf32, #tpu.memory_space<hbm>>) target(%arg8 : memref<400x16xf32, #tpu.memory_space<vmem>>) offsets(%dma_start3A_217 : memref<400xi32, #tpu.memory_space<vmem>>) semaphore(%arg14 : memref<!tpu.dma_semaphore, #tpu.memory_space<semaphore_mem>>)
      } else {
      }
      %dma_wait3A_139 = arith.constant 0 : i32
      %dma_wait3A_140 = tpu.memref_slice %arg5[%add3A_123, %dma_wait3A_139] : memref<25x400xi32, #tpu.memory_space<vmem>> -> memref<1x400xi32, #tpu.memory_space<vmem>>
      %dma_wait3A_141 = tpu.memref_squeeze %dma_wait3A_140 : memref<1x400xi32, #tpu.memory_space<vmem>> -> memref<400xi32, #tpu.memory_space<vmem>>
      %dma_wait3A_142 = arith.constant 0 : i32
      %dma_wait3A_143 = arith.constant 0 : i32
      %dma_wait3A_144 = tpu.memref_slice %arg2[%dma_wait3A_142, %dma_wait3A_143] : memref<10240x16xf32, #tpu.memory_space<hbm>> -> memref<10240x16xf32, #tpu.memory_space<hbm>>
      tpu.wait_indirect_dma semaphore(%arg14 : memref<!tpu.dma_semaphore, #tpu.memory_space<semaphore_mem>>) src(%dma_wait3A_144 : memref<10240x16xf32, #tpu.memory_space<hbm>>) dst(%arg9 : memref<400x16xf32, #tpu.memory_space<vmem>>)
      %dma_start3A_145 = arith.constant 0 : i32
      %dma_start3A_146 = tpu.memref_slice %arg6[%add3A_123, %dma_start3A_145] : memref<25x400xi32, #tpu.memory_space<vmem>> -> memref<1x400xi32, #tpu.memory_space<vmem>>
      %dma_start3A_147 = tpu.memref_squeeze %dma_start3A_146 : memref<1x400xi32, #tpu.memory_space<vmem>> -> memref<400xi32, #tpu.memory_space<vmem>>
      %dma_start3A_148 = arith.constant 0 : i32
      %dma_start3A_149 = arith.constant 0 : i32
      %dma_start3A_150 = tpu.memref_slice %arg13[%dma_start3A_148, %dma_start3A_149] : memref<10240x16xf32, #tpu.memory_space<vmem_shared>> -> memref<10240x16xf32, #tpu.memory_space<vmem_shared>>
      tpu.enqueue_indirect_dma source(%arg9 : memref<400x16xf32, #tpu.memory_space<vmem>>) target(%dma_start3A_150 : memref<10240x16xf32, #tpu.memory_space<vmem_shared>>) offsets(%dma_start3A_147 : memref<400xi32, #tpu.memory_space<vmem>>) semaphore(%arg15 : memref<!tpu.dma_semaphore, #tpu.memory_space<semaphore_mem>>) {add = true}
      %mul3A_151 = arith.constant 5 : i32
      %mul3A_152 = arith.muli %scan3A_65, %mul3A_151 : i32
      %add3A_153 = arith.constant 3 : i32
      %add3A_154 = arith.addi %mul3A_152, %add3A_153 : i32
      %sub3A_155 = arith.constant 1 : i32
      %sub3A_156 = arith.subi %add3A_154, %sub3A_155 : i32
      %dma_wait3A_157 = arith.constant 0 : i32
      %dma_wait3A_158 = tpu.memref_slice %arg6[%sub3A_156, %dma_wait3A_157] : memref<25x400xi32, #tpu.memory_space<vmem>> -> memref<1x400xi32, #tpu.memory_space<vmem>>
      %dma_wait3A_159 = tpu.memref_squeeze %dma_wait3A_158 : memref<1x400xi32, #tpu.memory_space<vmem>> -> memref<400xi32, #tpu.memory_space<vmem>>
      %dma_wait3A_160 = arith.constant 0 : i32
      %dma_wait3A_161 = arith.constant 0 : i32
      %dma_wait3A_162 = tpu.memref_slice %arg13[%dma_wait3A_160, %dma_wait3A_161] : memref<10240x16xf32, #tpu.memory_space<vmem_shared>> -> memref<10240x16xf32, #tpu.memory_space<vmem_shared>>
      tpu.wait_indirect_dma semaphore(%arg15 : memref<!tpu.dma_semaphore, #tpu.memory_space<semaphore_mem>>) src(%arg9 : memref<400x16xf32, #tpu.memory_space<vmem>>) dst(%dma_wait3A_162 : memref<10240x16xf32, #tpu.memory_space<vmem_shared>>)
      %add3A_163 = arith.constant 4 : i32
      %add3A_164 = arith.addi %add3A_154, %add3A_163 : i32
      %lt3A_165 = arith.constant 25 : i32
      %lt3A_166 = arith.cmpi slt, %add3A_164, %lt3A_165 : i32
      %convert_element_type3A_167 = arith.extui %lt3A_166 : i1 to i32
      %cond3A_168 = arith.constant 0 : i32
      %cond3A_169 = arith.cmpi ne, %convert_element_type3A_167, %cond3A_168 : i32
      scf.if %cond3A_169 {
        %add3A_213 = arith.constant 4 : i32
        %add3A_214 = arith.addi %add3A_154, %add3A_213 : i32
        %dma_start3A_215 = arith.constant 0 : i32
        %dma_start3A_216 = tpu.memref_slice %arg5[%add3A_214, %dma_start3A_215] : memref<25x400xi32, #tpu.memory_space<vmem>> -> memref<1x400xi32, #tpu.memory_space<vmem>>
        %dma_start3A_217 = tpu.memref_squeeze %dma_start3A_216 : memref<1x400xi32, #tpu.memory_space<vmem>> -> memref<400xi32, #tpu.memory_space<vmem>>
        %dma_start3A_218 = arith.constant 0 : i32
        %dma_start3A_219 = arith.constant 0 : i32
        %dma_start3A_220 = tpu.memref_slice %arg2[%dma_start3A_218, %dma_start3A_219] : memref<10240x16xf32, #tpu.memory_space<hbm>> -> memref<10240x16xf32, #tpu.memory_space<hbm>>
        tpu.enqueue_indirect_dma source(%dma_start3A_220 : memref<10240x16xf32, #tpu.memory_space<hbm>>) target(%arg9 : memref<400x16xf32, #tpu.memory_space<vmem>>) offsets(%dma_start3A_217 : memref<400xi32, #tpu.memory_space<vmem>>) semaphore(%arg14 : memref<!tpu.dma_semaphore, #tpu.memory_space<semaphore_mem>>)
      } else {
      }
      %dma_wait3A_170 = arith.constant 0 : i32
      %dma_wait3A_171 = tpu.memref_slice %arg5[%add3A_154, %dma_wait3A_170] : memref<25x400xi32, #tpu.memory_space<vmem>> -> memref<1x400xi32, #tpu.memory_space<vmem>>
      %dma_wait3A_172 = tpu.memref_squeeze %dma_wait3A_171 : memref<1x400xi32, #tpu.memory_space<vmem>> -> memref<400xi32, #tpu.memory_space<vmem>>
      %dma_wait3A_173 = arith.constant 0 : i32
      %dma_wait3A_174 = arith.constant 0 : i32
      %dma_wait3A_175 = tpu.memref_slice %arg2[%dma_wait3A_173, %dma_wait3A_174] : memref<10240x16xf32, #tpu.memory_space<hbm>> -> memref<10240x16xf32, #tpu.memory_space<hbm>>
      tpu.wait_indirect_dma semaphore(%arg14 : memref<!tpu.dma_semaphore, #tpu.memory_space<semaphore_mem>>) src(%dma_wait3A_175 : memref<10240x16xf32, #tpu.memory_space<hbm>>) dst(%arg10 : memref<400x16xf32, #tpu.memory_space<vmem>>)
      %dma_start3A_176 = arith.constant 0 : i32
      %dma_start3A_177 = tpu.memref_slice %arg6[%add3A_154, %dma_start3A_176] : memref<25x400xi32, #tpu.memory_space<vmem>> -> memref<1x400xi32, #tpu.memory_space<vmem>>
      %dma_start3A_178 = tpu.memref_squeeze %dma_start3A_177 : memref<1x400xi32, #tpu.memory_space<vmem>> -> memref<400xi32, #tpu.memory_space<vmem>>
      %dma_start3A_179 = arith.constant 0 : i32
      %dma_start3A_180 = arith.constant 0 : i32
      %dma_start3A_181 = tpu.memref_slice %arg13[%dma_start3A_179, %dma_start3A_180] : memref<10240x16xf32, #tpu.memory_space<vmem_shared>> -> memref<10240x16xf32, #tpu.memory_space<vmem_shared>>
      tpu.enqueue_indirect_dma source(%arg10 : memref<400x16xf32, #tpu.memory_space<vmem>>) target(%dma_start3A_181 : memref<10240x16xf32, #tpu.memory_space<vmem_shared>>) offsets(%dma_start3A_178 : memref<400xi32, #tpu.memory_space<vmem>>) semaphore(%arg15 : memref<!tpu.dma_semaphore, #tpu.memory_space<semaphore_mem>>) {add = true}
      %mul3A_182 = arith.constant 5 : i32
      %mul3A_183 = arith.muli %scan3A_65, %mul3A_182 : i32
      %add3A_184 = arith.constant 4 : i32
      %add3A_185 = arith.addi %mul3A_183, %add3A_184 : i32
      %sub3A_186 = arith.constant 1 : i32
      %sub3A_187 = arith.subi %add3A_185, %sub3A_186 : i32
      %dma_wait3A_188 = arith.constant 0 : i32
      %dma_wait3A_189 = tpu.memref_slice %arg6[%sub3A_187, %dma_wait3A_188] : memref<25x400xi32, #tpu.memory_space<vmem>> -> memref<1x400xi32, #tpu.memory_space<vmem>>
      %dma_wait3A_190 = tpu.memref_squeeze %dma_wait3A_189 : memref<1x400xi32, #tpu.memory_space<vmem>> -> memref<400xi32, #tpu.memory_space<vmem>>
      %dma_wait3A_191 = arith.constant 0 : i32
      %dma_wait3A_192 = arith.constant 0 : i32
      %dma_wait3A_193 = tpu.memref_slice %arg13[%dma_wait3A_191, %dma_wait3A_192] : memref<10240x16xf32, #tpu.memory_space<vmem_shared>> -> memref<10240x16xf32, #tpu.memory_space<vmem_shared>>
      tpu.wait_indirect_dma semaphore(%arg15 : memref<!tpu.dma_semaphore, #tpu.memory_space<semaphore_mem>>) src(%arg10 : memref<400x16xf32, #tpu.memory_space<vmem>>) dst(%dma_wait3A_193 : memref<10240x16xf32, #tpu.memory_space<vmem_shared>>)
      %add3A_194 = arith.constant 4 : i32
      %add3A_195 = arith.addi %add3A_185, %add3A_194 : i32
      %lt3A_196 = arith.constant 25 : i32
      %lt3A_197 = arith.cmpi slt, %add3A_195, %lt3A_196 : i32
      %convert_element_type3A_198 = arith.extui %lt3A_197 : i1 to i32
      %cond3A_199 = arith.constant 0 : i32
      %cond3A_200 = arith.cmpi ne, %convert_element_type3A_198, %cond3A_199 : i32
      scf.if %cond3A_200 {
        %add3A_213 = arith.constant 4 : i32
        %add3A_214 = arith.addi %add3A_185, %add3A_213 : i32
        %dma_start3A_215 = arith.constant 0 : i32
        %dma_start3A_216 = tpu.memref_slice %arg5[%add3A_214, %dma_start3A_215] : memref<25x400xi32, #tpu.memory_space<vmem>> -> memref<1x400xi32, #tpu.memory_space<vmem>>
        %dma_start3A_217 = tpu.memref_squeeze %dma_start3A_216 : memref<1x400xi32, #tpu.memory_space<vmem>> -> memref<400xi32, #tpu.memory_space<vmem>>
        %dma_start3A_218 = arith.constant 0 : i32
        %dma_start3A_219 = arith.constant 0 : i32
        %dma_start3A_220 = tpu.memref_slice %arg2[%dma_start3A_218, %dma_start3A_219] : memref<10240x16xf32, #tpu.memory_space<hbm>> -> memref<10240x16xf32, #tpu.memory_space<hbm>>
        tpu.enqueue_indirect_dma source(%dma_start3A_220 : memref<10240x16xf32, #tpu.memory_space<hbm>>) target(%arg10 : memref<400x16xf32, #tpu.memory_space<vmem>>) offsets(%dma_start3A_217 : memref<400xi32, #tpu.memory_space<vmem>>) semaphore(%arg14 : memref<!tpu.dma_semaphore, #tpu.memory_space<semaphore_mem>>)
      } else {
      }
      %dma_wait3A_201 = arith.constant 0 : i32
      %dma_wait3A_202 = tpu.memref_slice %arg5[%add3A_185, %dma_wait3A_201] : memref<25x400xi32, #tpu.memory_space<vmem>> -> memref<1x400xi32, #tpu.memory_space<vmem>>
      %dma_wait3A_203 = tpu.memref_squeeze %dma_wait3A_202 : memref<1x400xi32, #tpu.memory_space<vmem>> -> memref<400xi32, #tpu.memory_space<vmem>>
      %dma_wait3A_204 = arith.constant 0 : i32
      %dma_wait3A_205 = arith.constant 0 : i32
      %dma_wait3A_206 = tpu.memref_slice %arg2[%dma_wait3A_204, %dma_wait3A_205] : memref<10240x16xf32, #tpu.memory_space<hbm>> -> memref<10240x16xf32, #tpu.memory_space<hbm>>
      tpu.wait_indirect_dma semaphore(%arg14 : memref<!tpu.dma_semaphore, #tpu.memory_space<semaphore_mem>>) src(%dma_wait3A_206 : memref<10240x16xf32, #tpu.memory_space<hbm>>) dst(%arg11 : memref<400x16xf32, #tpu.memory_space<vmem>>)
      %dma_start3A_207 = arith.constant 0 : i32
      %dma_start3A_208 = tpu.memref_slice %arg6[%add3A_185, %dma_start3A_207] : memref<25x400xi32, #tpu.memory_space<vmem>> -> memref<1x400xi32, #tpu.memory_space<vmem>>
      %dma_start3A_209 = tpu.memref_squeeze %dma_start3A_208 : memref<1x400xi32, #tpu.memory_space<vmem>> -> memref<400xi32, #tpu.memory_space<vmem>>
      %dma_start3A_210 = arith.constant 0 : i32
      %dma_start3A_211 = arith.constant 0 : i32
      %dma_start3A_212 = tpu.memref_slice %arg13[%dma_start3A_210, %dma_start3A_211] : memref<10240x16xf32, #tpu.memory_space<vmem_shared>> -> memref<10240x16xf32, #tpu.memory_space<vmem_shared>>
      tpu.enqueue_indirect_dma source(%arg11 : memref<400x16xf32, #tpu.memory_space<vmem>>) target(%dma_start3A_212 : memref<10240x16xf32, #tpu.memory_space<vmem_shared>>) offsets(%dma_start3A_209 : memref<400xi32, #tpu.memory_space<vmem>>) semaphore(%arg15 : memref<!tpu.dma_semaphore, #tpu.memory_space<semaphore_mem>>) {add = true}
    }
    %scan3A_55 = arith.constant 5 : i32
    %dma_wait3A = arith.constant 24 : i32
    %dma_wait3A_56 = arith.constant 0 : i32
    %dma_wait3A_57 = tpu.memref_slice %arg6[%dma_wait3A, %dma_wait3A_56] : memref<25x400xi32, #tpu.memory_space<vmem>> -> memref<1x400xi32, #tpu.memory_space<vmem>>
    %dma_wait3A_58 = tpu.memref_squeeze %dma_wait3A_57 : memref<1x400xi32, #tpu.memory_space<vmem>> -> memref<400xi32, #tpu.memory_space<vmem>>
    %dma_wait3A_59 = arith.constant 0 : i32
    %dma_wait3A_60 = arith.constant 0 : i32
    %dma_wait3A_61 = tpu.memref_slice %arg13[%dma_wait3A_59, %dma_wait3A_60] : memref<10240x16xf32, #tpu.memory_space<vmem_shared>> -> memref<10240x16xf32, #tpu.memory_space<vmem_shared>>
    tpu.wait_indirect_dma semaphore(%arg15 : memref<!tpu.dma_semaphore, #tpu.memory_space<semaphore_mem>>) src(%arg11 : memref<400x16xf32, #tpu.memory_space<vmem>>) dst(%dma_wait3A_61 : memref<10240x16xf32, #tpu.memory_space<vmem_shared>>)
    %barrier3A_62 = arith.constant 0 : index
    tpu.barrier barrier_id(%barrier3A_62)
    %mul3A_63 = arith.constant 640 : i32
    %mul3A_64 = arith.muli %arg1, %mul3A_63 : i32
    "tpu.region"() ({
      %run_scoped3A = tpu.sem_alloc : memref<!tpu.dma_semaphore, #tpu.memory_space<semaphore_mem>>
      %dma_start3A_65 = arith.constant 0 : i32
      %dma_start3A_66 = tpu.memref_slice %arg13[%mul3A_64, %dma_start3A_65] : memref<10240x16xf32, #tpu.memory_space<vmem_shared>> -> memref<640x16xf32, #tpu.memory_space<vmem_shared>>
      %dma_start3A_67 = arith.constant 0 : i32
      %dma_start3A_68 = tpu.memref_slice %arg13[%mul3A_64, %dma_start3A_67] : memref<10240x16xf32, #tpu.memory_space<vmem_shared>> -> memref<640x16xf32, #tpu.memory_space<vmem_shared>>
      tpu.enqueue_dma source(%dma_start3A_68 : memref<640x16xf32, #tpu.memory_space<vmem_shared>>) target(%arg12 : memref<640x16xf32, #tpu.memory_space<vmem>>) target_semaphore(%run_scoped3A : memref<!tpu.dma_semaphore, #tpu.memory_space<semaphore_mem>>)
      %dma_wait3A_69 = arith.constant 0 : i32
      %dma_wait3A_70 = tpu.memref_slice %arg13[%mul3A_64, %dma_wait3A_69] : memref<10240x16xf32, #tpu.memory_space<vmem_shared>> -> memref<640x16xf32, #tpu.memory_space<vmem_shared>>
      %dma_wait3A_71 = arith.constant 0 : i32
      %dma_wait3A_72 = tpu.memref_slice %arg13[%mul3A_64, %dma_wait3A_71] : memref<10240x16xf32, #tpu.memory_space<vmem_shared>> -> memref<640x16xf32, #tpu.memory_space<vmem_shared>>
      tpu.wait_dma2 semaphore(%run_scoped3A : memref<!tpu.dma_semaphore, #tpu.memory_space<semaphore_mem>>) src(%dma_wait3A_72 : memref<640x16xf32, #tpu.memory_space<vmem_shared>>) dst(%arg12 : memref<640x16xf32, #tpu.memory_space<vmem>>)
      tpu.yield
    }) : () -> ()
    "tpu.region"() ({
      %run_scoped3A = tpu.sem_alloc : memref<!tpu.dma_semaphore, #tpu.memory_space<semaphore_mem>>
      %dma_start3A_65 = arith.constant 0 : i32
      %dma_start3A_66 = arith.constant 0 : i32
      %dma_start3A_67 = tpu.memref_slice %arg4[%arg0, %arg1, %dma_start3A_65, %dma_start3A_66] : memref<2x16x640x16xf32, #tpu.memory_space<hbm>> -> memref<1x1x640x16xf32, #tpu.memory_space<hbm>>
      %dma_start3A_68 = tpu.memref_squeeze %dma_start3A_67 : memref<1x1x640x16xf32, #tpu.memory_space<hbm>> -> memref<640x16xf32, #tpu.memory_space<hbm>>
      %dma_start3A_69 = arith.constant 0 : i32
      %dma_start3A_70 = arith.constant 0 : i32
      %dma_start3A_71 = tpu.memref_slice %arg4[%arg0, %arg1, %dma_start3A_69, %dma_start3A_70] : memref<2x16x640x16xf32, #tpu.memory_space<hbm>> -> memref<1x1x640x16xf32, #tpu.memory_space<hbm>>
      %dma_start3A_72 = tpu.memref_squeeze %dma_start3A_71 : memref<1x1x640x16xf32, #tpu.memory_space<hbm>> -> memref<640x16xf32, #tpu.memory_space<hbm>>
      tpu.enqueue_dma source(%arg12 : memref<640x16xf32, #tpu.memory_space<vmem>>) target(%dma_start3A_72 : memref<640x16xf32, #tpu.memory_space<hbm>>) target_semaphore(%run_scoped3A : memref<!tpu.dma_semaphore, #tpu.memory_space<semaphore_mem>>)
      %dma_wait3A_73 = arith.constant 0 : i32
      %dma_wait3A_74 = arith.constant 0 : i32
      %dma_wait3A_75 = tpu.memref_slice %arg4[%arg0, %arg1, %dma_wait3A_73, %dma_wait3A_74] : memref<2x16x640x16xf32, #tpu.memory_space<hbm>> -> memref<1x1x640x16xf32, #tpu.memory_space<hbm>>
      %dma_wait3A_76 = tpu.memref_squeeze %dma_wait3A_75 : memref<1x1x640x16xf32, #tpu.memory_space<hbm>> -> memref<640x16xf32, #tpu.memory_space<hbm>>
      %dma_wait3A_77 = arith.constant 0 : i32
      %dma_wait3A_78 = arith.constant 0 : i32
      %dma_wait3A_79 = tpu.memref_slice %arg4[%arg0, %arg1, %dma_wait3A_77, %dma_wait3A_78] : memref<2x16x640x16xf32, #tpu.memory_space<hbm>> -> memref<1x1x640x16xf32, #tpu.memory_space<hbm>>
      %dma_wait3A_80 = tpu.memref_squeeze %dma_wait3A_79 : memref<1x1x640x16xf32, #tpu.memory_space<hbm>> -> memref<640x16xf32, #tpu.memory_space<hbm>>
      tpu.wait_dma2 semaphore(%run_scoped3A : memref<!tpu.dma_semaphore, #tpu.memory_space<semaphore_mem>>) src(%arg12 : memref<640x16xf32, #tpu.memory_space<vmem>>) dst(%dma_wait3A_80 : memref<640x16xf32, #tpu.memory_space<hbm>>)
      tpu.yield
    }) : () -> ()
    return
  }
}

module attributes {stable_mosaic.version = 14 : i64} {
  func.func @_tc1a_body(%arg0: i32, %arg1: memref<640x1024xf32, #tpu.memory_space<vmem>>, %arg2: memref<1024x128xf32, #tpu.memory_space<vmem>>, %arg3: memref<640x128xf32, #tpu.memory_space<vmem>>) attributes {dimension_semantics = [#tpu.dimension_semantics<arbitrary>], iteration_bounds = array<i64: 2>, scalar_prefetch = 0 : i64, scratch_operands = 0 : i64, tpu.core_type = #tpu.core_type<tc>, window_params = [{transform_indices = @transform_0, window_bounds = array<i64: 640, 1024>}, {pipeline_mode = #tpu.pipeline_mode<synchronous>, transform_indices = @transform_1, window_bounds = array<i64: 1024, 128>}, {transform_indices = @transform_2, window_bounds = array<i64: 640, 128>}]} {
    %get3A = arith.constant 0 : index
    %get3A_0 = arith.constant 0 : index
    %get3A_1 = vector.load %arg1[%get3A, %get3A_0] : memref<640x1024xf32, #tpu.memory_space<vmem>>, vector<640x1024xf32>
    %get3A_2 = arith.constant 0 : index
    %get3A_3 = arith.constant 0 : index
    %get3A_4 = vector.load %arg2[%get3A_2, %get3A_3] : memref<1024x128xf32, #tpu.memory_space<vmem>>, vector<1024x128xf32>
    %dot_general3A = arith.constant dense<0.000000e+00> : vector<640x128xf32>
    %dot_general3A_5 = tpu.matmul %get3A_1, %get3A_4, %dot_general3A {dimension_numbers = #tpu.dot_dimension_numbers<[1], [0], [0], [1], [0, 0, 1, 1], [], []>, transpose_lhs_hint = false} : vector<640x1024xf32>, vector<1024x128xf32>, vector<640x128xf32> -> vector<640x128xf32>
    %swap3A = arith.constant 0 : index
    %swap3A_6 = arith.constant 0 : index
    %swap3A_7 = vector.load %arg3[%swap3A, %swap3A_6] : memref<640x128xf32, #tpu.memory_space<vmem>>, vector<640x128xf32>
    tpu.vector_store %arg3[%swap3A, %swap3A_6], %dot_general3A_5 {strides = array<i32>} : memref<640x128xf32, #tpu.memory_space<vmem>>, vector<640x128xf32>,
    return
  }
  func.func @transform_0(%arg0: i32) -> (i32, i32) {
    %c0_i32 = arith.constant 0 : i32
    %c0_i32_0 = arith.constant 0 : i32
    return %arg0, %c0_i32 : i32, i32
  }
  func.func @transform_1(%arg0: i32) -> (i32, i32) {
    %c0_i32 = arith.constant 0 : i32
    %c0_i32_0 = arith.constant 0 : i32
    %c0_i32_1 = arith.constant 0 : i32
    return %c0_i32, %c0_i32_0 : i32, i32
  }
  func.func @transform_2(%arg0: i32) -> (i32, i32) {
    %c0_i32 = arith.constant 0 : i32
    %c0_i32_0 = arith.constant 0 : i32
    return %arg0, %c0_i32 : i32, i32
  }
}

module attributes {stable_mosaic.version = 14 : i64} {
  func.func @_tc1b_body(%arg0: i32, %arg1: memref<640x128xf32, #tpu.memory_space<vmem>>, %arg2: memref<2x640x128xf32, #tpu.memory_space<vmem>>, %arg3: memref<640x128xf32, #tpu.memory_space<vmem>>) attributes {dimension_semantics = [#tpu.dimension_semantics<arbitrary>], iteration_bounds = array<i64: 2>, scalar_prefetch = 0 : i64, scratch_operands = 0 : i64, tpu.core_type = #tpu.core_type<tc>, window_params = [{transform_indices = @transform_0, window_bounds = array<i64: 640, 128>}, {transform_indices = @transform_1, window_bounds = array<i64: 2, 640, 128>}, {transform_indices = @transform_2, window_bounds = array<i64: 640, 128>}]} {
    %get3A = arith.constant 0 : index
    %get3A_0 = arith.constant 0 : index
    %get3A_1 = vector.load %arg1[%get3A, %get3A_0] : memref<640x128xf32, #tpu.memory_space<vmem>>, vector<640x128xf32>
    %get3A_2 = arith.constant 0 : index
    %get3A_3 = arith.constant 0 : index
    %get3A_4 = arith.constant 0 : index
    %get3A_5 = vector.load %arg2[%get3A_2, %get3A_3, %get3A_4] : memref<2x640x128xf32, #tpu.memory_space<vmem>>, vector<1x640x128xf32>
    %get3A_6 = vector.shape_cast %get3A_5 : vector<1x640x128xf32> to vector<640x128xf32>
    %get3A_7 = arith.constant 1 : index
    %get3A_8 = arith.constant 0 : index
    %get3A_9 = arith.constant 0 : index
    %get3A_10 = vector.load %arg2[%get3A_7, %get3A_8, %get3A_9] : memref<2x640x128xf32, #tpu.memory_space<vmem>>, vector<1x640x128xf32>
    %get3A_11 = vector.shape_cast %get3A_10 : vector<1x640x128xf32> to vector<640x128xf32>
    %add3A = arith.addf %get3A_6, %get3A_11 : vector<640x128xf32>
    %add3A_12 = arith.constant 1.000000e+00 : f32
    %add3A_13 = vector.broadcast %add3A_12 : f32 to vector<640x128xf32>
    %add3A_14 = arith.addf %add3A, %add3A_13 : vector<640x128xf32>
    %rsqrt3A = math.rsqrt %add3A_14 : vector<640x128xf32>
    %mul3A = arith.mulf %get3A_1, %rsqrt3A : vector<640x128xf32>
    %swap3A = arith.constant 0 : index
    %swap3A_15 = arith.constant 0 : index
    %swap3A_16 = vector.load %arg3[%swap3A, %swap3A_15] : memref<640x128xf32, #tpu.memory_space<vmem>>, vector<640x128xf32>
    tpu.vector_store %arg3[%swap3A, %swap3A_15], %mul3A {strides = array<i32>} : memref<640x128xf32, #tpu.memory_space<vmem>>, vector<640x128xf32>,
    return
  }
  func.func @transform_0(%arg0: i32) -> (i32, i32) {
    %c0_i32 = arith.constant 0 : i32
    %c0_i32_0 = arith.constant 0 : i32
    return %arg0, %c0_i32 : i32, i32
  }
  func.func @transform_1(%arg0: i32) -> (i32, i32, i32) {
    %c0_i32 = arith.constant 0 : i32
    %c0_i32_0 = arith.constant 0 : i32
    %c0_i32_1 = arith.constant 0 : i32
    return %c0_i32, %arg0, %c0_i32_0 : i32, i32, i32
  }
  func.func @transform_2(%arg0: i32) -> (i32, i32) {
    %c0_i32 = arith.constant 0 : i32
    %c0_i32_0 = arith.constant 0 : i32
    return %arg0, %c0_i32 : i32, i32
  }
}

module attributes {stable_mosaic.version = 14 : i64} {
  func.func @_tc2_body(%arg0: i32, %arg1: memref<2x640x128xf32, #tpu.memory_space<vmem>>, %arg2: memref<640x128xf32, #tpu.memory_space<vmem>>, %arg3: memref<2x640x128xf32, #tpu.memory_space<vmem>>, %arg4: memref<128x128xf32, #tpu.memory_space<vmem>>, %arg5: memref<1x128xf32, #tpu.memory_space<vmem>>, %arg6: memref<640x128xf32, #tpu.memory_space<vmem>>) attributes {dimension_semantics = [#tpu.dimension_semantics<arbitrary>], iteration_bounds = array<i64: 2>, scalar_prefetch = 0 : i64, scratch_operands = 0 : i64, tpu.core_type = #tpu.core_type<tc>, window_params = [{transform_indices = @transform_0, window_bounds = array<i64: 2, 640, 128>}, {transform_indices = @transform_1, window_bounds = array<i64: 640, 128>}, {transform_indices = @transform_2, window_bounds = array<i64: 2, 640, 128>}, {pipeline_mode = #tpu.pipeline_mode<synchronous>, transform_indices = @transform_3, window_bounds = array<i64: 128, 128>}, {pipeline_mode = #tpu.pipeline_mode<synchronous>, transform_indices = @transform_4, window_bounds = array<i64: 1, 128>}, {transform_indices = @transform_5, window_bounds = array<i64: 640, 128>}]} {
    %get3A = arith.constant 0 : index
    %get3A_0 = arith.constant 0 : index
    %get3A_1 = arith.constant 0 : index
    %get3A_2 = vector.load %arg3[%get3A, %get3A_0, %get3A_1] : memref<2x640x128xf32, #tpu.memory_space<vmem>>, vector<1x640x128xf32>
    %get3A_3 = vector.shape_cast %get3A_2 : vector<1x640x128xf32> to vector<640x128xf32>
    %get3A_4 = arith.constant 1 : index
    %get3A_5 = arith.constant 0 : index
    %get3A_6 = arith.constant 0 : index
    %get3A_7 = vector.load %arg3[%get3A_4, %get3A_5, %get3A_6] : memref<2x640x128xf32, #tpu.memory_space<vmem>>, vector<1x640x128xf32>
    %get3A_8 = vector.shape_cast %get3A_7 : vector<1x640x128xf32> to vector<640x128xf32>
    %add3A = arith.addf %get3A_3, %get3A_8 : vector<640x128xf32>
    %add3A_9 = arith.constant 1.000000e+00 : f32
    %add3A_10 = vector.broadcast %add3A_9 : f32 to vector<640x128xf32>
    %add3A_11 = arith.addf %add3A, %add3A_10 : vector<640x128xf32>
    %rsqrt3A = math.rsqrt %add3A_11 : vector<640x128xf32>
    %get3A_12 = arith.constant 0 : index
    %get3A_13 = arith.constant 0 : index
    %get3A_14 = arith.constant 0 : index
    %get3A_15 = vector.load %arg1[%get3A_12, %get3A_13, %get3A_14] : memref<2x640x128xf32, #tpu.memory_space<vmem>>, vector<1x640x128xf32>
    %get3A_16 = vector.shape_cast %get3A_15 : vector<1x640x128xf32> to vector<640x128xf32>
    %get3A_17 = arith.constant 1 : index
    %get3A_18 = arith.constant 0 : index
    %get3A_19 = arith.constant 0 : index
    %get3A_20 = vector.load %arg1[%get3A_17, %get3A_18, %get3A_19] : memref<2x640x128xf32, #tpu.memory_space<vmem>>, vector<1x640x128xf32>
    %get3A_21 = vector.shape_cast %get3A_20 : vector<1x640x128xf32> to vector<640x128xf32>
    %add3A_22 = arith.addf %get3A_16, %get3A_21 : vector<640x128xf32>
    %get3A_23 = arith.constant 0 : index
    %get3A_24 = arith.constant 0 : index
    %get3A_25 = vector.load %arg2[%get3A_23, %get3A_24] : memref<640x128xf32, #tpu.memory_space<vmem>>, vector<640x128xf32>
    %add3A_26 = arith.addf %add3A_22, %get3A_25 : vector<640x128xf32>
    %mul3A = arith.mulf %rsqrt3A, %add3A_26 : vector<640x128xf32>
    %get3A_27 = arith.constant 0 : index
    %get3A_28 = arith.constant 0 : index
    %get3A_29 = vector.load %arg5[%get3A_27, %get3A_28] : memref<1x128xf32, #tpu.memory_space<vmem>>, vector<1x128xf32>
    %add3A_30 = vector.broadcast %get3A_29 : vector<1x128xf32> to vector<640x128xf32>
    %add3A_31 = arith.addf %mul3A, %add3A_30 : vector<640x128xf32>
    %max3A = arith.constant 0.000000e+00 : f32
    %max3A_32 = vector.broadcast %max3A : f32 to vector<640x128xf32>
    %max3A_33 = arith.maximumf %add3A_31, %max3A_32 : vector<640x128xf32>
    %get3A_34 = arith.constant 0 : index
    %get3A_35 = arith.constant 0 : index
    %get3A_36 = vector.load %arg4[%get3A_34, %get3A_35] : memref<128x128xf32, #tpu.memory_space<vmem>>, vector<128x128xf32>
    %dot_general3A = arith.constant dense<0.000000e+00> : vector<640x128xf32>
    %dot_general3A_37 = tpu.matmul %max3A_33, %get3A_36, %dot_general3A {dimension_numbers = #tpu.dot_dimension_numbers<[1], [0], [0], [1], [0, 0, 1, 1], [], []>, transpose_lhs_hint = false} : vector<640x128xf32>, vector<128x128xf32>, vector<640x128xf32> -> vector<640x128xf32>
    %mul3A_38 = arith.mulf %dot_general3A_37, %rsqrt3A : vector<640x128xf32>
    %swap3A = arith.constant 0 : index
    %swap3A_39 = arith.constant 0 : index
    %swap3A_40 = vector.load %arg6[%swap3A, %swap3A_39] : memref<640x128xf32, #tpu.memory_space<vmem>>, vector<640x128xf32>
    tpu.vector_store %arg6[%swap3A, %swap3A_39], %mul3A_38 {strides = array<i32>} : memref<640x128xf32, #tpu.memory_space<vmem>>, vector<640x128xf32>,
    return
  }
  func.func @transform_0(%arg0: i32) -> (i32, i32, i32) {
    %c0_i32 = arith.constant 0 : i32
    %c0_i32_0 = arith.constant 0 : i32
    %c0_i32_1 = arith.constant 0 : i32
    return %c0_i32, %arg0, %c0_i32_0 : i32, i32, i32
  }
  func.func @transform_1(%arg0: i32) -> (i32, i32) {
    %c0_i32 = arith.constant 0 : i32
    %c0_i32_0 = arith.constant 0 : i32
    return %arg0, %c0_i32 : i32, i32
  }
  func.func @transform_2(%arg0: i32) -> (i32, i32, i32) {
    %c0_i32 = arith.constant 0 : i32
    %c0_i32_0 = arith.constant 0 : i32
    %c0_i32_1 = arith.constant 0 : i32
    return %c0_i32, %arg0, %c0_i32_0 : i32, i32, i32
  }
  func.func @transform_3(%arg0: i32) -> (i32, i32) {
    %c0_i32 = arith.constant 0 : i32
    %c0_i32_0 = arith.constant 0 : i32
    %c0_i32_1 = arith.constant 0 : i32
    return %c0_i32, %c0_i32_0 : i32, i32
  }
  func.func @transform_4(%arg0: i32) -> (i32, i32) {
    %c0_i32 = arith.constant 0 : i32
    %c0_i32_0 = arith.constant 0 : i32
    %c0_i32_1 = arith.constant 0 : i32
    return %c0_i32, %c0_i32_0 : i32, i32
  }
  func.func @transform_5(%arg0: i32) -> (i32, i32) {
    %c0_i32 = arith.constant 0 : i32
    %c0_i32_0 = arith.constant 0 : i32
    return %arg0, %c0_i32 : i32, i32
  }
}

module attributes {stable_mosaic.version = 14 : i64} {
  func.func @_tc3_body(%arg0: i32, %arg1: memref<2x1280x128xf32, #tpu.memory_space<vmem>>, %arg2: memref<1280x128xf32, #tpu.memory_space<vmem>>, %arg3: memref<2x1280x128xf32, #tpu.memory_space<vmem>>, %arg4: memref<128x32xf32, #tpu.memory_space<vmem>>, %arg5: memref<1x128xf32, #tpu.memory_space<vmem>>, %arg6: memref<1x32xf32, #tpu.memory_space<vmem>>, %arg7: memref<1250x32xf32, #tpu.memory_space<vmem>>) attributes {dimension_semantics = [#tpu.dimension_semantics<arbitrary>], iteration_bounds = array<i64: 1>, scalar_prefetch = 0 : i64, scratch_operands = 0 : i64, tpu.core_type = #tpu.core_type<tc>, window_params = [{pipeline_mode = #tpu.pipeline_mode<synchronous>, transform_indices = @transform_0, window_bounds = array<i64: 2, 1280, 128>}, {pipeline_mode = #tpu.pipeline_mode<synchronous>, transform_indices = @transform_1, window_bounds = array<i64: 1280, 128>}, {pipeline_mode = #tpu.pipeline_mode<synchronous>, transform_indices = @transform_2, window_bounds = array<i64: 2, 1280, 128>}, {pipeline_mode = #tpu.pipeline_mode<synchronous>, transform_indices = @transform_3, window_bounds = array<i64: 128, 32>}, {pipeline_mode = #tpu.pipeline_mode<synchronous>, transform_indices = @transform_4, window_bounds = array<i64: 1, 128>}, {pipeline_mode = #tpu.pipeline_mode<synchronous>, transform_indices = @transform_5, window_bounds = array<i64: 1, 32>}, {pipeline_mode = #tpu.pipeline_mode<synchronous>, transform_indices = @transform_6, window_bounds = array<i64: 1250, 32>}]} {
    %get3A = arith.constant 0 : index
    %get3A_0 = arith.constant 0 : index
    %get3A_1 = arith.constant 0 : index
    %get3A_2 = vector.load %arg3[%get3A, %get3A_0, %get3A_1] : memref<2x1280x128xf32, #tpu.memory_space<vmem>>, vector<1x1280x128xf32>
    %get3A_3 = vector.shape_cast %get3A_2 : vector<1x1280x128xf32> to vector<1280x128xf32>
    %get3A_4 = arith.constant 1 : index
    %get3A_5 = arith.constant 0 : index
    %get3A_6 = arith.constant 0 : index
    %get3A_7 = vector.load %arg3[%get3A_4, %get3A_5, %get3A_6] : memref<2x1280x128xf32, #tpu.memory_space<vmem>>, vector<1x1280x128xf32>
    %get3A_8 = vector.shape_cast %get3A_7 : vector<1x1280x128xf32> to vector<1280x128xf32>
    %add3A = arith.addf %get3A_3, %get3A_8 : vector<1280x128xf32>
    %add3A_9 = arith.constant 1.000000e+00 : f32
    %add3A_10 = vector.broadcast %add3A_9 : f32 to vector<1280x128xf32>
    %add3A_11 = arith.addf %add3A, %add3A_10 : vector<1280x128xf32>
    %rsqrt3A = math.rsqrt %add3A_11 : vector<1280x128xf32>
    %get3A_12 = arith.constant 0 : index
    %get3A_13 = arith.constant 0 : index
    %get3A_14 = arith.constant 0 : index
    %get3A_15 = vector.load %arg1[%get3A_12, %get3A_13, %get3A_14] : memref<2x1280x128xf32, #tpu.memory_space<vmem>>, vector<1x1280x128xf32>
    %get3A_16 = vector.shape_cast %get3A_15 : vector<1x1280x128xf32> to vector<1280x128xf32>
    %get3A_17 = arith.constant 1 : index
    %get3A_18 = arith.constant 0 : index
    %get3A_19 = arith.constant 0 : index
    %get3A_20 = vector.load %arg1[%get3A_17, %get3A_18, %get3A_19] : memref<2x1280x128xf32, #tpu.memory_space<vmem>>, vector<1x1280x128xf32>
    %get3A_21 = vector.shape_cast %get3A_20 : vector<1x1280x128xf32> to vector<1280x128xf32>
    %add3A_22 = arith.addf %get3A_16, %get3A_21 : vector<1280x128xf32>
    %get3A_23 = arith.constant 0 : index
    %get3A_24 = arith.constant 0 : index
    %get3A_25 = vector.load %arg2[%get3A_23, %get3A_24] : memref<1280x128xf32, #tpu.memory_space<vmem>>, vector<1280x128xf32>
    %add3A_26 = arith.addf %add3A_22, %get3A_25 : vector<1280x128xf32>
    %mul3A = arith.mulf %rsqrt3A, %add3A_26 : vector<1280x128xf32>
    %get3A_27 = arith.constant 0 : index
    %get3A_28 = arith.constant 0 : index
    %get3A_29 = vector.load %arg5[%get3A_27, %get3A_28] : memref<1x128xf32, #tpu.memory_space<vmem>>, vector<1x128xf32>
    %add3A_30 = vector.broadcast %get3A_29 : vector<1x128xf32> to vector<1280x128xf32>
    %add3A_31 = arith.addf %mul3A, %add3A_30 : vector<1280x128xf32>
    %max3A = arith.constant 0.000000e+00 : f32
    %max3A_32 = vector.broadcast %max3A : f32 to vector<1280x128xf32>
    %max3A_33 = arith.maximumf %add3A_31, %max3A_32 : vector<1280x128xf32>
    %get3A_34 = arith.constant 0 : index
    %get3A_35 = arith.constant 0 : index
    %get3A_36 = vector.load %arg4[%get3A_34, %get3A_35] : memref<128x32xf32, #tpu.memory_space<vmem>>, vector<128x32xf32>
    %dot_general3A = arith.constant dense<0.000000e+00> : vector<1280x32xf32>
    %dot_general3A_37 = tpu.matmul %max3A_33, %get3A_36, %dot_general3A {dimension_numbers = #tpu.dot_dimension_numbers<[1], [0], [0], [1], [0, 0, 1, 1], [], []>, transpose_lhs_hint = false} : vector<1280x128xf32>, vector<128x32xf32>, vector<1280x32xf32> -> vector<1280x32xf32>
    %get3A_38 = arith.constant 0 : index
    %get3A_39 = arith.constant 0 : index
    %get3A_40 = vector.load %arg6[%get3A_38, %get3A_39] : memref<1x32xf32, #tpu.memory_space<vmem>>, vector<1x32xf32>
    %add3A_41 = vector.broadcast %get3A_40 : vector<1x32xf32> to vector<1280x32xf32>
    %add3A_42 = arith.addf %dot_general3A_37, %add3A_41 : vector<1280x32xf32>
    %slice3A = vector.extract_strided_slice %add3A_42 {offsets = [0, 0], sizes = [1250, 32], strides = [1, 1]} : vector<1280x32xf32> to vector<1250x32xf32>
    %swap3A = arith.constant 0 : index
    %swap3A_43 = arith.constant 0 : index
    %swap3A_44 = vector.load %arg7[%swap3A, %swap3A_43] : memref<1250x32xf32, #tpu.memory_space<vmem>>, vector<1250x32xf32>
    tpu.vector_store %arg7[%swap3A, %swap3A_43], %slice3A {strides = array<i32>} : memref<1250x32xf32, #tpu.memory_space<vmem>>, vector<1250x32xf32>,
    return
  }
  func.func @transform_0(%arg0: i32) -> (i32, i32, i32) {
    %c0_i32 = arith.constant 0 : i32
    %c0_i32_0 = arith.constant 0 : i32
    %c0_i32_1 = arith.constant 0 : i32
    %c0_i32_2 = arith.constant 0 : i32
    return %c0_i32, %c0_i32_0, %c0_i32_1 : i32, i32, i32
  }
  func.func @transform_1(%arg0: i32) -> (i32, i32) {
    %c0_i32 = arith.constant 0 : i32
    %c0_i32_0 = arith.constant 0 : i32
    %c0_i32_1 = arith.constant 0 : i32
    return %c0_i32, %c0_i32_0 : i32, i32
  }
  func.func @transform_2(%arg0: i32) -> (i32, i32, i32) {
    %c0_i32 = arith.constant 0 : i32
    %c0_i32_0 = arith.constant 0 : i32
    %c0_i32_1 = arith.constant 0 : i32
    %c0_i32_2 = arith.constant 0 : i32
    return %c0_i32, %c0_i32_0, %c0_i32_1 : i32, i32, i32
  }
  func.func @transform_3(%arg0: i32) -> (i32, i32) {
    %c0_i32 = arith.constant 0 : i32
    %c0_i32_0 = arith.constant 0 : i32
    %c0_i32_1 = arith.constant 0 : i32
    return %c0_i32, %c0_i32_0 : i32, i32
  }
  func.func @transform_4(%arg0: i32) -> (i32, i32) {
    %c0_i32 = arith.constant 0 : i32
    %c0_i32_0 = arith.constant 0 : i32
    %c0_i32_1 = arith.constant 0 : i32
    return %c0_i32, %c0_i32_0 : i32, i32
  }
  func.func @transform_5(%arg0: i32) -> (i32, i32) {
    %c0_i32 = arith.constant 0 : i32
    %c0_i32_0 = arith.constant 0 : i32
    %c0_i32_1 = arith.constant 0 : i32
    return %c0_i32, %c0_i32_0 : i32, i32
  }
  func.func @transform_6(%arg0: i32) -> (i32, i32) {
    %c0_i32 = arith.constant 0 : i32
    %c0_i32_0 = arith.constant 0 : i32
    %c0_i32_1 = arith.constant 0 : i32
    return %c0_i32, %c0_i32_0 : i32, i32
  }
}

</mosaic_0001>

<sc_bundles>
// kernel: kernel.12.cloned.1.call-start
scs
__scs_entry_jumppad:
0x0: {  	(pc) =	sbr.rel $0x88, $3  }
0x1: {  	(tag) =	ssettag $0x0;
	lr =	simm.s32 $0x1  }
0x2: {  	[smem:$0x3F99] =	sst lr;
	_ =	strace $0xD0000000  }
0x3: {  	_ = 	snop  }
0x4: {  	_ = 	snop  }
0x5: {  	_ = 	snop  }
0x6: {  	_ = 	snop  }
0x7: {  	_ = 	snop  }
__scs_overlays_trampoline_lowered:
0x8: {  	[smem:$0x3FA8] =	sst s0  }
0x9: {  	[smem:$0x3FA9] =	sst s1  }
0xa: {  	[smem:$0x3FAA] =	sst s2  }
0xb: {  	[smem:$0x3FAB] =	sst s3  }
0xc: {  	[smem:$0x3FAC] =	sst s4  }
0xd: {  	[smem:$0x3FAD] =	sst s5  }
0xe: {  	[smem:$0x3FAE] =	sst s6  }
0xf: {  	[smem:$0x3FAF] =	sst s7  }
0x10: {  	[smem:$0x3FB0] =	sst s8  }
0x11: {  	[smem:$0x3FB1] =	sst s9;
	s0 =	simm.s32 @!p0 $0x0  }
0x12: {  	s1 =	sld [smem:$0x3F97];
	s0 =	simm.s32 @p0 $0x1  }
0x13: {  	[smem:$0x3FB2] =	sst s0;
	s0 =	simm.s32 @!p1 $0x0  }
0x14: {  	s2 =	sld [smem:$0x3F96];
	s0 =	simm.s32 @p1 $0x1  }
0x15: {  	[smem:$0x3FB3] =	sst s0;
	s0 =	simm.s32 @!p2 $0x0  }
0x16: {  	s3 =	sld [smem:$0x3FDB];
	s0 =	simm.s32 @p2 $0x1  }
0x17: {  	s4 =	simm.s32 $0x1BF5;
	[smem:$0x3FB5] =	sst s0  }
0x18: {  	s0 =	sld [smem:$0x3F98];
	_ =	swait.ge [sflag:s4], $0x0  }
0x19: {  	s7 =	sld [smem:$0x3F99]  }
0x1a: {  	s8 =	sadd.s32 $0xFFFFE003, lr  }
0x1b: {  	s9 =	sadd.s32 $0xFFFFFEF7, lr;
	s5 =	simm.s32 $0xFFFFFFFF;
	p2 =	slt.u32 s8, $0xFFFFF086  }
0x1c: {  	p1 =	slt.u32 s9, $0xF7A;
	s5 =	simm.s32 @!p2 $0x0  }
0x1d: {  	s5 =	simm.s32 @p1 $0x1;
	p0 =	seq.s32 s7, s2  }
0x1e: {  	s7 =	smul.u32 @!p0 $0xF7A, s2;
	p2 =	seq.s32 @!p0 s5, $0x0  }
0x1f: {  	s9 =	smul.u32 $0xF7A, s1;
	s8 =	simm.s32 @!p0 $0x1BF5;
	p2 =	por !p2, p0  }
0x20: {  	[sflag:s8] =	ssyncset.s32 @!p0 $0xFFFFF086;
	s6 =	sadd.s32 @!p0 s3, s7;
	s7 =	simm.s32 @!p0 $0x108  }
0x21: {  	s3 =	sadd.s32 s3, s9;
	s6 =	sadd.s32 @!p0 $0x88, s6;
	s7 =	simm.s32 @p2 $0x1082  }
0x22: {  	[simem:s7], [sflag:s8] =	dma.local @!p0 [hbm:s6], $0xF7A  }
0x23: {  	s9 =	sor.u32 $0xD0000000, s2;
	s6 =	simm.s32 $0x108;
	_ =	swait.ge @!p0 [sflag:s8], $0x0  }
0x24: {  	s3 =	sadd.s32 $0x88, s3;
	s6 =	simm.s32 @!p1 $0x1082;
	[sflag:s4] =	ssyncset.s32 $0xFFFFF086  }
0x25: {  	[simem:s6], [sflag:s4] =	dma.local [hbm:s3], $0xF7A  }
0x26: {  	[smem:$0x3F99] =	sst s1;
	(tag) =	ssettag s2;
	_ =	strace s9  }
0x27: {  	s1 =	sld [smem:$0x3FA9]  }
0x28: {  	s2 =	sld [smem:$0x3FAA]  }
0x29: {  	s4 =	sld [smem:$0x3FAC]  }
0x2a: {  	p0 =	seq.s32 s5, $0x0;
	s5 =	sld [smem:$0x3FAD]  }
0x2b: {  	s6 =	sld [smem:$0x3FAE]  }
0x2c: {  	s7 =	sld [smem:$0x3FAF]  }
0x2d: {  	s3 =	simm.s32 $0x108;
	s8 =	sld [smem:$0x3FB0]  }
0x2e: {  	s3 =	simm.s32 @!p0 $0x1082;
	s9 =	sld [smem:$0x3FB1]  }
0x2f: {  	lr =	sadd.s32 s0, s3;
	s0 =	sld [smem:$0x3FA8]  }
0x30: {  	s3 =	sld [smem:$0x3FAB]  }
0x31: {  	[smem:$0x3FB4] =	sst s10  }
0x32: {  	s10 =	sld [smem:$0x3FB2];
	_ =	sdelay $0x3  }
0x33: {  	p0 =	seq.s32 s10, $0x1;
	s10 =	sld [smem:$0x3FB4];
	_ =	sdelay $0x3  }
0x34: {  	[smem:$0x3FB4] =	sst s10  }
0x35: {  	s10 =	sld [smem:$0x3FB3];
	_ =	sdelay $0x3  }
0x36: {  	p1 =	seq.s32 s10, $0x1;
	s10 =	sld [smem:$0x3FB4];
	_ =	sdelay $0x3  }
0x37: {  	[smem:$0x3FB4] =	sst s10  }
0x38: {  	s10 =	sld [smem:$0x3FB5]  }
0x39: {  	_ = 	snop;
	(pc) =	sbr.ind lr, $3  }
0x3a: {  	_ = 	snop  }
0x3b: {  	_ = 	snop  }
0x3c: {  	p2 =	seq.s32 s10, $0x1;
	s10 =	sld [smem:$0x3FB4]  }
0x3d: {  	_ =	shalt  }
0x3e: {  	_ =	shalt  }
0x3f: {  	_ =	shalt  }
0x40: {  	_ =	shalt  }
0x41: {  	_ =	shalt  }
0x42: {  	_ =	shalt  }
0x43: {  	_ =	shalt  }
0x44: {  	_ =	shalt  }
0x45: {  	_ =	shalt  }
0x46: {  	_ =	shalt  }
0x47: {  	_ =	shalt  }
0x48: {  	_ =	shalt  }
0x49: {  	_ =	shalt  }
0x4a: {  	_ =	shalt  }
0x4b: {  	_ =	shalt  }
0x4c: {  	_ =	shalt  }
0x4d: {  	_ =	shalt  }
0x4e: {  	_ =	shalt  }
0x4f: {  	_ =	shalt  }
0x50: {  	_ =	shalt  }
0x51: {  	_ =	shalt  }
0x52: {  	_ =	shalt  }
0x53: {  	_ =	shalt  }
0x54: {  	_ =	shalt  }
0x55: {  	_ =	shalt  }
0x56: {  	_ =	shalt  }
0x57: {  	_ =	shalt  }
0x58: {  	_ =	shalt  }
0x59: {  	_ =	shalt  }
0x5a: {  	_ =	shalt  }
0x5b: {  	_ =	shalt  }
0x5c: {  	_ =	shalt  }
0x5d: {  	_ =	shalt  }
0x5e: {  	_ =	shalt  }
0x5f: {  	_ =	shalt  }
0x60: {  	_ =	shalt  }
0x61: {  	_ =	shalt  }
0x62: {  	_ =	shalt  }
0x63: {  	_ =	shalt  }
0x64: {  	_ =	shalt  }
0x65: {  	_ =	shalt  }
0x66: {  	_ =	shalt  }
0x67: {  	_ =	shalt  }
0x68: {  	_ =	shalt  }
0x69: {  	_ =	shalt  }
0x6a: {  	_ =	shalt  }
0x6b: {  	_ =	shalt  }
0x6c: {  	_ =	shalt  }
0x6d: {  	_ =	shalt  }
0x6e: {  	_ =	shalt  }
0x6f: {  	_ =	shalt  }
0x70: {  	_ =	shalt  }
0x71: {  	_ =	shalt  }
0x72: {  	_ =	shalt  }
0x73: {  	_ =	shalt  }
0x74: {  	_ =	shalt  }
0x75: {  	_ =	shalt  }
0x76: {  	_ =	shalt  }
0x77: {  	_ =	shalt  }
0x78: {  	_ =	shalt  }
0x79: {  	_ =	shalt  }
0x7a: {  	_ =	shalt  }
0x7b: {  	_ =	shalt  }
0x7c: {  	_ =	shalt  }
0x7d: {  	_ =	shalt  }
0x7e: {  	_ =	shalt  }
0x7f: {  	_ =	shalt  }
0x80: {  	_ =	shalt  }
0x81: {  	_ =	shalt  }
0x82: {  	_ =	shalt  }
0x83: {  	_ =	shalt  }
0x84: {  	_ =	shalt  }
0x85: {  	_ =	shalt  }
0x86: {  	_ =	shalt  }
0x87: {  	_ =	shalt  }
.Lfunc_end0:
.L_simem_size_0:
called_computation.1_lowered:
.L_overlay_start_0:
0x88: {  	s2 =	sld [smem:$0x3FD9]  }
0x89: {  	s3 =	sld [smem:$0x3FFE];
	_ =	sdelay $0x1  }
0x8a: {  	s1 =	srdreg.scid  }
0x8b: {  	s0 =	sand.u32 $0x1, s1  }
0x8c: {  	s16 =	sshll.u32 s0, $0xA;
	s2 =	sadd.s32 s3, s2  }
0x8d: {  	s2 =	sadd.s32 s2, s16  }
0x8e: {  	[smem:$0x3FC0] =	sst s2  }
0x8f: {  	_ = 	snop  }
0x90: {  	(tm) =	ssettm $0x1  }
0x91: {  	s17 =	sld [smem:$0x3FFB];
	_ =	sdelay $0x3  }
0x92: {  	_ =	strace s17  }
0x93: {  	s2 =	sld [smem:$0x3FFC];
	_ =	sdelay $0x3  }
0x94: {  	_ =	strace s2  }
0x95: {  	s2 =	sld [smem:$0x3FFD];
	_ =	sdelay $0x3  }
0x96: {  	_ =	strace s2  }
0x97: {  	_ =	strace $0x8FFFFFFF  }
0x98: {  	s18 =	sld [smem:$0x3FDB];
	_ =	sdelay $0x1  }
0x99: {  	s19 =	simm.s32 $_scs_section_size  }
0x9a: {  	s4 =	simm.s32 $_size__tile_overlayer_lowered;
	s5 =	simm.s32 $_tile_overlayer_lowered  }
0x9b: {  	s22 =	simm.s32 $0x1BFF;
	s21 =	sshll.u32 s5, $0x1;
	s2 =	sadd.s32 s19, s18  }
0x9c: {  	s6 =	simm.s32 $0x0;
	s20 =	sshll.u32 s4, $0x1;
	s4 =	sadd.s32 s21, s2  }
0x9d: {  	[timem:s6], [sflag:s22] =	dma.local [hbm:s4], s20  }
0x9e: {  	_ =	swait.ge [sflag:s22], s20  }
0x9f: {  	s3 =	ssub.s32 $0x0, s20;
	[sflag:s22] =	ssyncset.done $0x0  }
0xa0: {  	[sflag:s22] =	ssyncadd.s32 s3;
	_ =	sdelay $0x1  }
0xa1: {  	s23 =	simm.s32 $0x1B8B  }
0xa2: {  	_ =	swait.ge [sflag:s23], $0x1  }
0xa3: {  	[sflag:s23] =	ssyncset.done $0x0  }
0xa4: {  	s25 =	simm.s32 $0x1B8E;
	s24 =	sld [smem:$0x3FFE];
	[sflag:s23] =	ssyncadd.s32 $0xFFFFFFFF  }
0xa5: {  	s26 =	simm.s32 $execute0_lowered;
	[smem:$0x3FD2] =	sst s25  }
0xa6: {  	s4 =	sshll.u32 s26, $0x1;
	_ =	strace $0x80000049;
	[dreg:$0x1] =	wrdreg $0xFFFFFFFF  }
0xa7: {  	s28 =	simm.s32 $_size_execute0_lowered;
	s2 =	sadd.s32 s2, s4;
	[dreg:$0x0] =	wrdreg $0x0  }
0xa8: {  	s4 =	sshll.u32 s28, $0x1;
	[dreg:$0x2] =	wrdreg s2  }
0xa9: {  	[dreg:$0x3] =	wrdreg s4  }
0xaa: {  	[dreg:$0x4] =	wrdreg $0xC0  }
0xab: {  	_ =	task [dreg:s6], $0x5FFFF  }
0xac: {  	[dreg:$0x1] =	wrdreg $0xFFFFFFFF  }
0xad: {  	[dreg:$0x0] =	wrdreg $0x60  }
0xae: {  	[dreg:$0x2] =	wrdreg s24  }
0xaf: {  	[dreg:$0x3] =	wrdreg $0xF3200  }
0xb0: {  	[dreg:$0x4] =	wrdreg $0x9  }
0xb1: {  	_ =	task.clear_ibuf [dreg:s6], $0x5FFFF;
	_ =	strace $0x90000049  }
0xb2: {  	s29 =	simm.s32 $0x9;
	_ =	strace $0x8000004B  }
0xb3: {  	_ =	swait.ge [sflag:s29], $0x1  }
0xb4: {  	[sflag:s29] =	ssyncadd.s32 $0xFFFFFFFF  }
0xb5: {  	_ =	strace $0x9000004B  }
0xb6: {  	_ =	sfence  }
0xb7: {  	s30 =	sld [smem:$0x0];
	_ =	sdelay $0x2  }
0xb8: {  	s31 =	sshll.u32 s1, $0xD;
	s1 =	sshrl.u32 s1, $0x2  }
0xb9: {  	s3 =	sand.u32 $0x4000, s31;
	s1 =	sadd.s32 s1, s30  }
0xba: {  	s0 =	sor.u32 s3, s0;
	s1 =	sshll.u32 s1, $0x11  }
0xbb: {  	s0 =	sor.u32 s1, s0  }
0xbc: {  	s0 =	sadd.s32 $0x8F2B, s0  }
0xbd: {  	[sflag:s0] =	ssyncadd.remote.s32 $0x1  }
0xbe: {  	_ =	sfence.sel $0xFFFF  }
0xbf: {  	[dreg:$0x0] =	wrdreg $0xFFFFFFFF;
	(pc) =	sbr.abs _section_cstart, $3  }
0xc0: {  	[dreg:$0x1] =	wrdreg $0xFFFFFFFF  }
0xc1: {  	_ =	task.clear_ibuf [dreg:s6], $0x2FFFF;
	_ =	strace $0x9FFFFFFF  }
0xc2: {  	(tm) =	ssettm $0x7FFFFFFF  }
0xc3: {  	_ =	shalt  }
tec
execute0_lowered:
.L_overlay_start_1:
0x0: {  	(tag) =	ssettag $0x1  }
0x1: {  	s0 =	rddreg [dreg:$0x0]  }
0x2: {  	s1 =	rddreg [dreg:$0x1];
	s2 =	srdreg.scid;
	s3 =	simm.s32 $0x0  }
0x3: {  	s8 =	stileid.u32;
	s11 =	simm.s32 $0x3;
	s12 =	simm.s32 $0x1  }
0x4: {  	s13 =	simm.s32 $0x190;
	s14 =	simm.s32 $0x4E20;
	s15 =	simm.s32 $0x6720  }
0x5: {  	s17 =	simm.s32 $0x8020;
	s19 =	simm.s32 $0x9920;
	s21 =	simm.s32 $0xB220  }
0x6: {  	s28 =	simm.s32 $0x4650;
	s29 =	simm.s32 $0x47E0;
	s6 =	smul.u32 $0x2800, s8  }
0x7: {  	s30 =	simm.s32 $0x4970;
	s31 =	simm.s32 $0x4B00;
	s7 =	smul.u32 $0xA000, s8  }
0x8: {  	s2 =	sand.u32 $0x1, s2;
	[smem:$0x7FF] =	sst s3;
	s8 =	smul.u32 $0x2710, s8  }
0x9: {  	s4 =	sadd.s32 $0x2C00, s0;
	s9 =	sadd.s32 $0x16A00, s0;
	s5 =	smul.u32 $0x28000, s2  }
0xa: {  	_ =	strace $0x8000004A;
	s22 =	smul.u32 $0x27100, s2;
	s2 =	ssub.s32 $0x2, s2  }
0xb: {  	s23 =	sshrl.u32 s2, $0x1;
	s7 =	sshrl.u32 s7, $0x2;
	s5 =	sadd.s32 s6, s5  }
0xc: {  	s2 =	ssub.s32 s2, s23;
	s24 =	sadd.s32 s8, s22;
	s22 =	simm.s32 $0x2710  }
0xd: {  	s23 =	simm.s32 $0x2;
	s5 =	sshrl.u32 s5, $0x3;
	s25 =	sshrl.u32 s24, $0x3  }
0xe: {  	s10 =	sadd.s32 $0x4E200, s24;
	s0 =	sadd.s32 s5, s0;
	s5 =	sadd.s32 s7, s1  }
0xf: {  	s7 =	smax.u32 s2, $0x1;
	s8 =	sadd.s32 s25, s9;
	s26 =	sshrl.u32 s10, $0x3  }
0x10: {  	s10 =	simm.s32 $0xCB20;
	s2 =	simm.s32 $0x0;
	s6 =	sadd.s32 $0x7C00, s0  }
0x11: {  	v0 =	vimm.f32 $0.0e+00;
	s9 =	sadd.s32 s26, s9;
	s0 =	simm.s32 $0x4C90;
	s26 =	simm.s32 $0x0  }
.LBB2_1:
0x12: {  	s16 =	sadd.s32 $0x0, s8;
	s25 =	sadd.s32 $0x0, s9  }
0x13: {  	[tilespmem:s3], [sflag:$0x1] =	stream.linear.gather [hbm4b:s16+s3], $0x190, $0x38;
	[tilespmem:$0x11B20] =	vst v63  }
0x14: {  	s18 =	simm.s32 $0x0;
	s20 =	simm.s32 $0x2710;
	s16 =	simm.s32 $0x32  }
0x15: {  	[tilespmem:s22], [sflag:$0x1] =	stream.linear.gather [hbm4b:s25+s3], $0x190, $0x38;
	[tilespmem:$0x11B20] =	vst v63  }
.LBB2_2:
0x16: {  	s24 =	sadd.s32 s16, s8;
	p0 =	sne.s32 s16, $0x4B0  }
.Ltmp0:
0x17: {  	s18 =	sadd.s32 $0x190, s18;
	s25 =	smov.u32 s16;
	(pc) =	sbr.rel @p0 .LBB2_2-.Ltmp0, $4  }
0x18: {  	s16 =	sadd.s32 $0x32, s16  }
0x19: {  	[tilespmem:s18], [sflag:$0x1] =	stream.linear.gather [hbm4b:s24+s26], $0x190, $0x38;
	[tilespmem:$0x11B20] =	vst v63  }
0x1a: {  	s20 =	sadd.s32 $0x190, s20;
	s24 =	sadd.s32 s25, s9  }
0x1b: {  	[tilespmem:s20], [sflag:$0x1] =	stream.linear.gather [hbm4b:s24+s26], $0x190, $0x38;
	[tilespmem:$0x11B20] =	vst v63  }
0x1c: {  	s16 =	simm.s32 $0x40;
	s18 =	simm.s32 $0x0  }
.LBB2_4:
0x1d: {  	p0 =	sne.s32 s16, $0x9FC0;
	[tilespmem:s18+$0xCB20] =	vst v0;
	s18 =	smov.u32 s16;
	s16 =	sadd.s32 $0x40, s16  }
.Ltmp1:
0x1e: {  	(pc) =	sbr.rel @p0 .LBB2_4-.Ltmp1, $2  }
0x1f: {  	_ =	sdelay $0x2  }
0x20: {  	s18 =	sshra.s32 s18, $0x2  }
0x21: {  	[tilespmem:s18+$0xCB20] =	vst v0  }
0x22: {  	[spmem:s5] =	stream.linear.scatter [tilespmem:s10], [sflag:$0x3], $0x2800, $0x38;
	[tilespmem:$0x11B20] =	vst v63  }
0x23: {  	_ =	swait.ge [sflag:s11], $0x2800  }
0x24: {  	[sflag:s11] =	ssyncset.done $0x0  }
0x25: {  	[sflag:s11] =	ssyncadd.s32 $0xFFFFD800  }
0x26: {  	_ =	swait.ge [sflag:s12], $0x190  }
0x27: {  	[sflag:s12] =	ssyncset.done $0x0  }
0x28: {  	[sflag:s12] =	ssyncadd.s32 $0xFFFFFE70  }
0x29: {  	_ =	swait.ge [sflag:s12], $0x190  }
0x2a: {  	s16 =	simm.s32 $0x18;
	[sflag:s12] =	ssyncset.done $0x0  }
.LBB2_6:
0x2b: {  	p0 =	sne.s32 s16, $0x1;
	s16 =	sadd.s32 $0xFFFFFFFF, s16;
	[sflag:s12] =	ssyncadd.s32 $0xFFFFFE70  }
.Ltmp2:
0x2c: {  	_ =	swait.ge [sflag:s12], $0x190;
	(pc) =	sbr.rel @p0 .LBB2_6-.Ltmp2, $4  }
0x2d: {  	[sflag:s12] =	ssyncset.done $0x0  }
0x2e: {  	[sflag:s12] =	ssyncadd.s32 $0xFFFFFE70  }
0x2f: {  	_ =	swait.ge [sflag:s12], $0x190  }
0x30: {  	[sflag:s12] =	ssyncset.done $0x0  }
0x31: {  	[sflag:s12] =	ssyncadd.s32 $0xFFFFFE70  }
0x32: {  	[bflag:$0x0] =	sbarrier.arrive $0xFFFF  }
0x33: {  	[tilespmem:s14], [sflag:$0x1] =	stream.indirect.gather [hbm4b:s4+s13], $0x10, s3, s13, $0xb8;
	[tilespmem:$0x11B20] =	vst v63  }
0x34: {  	_ = 	snop  }
0x35: {  	[tilespmem:s15], [sflag:$0x1] =	stream.indirect.gather [hbm4b:s4+s13], $0x10, s13, s13, $0xb8;
	[tilespmem:$0x11B20] =	vst v63  }
0x36: {  	s16 =	simm.s32 $0x320  }
0x37: {  	[tilespmem:s17], [sflag:$0x1] =	stream.indirect.gather [hbm4b:s4+s13], $0x10, s16, s13, $0xb8;
	[tilespmem:$0x11B20] =	vst v63  }
0x38: {  	s25 =	simm.s32 $0x4B0  }
0x39: {  	[tilespmem:s19], [sflag:$0x1] =	stream.indirect.gather [hbm4b:s4+s13], $0x10, s25, s13, $0xb8;
	[tilespmem:$0x11B20] =	vst v63  }
0x3a: {  	s18 =	simm.s32 $0x640  }
0x3b: {  	[tilespmem:s21], [sflag:$0x1] =	stream.indirect.gather [hbm4b:s4+s13], $0x10, s18, s13, $0xb8;
	[tilespmem:$0x11B20] =	vst v63  }
0x3c: {  	_ =	swait.ge [sflag:s12], $0x1900  }
0x3d: {  	[sflag:s12] =	ssyncset.done $0x0  }
0x3e: {  	[sflag:s12] =	ssyncadd.s32 $0xFFFFE700  }
0x3f: {  	[spmem:s1] =	stream.indirect.scatter.add.f32 [tilespmem:s14], [sflag:$0x2], $0x10, s22, s13, $0xb8;
	[tilespmem:$0x11B20] =	vst v63  }
0x40: {  	_ =	swait.ge [sflag:s23], $0x1900  }
0x41: {  	[sflag:s23] =	ssyncset.done $0x0  }
0x42: {  	s20 =	simm.s32 $0x7D0;
	[sflag:s23] =	ssyncadd.s32 $0xFFFFE700  }
0x43: {  	[tilespmem:s14], [sflag:$0x1] =	stream.indirect.gather [hbm4b:s4+s13], $0x10, s20, s13, $0xb8;
	[tilespmem:$0x11B20] =	vst v63  }
0x44: {  	_ =	swait.ge [sflag:s12], $0x1900  }
0x45: {  	[sflag:s12] =	ssyncset.done $0x0  }
0x46: {  	s24 =	simm.s32 $0x28A0;
	[sflag:s12] =	ssyncadd.s32 $0xFFFFE700  }
0x47: {  	[spmem:s1] =	stream.indirect.scatter.add.f32 [tilespmem:s15], [sflag:$0x2], $0x10, s24, s13, $0xb8;
	[tilespmem:$0x11B20] =	vst v63  }
0x48: {  	_ =	swait.ge [sflag:s23], $0x1900  }
0x49: {  	[sflag:s23] =	ssyncset.done $0x0  }
0x4a: {  	s25 =	simm.s32 $0x960;
	[sflag:s23] =	ssyncadd.s32 $0xFFFFE700  }
0x4b: {  	[tilespmem:s15], [sflag:$0x1] =	stream.indirect.gather [hbm4b:s4+s13], $0x10, s25, s13, $0xb8;
	[tilespmem:$0x11B20] =	vst v63  }
0x4c: {  	_ =	swait.ge [sflag:s12], $0x1900  }
0x4d: {  	[sflag:s12] =	ssyncset.done $0x0  }
0x4e: {  	s18 =	simm.s32 $0x2A30;
	[sflag:s12] =	ssyncadd.s32 $0xFFFFE700  }
0x4f: {  	[spmem:s1] =	stream.indirect.scatter.add.f32 [tilespmem:s17], [sflag:$0x2], $0x10, s18, s13, $0xb8;
	[tilespmem:$0x11B20] =	vst v63  }
0x50: {  	_ =	swait.ge [sflag:s23], $0x1900  }
0x51: {  	[sflag:s23] =	ssyncset.done $0x0  }
0x52: {  	s20 =	simm.s32 $0xAF0;
	[sflag:s23] =	ssyncadd.s32 $0xFFFFE700  }
0x53: {  	[tilespmem:s17], [sflag:$0x1] =	stream.indirect.gather [hbm4b:s4+s13], $0x10, s20, s13, $0xb8;
	[tilespmem:$0x11B20] =	vst v63  }
0x54: {  	_ =	swait.ge [sflag:s12], $0x1900  }
0x55: {  	[sflag:s12] =	ssyncset.done $0x0  }
0x56: {  	s24 =	simm.s32 $0x2BC0;
	[sflag:s12] =	ssyncadd.s32 $0xFFFFE700  }
0x57: {  	[spmem:s1] =	stream.indirect.scatter.add.f32 [tilespmem:s19], [sflag:$0x2], $0x10, s24, s13, $0xb8;
	[tilespmem:$0x11B20] =	vst v63  }
0x58: {  	_ =	swait.ge [sflag:s23], $0x1900  }
0x59: {  	[sflag:s23] =	ssyncset.done $0x0  }
0x5a: {  	s25 =	simm.s32 $0xC80;
	[sflag:s23] =	ssyncadd.s32 $0xFFFFE700  }
0x5b: {  	[tilespmem:s19], [sflag:$0x1] =	stream.indirect.gather [hbm4b:s4+s13], $0x10, s25, s13, $0xb8;
	[tilespmem:$0x11B20] =	vst v63  }
0x5c: {  	_ =	swait.ge [sflag:s12], $0x1900  }
0x5d: {  	[sflag:s12] =	ssyncset.done $0x0  }
0x5e: {  	s18 =	simm.s32 $0x2D50;
	[sflag:s12] =	ssyncadd.s32 $0xFFFFE700  }
0x5f: {  	[spmem:s1] =	stream.indirect.scatter.add.f32 [tilespmem:s21], [sflag:$0x2], $0x10, s18, s13, $0xb8;
	[tilespmem:$0x11B20] =	vst v63  }
0x60: {  	_ =	swait.ge [sflag:s23], $0x1900  }
0x61: {  	[sflag:s23] =	ssyncset.done $0x0  }
0x62: {  	s20 =	simm.s32 $0xE10;
	[sflag:s23] =	ssyncadd.s32 $0xFFFFE700  }
0x63: {  	[tilespmem:s21], [sflag:$0x1] =	stream.indirect.gather [hbm4b:s4+s13], $0x10, s20, s13, $0xb8;
	[tilespmem:$0x11B20] =	vst v63  }
0x64: {  	_ =	swait.ge [sflag:s12], $0x1900  }
0x65: {  	[sflag:s12] =	ssyncset.done $0x0  }
0x66: {  	s24 =	simm.s32 $0x2EE0;
	[sflag:s12] =	ssyncadd.s32 $0xFFFFE700  }
0x67: {  	[spmem:s1] =	stream.indirect.scatter.add.f32 [tilespmem:s14], [sflag:$0x2], $0x10, s24, s13, $0xb8;
	[tilespmem:$0x11B20] =	vst v63  }
0x68: {  	_ =	swait.ge [sflag:s23], $0x1900  }
0x69: {  	[sflag:s23] =	ssyncset.done $0x0  }
0x6a: {  	s25 =	simm.s32 $0xFA0;
	[sflag:s23] =	ssyncadd.s32 $0xFFFFE700  }
0x6b: {  	[tilespmem:s14], [sflag:$0x1] =	stream.indirect.gather [hbm4b:s4+s13], $0x10, s25, s13, $0xb8;
	[tilespmem:$0x11B20] =	vst v63  }
0x6c: {  	_ =	swait.ge [sflag:s12], $0x1900  }
0x6d: {  	[sflag:s12] =	ssyncset.done $0x0  }
0x6e: {  	s18 =	simm.s32 $0x3070;
	[sflag:s12] =	ssyncadd.s32 $0xFFFFE700  }
0x6f: {  	[spmem:s1] =	stream.indirect.scatter.add.f32 [tilespmem:s15], [sflag:$0x2], $0x10, s18, s13, $0xb8;
	[tilespmem:$0x11B20] =	vst v63  }
0x70: {  	_ =	swait.ge [sflag:s23], $0x1900  }
0x71: {  	[sflag:s23] =	ssyncset.done $0x0  }
0x72: {  	s20 =	simm.s32 $0x1130;
	[sflag:s23] =	ssyncadd.s32 $0xFFFFE700  }
0x73: {  	[tilespmem:s15], [sflag:$0x1] =	stream.indirect.gather [hbm4b:s4+s13], $0x10, s20, s13, $0xb8;
	[tilespmem:$0x11B20] =	vst v63  }
0x74: {  	_ =	swait.ge [sflag:s12], $0x1900  }
0x75: {  	[sflag:s12] =	ssyncset.done $0x0  }
0x76: {  	s24 =	simm.s32 $0x3200;
	[sflag:s12] =	ssyncadd.s32 $0xFFFFE700  }
0x77: {  	[spmem:s1] =	stream.indirect.scatter.add.f32 [tilespmem:s17], [sflag:$0x2], $0x10, s24, s13, $0xb8;
	[tilespmem:$0x11B20] =	vst v63  }
0x78: {  	_ =	swait.ge [sflag:s23], $0x1900  }
0x79: {  	[sflag:s23] =	ssyncset.done $0x0  }
0x7a: {  	s25 =	simm.s32 $0x12C0;
	[sflag:s23] =	ssyncadd.s32 $0xFFFFE700  }
0x7b: {  	[tilespmem:s17], [sflag:$0x1] =	stream.indirect.gather [hbm4b:s4+s13], $0x10, s25, s13, $0xb8;
	[tilespmem:$0x11B20] =	vst v63  }
0x7c: {  	_ =	swait.ge [sflag:s12], $0x1900  }
0x7d: {  	[sflag:s12] =	ssyncset.done $0x0  }
0x7e: {  	s18 =	simm.s32 $0x3390;
	[sflag:s12] =	ssyncadd.s32 $0xFFFFE700  }
0x7f: {  	[spmem:s1] =	stream.indirect.scatter.add.f32 [tilespmem:s19], [sflag:$0x2], $0x10, s18, s13, $0xb8;
	[tilespmem:$0x11B20] =	vst v63  }
0x80: {  	_ =	swait.ge [sflag:s23], $0x1900  }
0x81: {  	[sflag:s23] =	ssyncset.done $0x0  }
0x82: {  	s20 =	simm.s32 $0x1450;
	[sflag:s23] =	ssyncadd.s32 $0xFFFFE700  }
0x83: {  	[tilespmem:s19], [sflag:$0x1] =	stream.indirect.gather [hbm4b:s4+s13], $0x10, s20, s13, $0xb8;
	[tilespmem:$0x11B20] =	vst v63  }
0x84: {  	_ =	swait.ge [sflag:s12], $0x1900  }
0x85: {  	[sflag:s12] =	ssyncset.done $0x0  }
0x86: {  	s24 =	simm.s32 $0x3520;
	[sflag:s12] =	ssyncadd.s32 $0xFFFFE700  }
0x87: {  	[spmem:s1] =	stream.indirect.scatter.add.f32 [tilespmem:s21], [sflag:$0x2], $0x10, s24, s13, $0xb8;
	[tilespmem:$0x11B20] =	vst v63  }
0x88: {  	_ =	swait.ge [sflag:s23], $0x1900  }
0x89: {  	[sflag:s23] =	ssyncset.done $0x0  }
0x8a: {  	s25 =	simm.s32 $0x15E0;
	[sflag:s23] =	ssyncadd.s32 $0xFFFFE700  }
0x8b: {  	[tilespmem:s21], [sflag:$0x1] =	stream.indirect.gather [hbm4b:s4+s13], $0x10, s25, s13, $0xb8;
	[tilespmem:$0x11B20] =	vst v63  }
0x8c: {  	_ =	swait.ge [sflag:s12], $0x1900  }
0x8d: {  	[sflag:s12] =	ssyncset.done $0x0  }
0x8e: {  	s18 =	simm.s32 $0x36B0;
	[sflag:s12] =	ssyncadd.s32 $0xFFFFE700  }
0x8f: {  	[spmem:s1] =	stream.indirect.scatter.add.f32 [tilespmem:s14], [sflag:$0x2], $0x10, s18, s13, $0xb8;
	[tilespmem:$0x11B20] =	vst v63  }
0x90: {  	_ =	swait.ge [sflag:s23], $0x1900  }
0x91: {  	[sflag:s23] =	ssyncset.done $0x0  }
0x92: {  	s20 =	simm.s32 $0x1770;
	[sflag:s23] =	ssyncadd.s32 $0xFFFFE700  }
0x93: {  	[tilespmem:s14], [sflag:$0x1] =	stream.indirect.gather [hbm4b:s4+s13], $0x10, s20, s13, $0xb8;
	[tilespmem:$0x11B20] =	vst v63  }
0x94: {  	_ =	swait.ge [sflag:s12], $0x1900  }
0x95: {  	[sflag:s12] =	ssyncset.done $0x0  }
0x96: {  	s24 =	simm.s32 $0x3840;
	[sflag:s12] =	ssyncadd.s32 $0xFFFFE700  }
0x97: {  	[spmem:s1] =	stream.indirect.scatter.add.f32 [tilespmem:s15], [sflag:$0x2], $0x10, s24, s13, $0xb8;
	[tilespmem:$0x11B20] =	vst v63  }
0x98: {  	_ =	swait.ge [sflag:s23], $0x1900  }
0x99: {  	[sflag:s23] =	ssyncset.done $0x0  }
0x9a: {  	s25 =	simm.s32 $0x1900;
	[sflag:s23] =	ssyncadd.s32 $0xFFFFE700  }
0x9b: {  	[tilespmem:s15], [sflag:$0x1] =	stream.indirect.gather [hbm4b:s4+s13], $0x10, s25, s13, $0xb8;
	[tilespmem:$0x11B20] =	vst v63  }
0x9c: {  	_ =	swait.ge [sflag:s12], $0x1900  }
0x9d: {  	[sflag:s12] =	ssyncset.done $0x0  }
0x9e: {  	s18 =	simm.s32 $0x39D0;
	[sflag:s12] =	ssyncadd.s32 $0xFFFFE700  }
0x9f: {  	[spmem:s1] =	stream.indirect.scatter.add.f32 [tilespmem:s17], [sflag:$0x2], $0x10, s18, s13, $0xb8;
	[tilespmem:$0x11B20] =	vst v63  }
0xa0: {  	_ =	swait.ge [sflag:s23], $0x1900  }
0xa1: {  	[sflag:s23] =	ssyncset.done $0x0  }
0xa2: {  	s20 =	simm.s32 $0x1A90;
	[sflag:s23] =	ssyncadd.s32 $0xFFFFE700  }
0xa3: {  	[tilespmem:s17], [sflag:$0x1] =	stream.indirect.gather [hbm4b:s4+s13], $0x10, s20, s13, $0xb8;
	[tilespmem:$0x11B20] =	vst v63  }
0xa4: {  	_ =	swait.ge [sflag:s12], $0x1900  }
0xa5: {  	[sflag:s12] =	ssyncset.done $0x0  }
0xa6: {  	s24 =	simm.s32 $0x3B60;
	[sflag:s12] =	ssyncadd.s32 $0xFFFFE700  }
0xa7: {  	[spmem:s1] =	stream.indirect.scatter.add.f32 [tilespmem:s19], [sflag:$0x2], $0x10, s24, s13, $0xb8;
	[tilespmem:$0x11B20] =	vst v63  }
0xa8: {  	_ =	swait.ge [sflag:s23], $0x1900  }
0xa9: {  	[sflag:s23] =	ssyncset.done $0x0  }
0xaa: {  	s25 =	simm.s32 $0x1C20;
	[sflag:s23] =	ssyncadd.s32 $0xFFFFE700  }
0xab: {  	[tilespmem:s19], [sflag:$0x1] =	stream.indirect.gather [hbm4b:s4+s13], $0x10, s25, s13, $0xb8;
	[tilespmem:$0x11B20] =	vst v63  }
0xac: {  	_ =	swait.ge [sflag:s12], $0x1900  }
0xad: {  	[sflag:s12] =	ssyncset.done $0x0  }
0xae: {  	s18 =	simm.s32 $0x3CF0;
	[sflag:s12] =	ssyncadd.s32 $0xFFFFE700  }
0xaf: {  	[spmem:s1] =	stream.indirect.scatter.add.f32 [tilespmem:s21], [sflag:$0x2], $0x10, s18, s13, $0xb8;
	[tilespmem:$0x11B20] =	vst v63  }
0xb0: {  	_ =	swait.ge [sflag:s23], $0x1900  }
0xb1: {  	[sflag:s23] =	ssyncset.done $0x0  }
0xb2: {  	s20 =	simm.s32 $0x1DB0;
	[sflag:s23] =	ssyncadd.s32 $0xFFFFE700  }
0xb3: {  	[tilespmem:s21], [sflag:$0x1] =	stream.indirect.gather [hbm4b:s4+s13], $0x10, s20, s13, $0xb8;
	[tilespmem:$0x11B20] =	vst v63  }
0xb4: {  	_ =	swait.ge [sflag:s12], $0x1900  }
0xb5: {  	[sflag:s12] =	ssyncset.done $0x0  }
0xb6: {  	s24 =	simm.s32 $0x3E80;
	[sflag:s12] =	ssyncadd.s32 $0xFFFFE700  }
0xb7: {  	[spmem:s1] =	stream.indirect.scatter.add.f32 [tilespmem:s14], [sflag:$0x2], $0x10, s24, s13, $0xb8;
	[tilespmem:$0x11B20] =	vst v63  }
0xb8: {  	_ =	swait.ge [sflag:s23], $0x1900  }
0xb9: {  	[sflag:s23] =	ssyncset.done $0x0  }
0xba: {  	s25 =	simm.s32 $0x1F40;
	[sflag:s23] =	ssyncadd.s32 $0xFFFFE700  }
0xbb: {  	[tilespmem:s14], [sflag:$0x1] =	stream.indirect.gather [hbm4b:s4+s13], $0x10, s25, s13, $0xb8;
	[tilespmem:$0x11B20] =	vst v63  }
0xbc: {  	_ =	swait.ge [sflag:s12], $0x1900  }
0xbd: {  	[sflag:s12] =	ssyncset.done $0x0  }
0xbe: {  	s18 =	simm.s32 $0x4010;
	[sflag:s12] =	ssyncadd.s32 $0xFFFFE700  }
0xbf: {  	[spmem:s1] =	stream.indirect.scatter.add.f32 [tilespmem:s15], [sflag:$0x2], $0x10, s18, s13, $0xb8;
	[tilespmem:$0x11B20] =	vst v63  }
0xc0: {  	_ =	swait.ge [sflag:s23], $0x1900  }
0xc1: {  	[sflag:s23] =	ssyncset.done $0x0  }
0xc2: {  	s20 =	simm.s32 $0x20D0;
	[sflag:s23] =	ssyncadd.s32 $0xFFFFE700  }
0xc3: {  	[tilespmem:s15], [sflag:$0x1] =	stream.indirect.gather [hbm4b:s4+s13], $0x10, s20, s13, $0xb8;
	[tilespmem:$0x11B20] =	vst v63  }
0xc4: {  	_ =	swait.ge [sflag:s12], $0x1900  }
0xc5: {  	[sflag:s12] =	ssyncset.done $0x0  }
0xc6: {  	s24 =	simm.s32 $0x41A0;
	[sflag:s12] =	ssyncadd.s32 $0xFFFFE700  }
0xc7: {  	[spmem:s1] =	stream.indirect.scatter.add.f32 [tilespmem:s17], [sflag:$0x2], $0x10, s24, s13, $0xb8;
	[tilespmem:$0x11B20] =	vst v63  }
0xc8: {  	_ =	swait.ge [sflag:s23], $0x1900  }
0xc9: {  	[sflag:s23] =	ssyncset.done $0x0  }
0xca: {  	s25 =	simm.s32 $0x2260;
	[sflag:s23] =	ssyncadd.s32 $0xFFFFE700  }
0xcb: {  	[tilespmem:s17], [sflag:$0x1] =	stream.indirect.gather [hbm4b:s4+s13], $0x10, s25, s13, $0xb8;
	[tilespmem:$0x11B20] =	vst v63  }
0xcc: {  	_ =	swait.ge [sflag:s12], $0x1900  }
0xcd: {  	[sflag:s12] =	ssyncset.done $0x0  }
0xce: {  	s18 =	simm.s32 $0x4330;
	[sflag:s12] =	ssyncadd.s32 $0xFFFFE700  }
0xcf: {  	[spmem:s1] =	stream.indirect.scatter.add.f32 [tilespmem:s19], [sflag:$0x2], $0x10, s18, s13, $0xb8;
	[tilespmem:$0x11B20] =	vst v63  }
0xd0: {  	_ =	swait.ge [sflag:s23], $0x1900  }
0xd1: {  	[sflag:s23] =	ssyncset.done $0x0  }
0xd2: {  	s20 =	simm.s32 $0x23F0;
	[sflag:s23] =	ssyncadd.s32 $0xFFFFE700  }
0xd3: {  	[tilespmem:s19], [sflag:$0x1] =	stream.indirect.gather [hbm4b:s4+s13], $0x10, s20, s13, $0xb8;
	[tilespmem:$0x11B20] =	vst v63  }
0xd4: {  	_ =	swait.ge [sflag:s12], $0x1900  }
0xd5: {  	[sflag:s12] =	ssyncset.done $0x0  }
0xd6: {  	s24 =	simm.s32 $0x44C0;
	[sflag:s12] =	ssyncadd.s32 $0xFFFFE700  }
0xd7: {  	[spmem:s1] =	stream.indirect.scatter.add.f32 [tilespmem:s21], [sflag:$0x2], $0x10, s24, s13, $0xb8;
	[tilespmem:$0x11B20] =	vst v63  }
0xd8: {  	_ =	swait.ge [sflag:s23], $0x1900  }
0xd9: {  	[sflag:s23] =	ssyncset.done $0x0  }
0xda: {  	s25 =	simm.s32 $0x2580;
	[sflag:s23] =	ssyncadd.s32 $0xFFFFE700  }
0xdb: {  	[tilespmem:s21], [sflag:$0x1] =	stream.indirect.gather [hbm4b:s4+s13], $0x10, s25, s13, $0xb8;
	[tilespmem:$0x11B20] =	vst v63  }
0xdc: {  	_ =	swait.ge [sflag:s12], $0x1900  }
0xdd: {  	[sflag:s12] =	ssyncset.done $0x0  }
0xde: {  	[sflag:s12] =	ssyncadd.s32 $0xFFFFE700  }
0xdf: {  	[spmem:s1] =	stream.indirect.scatter.add.f32 [tilespmem:s14], [sflag:$0x2], $0x10, s28, s13, $0xb8;
	[tilespmem:$0x11B20] =	vst v63  }
0xe0: {  	_ =	swait.ge [sflag:s23], $0x1900  }
0xe1: {  	[sflag:s23] =	ssyncset.done $0x0  }
0xe2: {  	[sflag:s23] =	ssyncadd.s32 $0xFFFFE700  }
0xe3: {  	_ =	swait.ge [sflag:s12], $0x1900  }
0xe4: {  	[sflag:s12] =	ssyncset.done $0x0  }
0xe5: {  	[sflag:s12] =	ssyncadd.s32 $0xFFFFE700  }
0xe6: {  	[spmem:s1] =	stream.indirect.scatter.add.f32 [tilespmem:s15], [sflag:$0x2], $0x10, s29, s13, $0xb8;
	[tilespmem:$0x11B20] =	vst v63  }
0xe7: {  	_ =	swait.ge [sflag:s23], $0x1900  }
0xe8: {  	[sflag:s23] =	ssyncset.done $0x0  }
0xe9: {  	[sflag:s23] =	ssyncadd.s32 $0xFFFFE700  }
0xea: {  	_ =	swait.ge [sflag:s12], $0x1900  }
0xeb: {  	[sflag:s12] =	ssyncset.done $0x0  }
0xec: {  	[sflag:s12] =	ssyncadd.s32 $0xFFFFE700  }
0xed: {  	[spmem:s1] =	stream.indirect.scatter.add.f32 [tilespmem:s17], [sflag:$0x2], $0x10, s30, s13, $0xb8;
	[tilespmem:$0x11B20] =	vst v63  }
0xee: {  	_ =	swait.ge [sflag:s23], $0x1900  }
0xef: {  	[sflag:s23] =	ssyncset.done $0x0  }
0xf0: {  	[sflag:s23] =	ssyncadd.s32 $0xFFFFE700  }
0xf1: {  	_ =	swait.ge [sflag:s12], $0x1900  }
0xf2: {  	[sflag:s12] =	ssyncset.done $0x0  }
0xf3: {  	[sflag:s12] =	ssyncadd.s32 $0xFFFFE700  }
0xf4: {  	[spmem:s1] =	stream.indirect.scatter.add.f32 [tilespmem:s19], [sflag:$0x2], $0x10, s31, s13, $0xb8;
	[tilespmem:$0x11B20] =	vst v63  }
0xf5: {  	_ =	swait.ge [sflag:s23], $0x1900  }
0xf6: {  	[sflag:s23] =	ssyncset.done $0x0  }
0xf7: {  	[sflag:s23] =	ssyncadd.s32 $0xFFFFE700  }
0xf8: {  	_ =	swait.ge [sflag:s12], $0x1900  }
0xf9: {  	[sflag:s12] =	ssyncset.done $0x0  }
0xfa: {  	[sflag:s12] =	ssyncadd.s32 $0xFFFFE700  }
0xfb: {  	[spmem:s1] =	stream.indirect.scatter.add.f32 [tilespmem:s21], [sflag:$0x2], $0x10, s0, s13, $0xb8;
	[tilespmem:$0x11B20] =	vst v63  }
0xfc: {  	_ =	swait.ge [sflag:s23], $0x1900  }
0xfd: {  	[sflag:s23] =	ssyncset.done $0x0  }
0xfe: {  	[sflag:s23] =	ssyncadd.s32 $0xFFFFE700  }
0xff: {  	[bflag:$0x0] =	sbarrier.arrive $0xFFFF  }
0x100: {  	[tilespmem:s10], [sflag:$0x3] =	stream.linear.gather [spmem:s5], $0x2800, $0x38;
	[tilespmem:$0x11B20] =	vst v63  }
0x101: {  	s2 =	sadd.s32 $0x1, s2;
	_ =	swait.ge [sflag:s11], $0x2800  }
0x102: {  	p0 =	sne.s32 s2, s7;
	[sflag:s11] =	ssyncset.done $0x0  }
.Ltmp3:
0x103: {  	[sflag:s11] =	ssyncadd.s32 $0xFFFFD800;
	(pc) =	sbr.rel @p0 .LBB2_1-.Ltmp3, $4  }
0x104: {  	[hbm4b:s6+s3] =	stream.linear.scatter [tilespmem:s10], [sflag:$0x3], $0x2800, $0x38;
	[tilespmem:$0x11B20] =	vst v63  }
0x105: {  	_ =	swait.ge [sflag:s11], $0x2800  }
0x106: {  	[sflag:s11] =	ssyncset.done $0x0  }
0x107: {  	[sflag:s11] =	ssyncadd.s32 $0xFFFFD800  }
0x108: {  	_ =	sfence.sel $0x180000  }
0x109: {  	[bflag:$0x0] =	sbarrier.arrive $0xFFFF  }
0x10a: {  	_ =	strace $0x9000004A  }
0x10b: {  	s0 =	stileid.u32;
	[bflag:$0x2] =	sbarrier.arrive $0xFFFF  }
0x10c: {  	p0 =	sne.s32 s0, $0x0;
	s0 =	rddreg [dreg:$0x2]  }
0x10d: {  	s0 =	sadd.s32 @!p0 $0x100000, s0  }
0x10e: {  	[sflag:s0] =	ssyncadd.tile.s32 @!p0 $0x1;
	_ =	shalt  }
.Lfunc_end2:
_tile_overlayer_lowered:
.L_overlay_start_2:
0x10f: {  	(tag) =	ssettag $0x2  }
0x110: {  	s0 =	rddreg [dreg:$0x0];
	s2 =	stileid.u32  }
0x111: {  	s1 =	rddreg [dreg:$0x1];
	p0 =	sne.s32 s2, $0x0  }
0x112: {  	s3 =	rddreg [dreg:$0x2];
	[bflag:$0x3] =	sbarrier.arrive $0xFFFF;
	s2 =	simm.s32 @!p0 $0x1C03  }
0x113: {  	[timem:s3], [sflag:s2] =	dma.local @!p0 [hbm:s0], s1  }
0x114: {  	s0 =	simm.s32 @!p0 $0x3  }
0x115: {  	_ =	swait.ge @!p0 [sflag:s0], s1  }
0x116: {  	s1 =	ssub.s32 @!p0 $0x0, s1;
	[sflag:s0] =	ssyncset.done @!p0 $0x0  }
0x117: {  	[sflag:s0] =	ssyncadd.s32 @!p0 s1  }
0x118: {  	[bflag:$0x3] =	sbarrier.arrive $0xFFFF  }
0x119: {  	_ =	shalt  }

// kernel: kernel.15.cloned.1.call-start
scs
__scs_entry_jumppad:
0x0: {  	(pc) =	sbr.rel $0x88, $3  }
0x1: {  	(tag) =	ssettag $0x0;
	lr =	simm.s32 $0x1  }
0x2: {  	[smem:$0x3F99] =	sst lr;
	_ =	strace $0xD0000000  }
0x3: {  	_ = 	snop  }
0x4: {  	_ = 	snop  }
0x5: {  	_ = 	snop  }
0x6: {  	_ = 	snop  }
0x7: {  	_ = 	snop  }
__scs_overlays_trampoline_lowered:
0x8: {  	[smem:$0x3FA8] =	sst s0  }
0x9: {  	[smem:$0x3FA9] =	sst s1  }
0xa: {  	[smem:$0x3FAA] =	sst s2  }
0xb: {  	[smem:$0x3FAB] =	sst s3  }
0xc: {  	[smem:$0x3FAC] =	sst s4  }
0xd: {  	[smem:$0x3FAD] =	sst s5  }
0xe: {  	[smem:$0x3FAE] =	sst s6  }
0xf: {  	[smem:$0x3FAF] =	sst s7  }
0x10: {  	[smem:$0x3FB0] =	sst s8  }
0x11: {  	[smem:$0x3FB1] =	sst s9;
	s0 =	simm.s32 @!p0 $0x0  }
0x12: {  	s1 =	sld [smem:$0x3F97];
	s0 =	simm.s32 @p0 $0x1  }
0x13: {  	[smem:$0x3FB2] =	sst s0;
	s0 =	simm.s32 @!p1 $0x0  }
0x14: {  	s2 =	sld [smem:$0x3F96];
	s0 =	simm.s32 @p1 $0x1  }
0x15: {  	[smem:$0x3FB3] =	sst s0;
	s0 =	simm.s32 @!p2 $0x0  }
0x16: {  	s3 =	sld [smem:$0x3FDB];
	s0 =	simm.s32 @p2 $0x1  }
0x17: {  	s4 =	simm.s32 $0x1BF5;
	[smem:$0x3FB5] =	sst s0  }
0x18: {  	s0 =	sld [smem:$0x3F98];
	_ =	swait.ge [sflag:s4], $0x0  }
0x19: {  	s7 =	sld [smem:$0x3F99]  }
0x1a: {  	s8 =	sadd.s32 $0xFFFFE003, lr  }
0x1b: {  	s9 =	sadd.s32 $0xFFFFFEF7, lr;
	s5 =	simm.s32 $0xFFFFFFFF;
	p2 =	slt.u32 s8, $0xFFFFF086  }
0x1c: {  	p1 =	slt.u32 s9, $0xF7A;
	s5 =	simm.s32 @!p2 $0x0  }
0x1d: {  	s5 =	simm.s32 @p1 $0x1;
	p0 =	seq.s32 s7, s2  }
0x1e: {  	s7 =	smul.u32 @!p0 $0xF7A, s2;
	p2 =	seq.s32 @!p0 s5, $0x0  }
0x1f: {  	s9 =	smul.u32 $0xF7A, s1;
	s8 =	simm.s32 @!p0 $0x1BF5;
	p2 =	por !p2, p0  }
0x20: {  	[sflag:s8] =	ssyncset.s32 @!p0 $0xFFFFF086;
	s6 =	sadd.s32 @!p0 s3, s7;
	s7 =	simm.s32 @!p0 $0x108  }
0x21: {  	s3 =	sadd.s32 s3, s9;
	s6 =	sadd.s32 @!p0 $0x88, s6;
	s7 =	simm.s32 @p2 $0x1082  }
0x22: {  	[simem:s7], [sflag:s8] =	dma.local @!p0 [hbm:s6], $0xF7A  }
0x23: {  	s9 =	sor.u32 $0xD0000000, s2;
	s6 =	simm.s32 $0x108;
	_ =	swait.ge @!p0 [sflag:s8], $0x0  }
0x24: {  	s3 =	sadd.s32 $0x88, s3;
	s6 =	simm.s32 @!p1 $0x1082;
	[sflag:s4] =	ssyncset.s32 $0xFFFFF086  }
0x25: {  	[simem:s6], [sflag:s4] =	dma.local [hbm:s3], $0xF7A  }
0x26: {  	[smem:$0x3F99] =	sst s1;
	(tag) =	ssettag s2;
	_ =	strace s9  }
0x27: {  	s1 =	sld [smem:$0x3FA9]  }
0x28: {  	s2 =	sld [smem:$0x3FAA]  }
0x29: {  	s4 =	sld [smem:$0x3FAC]  }
0x2a: {  	p0 =	seq.s32 s5, $0x0;
	s5 =	sld [smem:$0x3FAD]  }
0x2b: {  	s6 =	sld [smem:$0x3FAE]  }
0x2c: {  	s7 =	sld [smem:$0x3FAF]  }
0x2d: {  	s3 =	simm.s32 $0x108;
	s8 =	sld [smem:$0x3FB0]  }
0x2e: {  	s3 =	simm.s32 @!p0 $0x1082;
	s9 =	sld [smem:$0x3FB1]  }
0x2f: {  	lr =	sadd.s32 s0, s3;
	s0 =	sld [smem:$0x3FA8]  }
0x30: {  	s3 =	sld [smem:$0x3FAB]  }
0x31: {  	[smem:$0x3FB4] =	sst s10  }
0x32: {  	s10 =	sld [smem:$0x3FB2];
	_ =	sdelay $0x3  }
0x33: {  	p0 =	seq.s32 s10, $0x1;
	s10 =	sld [smem:$0x3FB4];
	_ =	sdelay $0x3  }
0x34: {  	[smem:$0x3FB4] =	sst s10  }
0x35: {  	s10 =	sld [smem:$0x3FB3];
	_ =	sdelay $0x3  }
0x36: {  	p1 =	seq.s32 s10, $0x1;
	s10 =	sld [smem:$0x3FB4];
	_ =	sdelay $0x3  }
0x37: {  	[smem:$0x3FB4] =	sst s10  }
0x38: {  	s10 =	sld [smem:$0x3FB5]  }
0x39: {  	_ = 	snop;
	(pc) =	sbr.ind lr, $3  }
0x3a: {  	_ = 	snop  }
0x3b: {  	_ = 	snop  }
0x3c: {  	p2 =	seq.s32 s10, $0x1;
	s10 =	sld [smem:$0x3FB4]  }
0x3d: {  	_ =	shalt  }
0x3e: {  	_ =	shalt  }
0x3f: {  	_ =	shalt  }
0x40: {  	_ =	shalt  }
0x41: {  	_ =	shalt  }
0x42: {  	_ =	shalt  }
0x43: {  	_ =	shalt  }
0x44: {  	_ =	shalt  }
0x45: {  	_ =	shalt  }
0x46: {  	_ =	shalt  }
0x47: {  	_ =	shalt  }
0x48: {  	_ =	shalt  }
0x49: {  	_ =	shalt  }
0x4a: {  	_ =	shalt  }
0x4b: {  	_ =	shalt  }
0x4c: {  	_ =	shalt  }
0x4d: {  	_ =	shalt  }
0x4e: {  	_ =	shalt  }
0x4f: {  	_ =	shalt  }
0x50: {  	_ =	shalt  }
0x51: {  	_ =	shalt  }
0x52: {  	_ =	shalt  }
0x53: {  	_ =	shalt  }
0x54: {  	_ =	shalt  }
0x55: {  	_ =	shalt  }
0x56: {  	_ =	shalt  }
0x57: {  	_ =	shalt  }
0x58: {  	_ =	shalt  }
0x59: {  	_ =	shalt  }
0x5a: {  	_ =	shalt  }
0x5b: {  	_ =	shalt  }
0x5c: {  	_ =	shalt  }
0x5d: {  	_ =	shalt  }
0x5e: {  	_ =	shalt  }
0x5f: {  	_ =	shalt  }
0x60: {  	_ =	shalt  }
0x61: {  	_ =	shalt  }
0x62: {  	_ =	shalt  }
0x63: {  	_ =	shalt  }
0x64: {  	_ =	shalt  }
0x65: {  	_ =	shalt  }
0x66: {  	_ =	shalt  }
0x67: {  	_ =	shalt  }
0x68: {  	_ =	shalt  }
0x69: {  	_ =	shalt  }
0x6a: {  	_ =	shalt  }
0x6b: {  	_ =	shalt  }
0x6c: {  	_ =	shalt  }
0x6d: {  	_ =	shalt  }
0x6e: {  	_ =	shalt  }
0x6f: {  	_ =	shalt  }
0x70: {  	_ =	shalt  }
0x71: {  	_ =	shalt  }
0x72: {  	_ =	shalt  }
0x73: {  	_ =	shalt  }
0x74: {  	_ =	shalt  }
0x75: {  	_ =	shalt  }
0x76: {  	_ =	shalt  }
0x77: {  	_ =	shalt  }
0x78: {  	_ =	shalt  }
0x79: {  	_ =	shalt  }
0x7a: {  	_ =	shalt  }
0x7b: {  	_ =	shalt  }
0x7c: {  	_ =	shalt  }
0x7d: {  	_ =	shalt  }
0x7e: {  	_ =	shalt  }
0x7f: {  	_ =	shalt  }
0x80: {  	_ =	shalt  }
0x81: {  	_ =	shalt  }
0x82: {  	_ =	shalt  }
0x83: {  	_ =	shalt  }
0x84: {  	_ =	shalt  }
0x85: {  	_ =	shalt  }
0x86: {  	_ =	shalt  }
0x87: {  	_ =	shalt  }
.Lfunc_end0:
.L_simem_size_0:
called_computation.2_lowered:
.L_overlay_start_0:
0x88: {  	s2 =	sld [smem:$0x3FD9]  }
0x89: {  	s3 =	sld [smem:$0x3FFE];
	_ =	sdelay $0x1  }
0x8a: {  	s1 =	srdreg.scid  }
0x8b: {  	s0 =	sand.u32 $0x1, s1  }
0x8c: {  	s16 =	sshll.u32 s0, $0xA;
	s2 =	sadd.s32 s3, s2  }
0x8d: {  	s2 =	sadd.s32 s2, s16  }
0x8e: {  	[smem:$0x3FC0] =	sst s2  }
0x8f: {  	_ = 	snop  }
0x90: {  	(tm) =	ssettm $0x1  }
0x91: {  	s17 =	sld [smem:$0x3FFB];
	_ =	sdelay $0x3  }
0x92: {  	_ =	strace s17  }
0x93: {  	s2 =	sld [smem:$0x3FFC];
	_ =	sdelay $0x3  }
0x94: {  	_ =	strace s2  }
0x95: {  	s2 =	sld [smem:$0x3FFD];
	_ =	sdelay $0x3  }
0x96: {  	_ =	strace s2  }
0x97: {  	_ =	strace $0x8FFFFFFF  }
0x98: {  	s18 =	sld [smem:$0x3FDB];
	_ =	sdelay $0x1  }
0x99: {  	s19 =	simm.s32 $_scs_section_size  }
0x9a: {  	s4 =	simm.s32 $_size__tile_overlayer_lowered;
	s5 =	simm.s32 $_tile_overlayer_lowered  }
0x9b: {  	s22 =	simm.s32 $0x1BFF;
	s21 =	sshll.u32 s5, $0x1;
	s2 =	sadd.s32 s19, s18  }
0x9c: {  	s6 =	simm.s32 $0x0;
	s20 =	sshll.u32 s4, $0x1;
	s4 =	sadd.s32 s21, s2  }
0x9d: {  	[timem:s6], [sflag:s22] =	dma.local [hbm:s4], s20  }
0x9e: {  	_ =	swait.ge [sflag:s22], s20  }
0x9f: {  	s3 =	ssub.s32 $0x0, s20;
	[sflag:s22] =	ssyncset.done $0x0  }
0xa0: {  	[sflag:s22] =	ssyncadd.s32 s3;
	_ =	sdelay $0x1  }
0xa1: {  	s23 =	simm.s32 $0x1B8B  }
0xa2: {  	_ =	swait.ge [sflag:s23], $0x1  }
0xa3: {  	[sflag:s23] =	ssyncset.done $0x0  }
0xa4: {  	s25 =	simm.s32 $0x1B8E;
	s24 =	sld [smem:$0x3FFE];
	[sflag:s23] =	ssyncadd.s32 $0xFFFFFFFF  }
0xa5: {  	s26 =	simm.s32 $execute0_lowered;
	[smem:$0x3FD2] =	sst s25  }
0xa6: {  	s4 =	sshll.u32 s26, $0x1;
	_ =	strace $0x8000004C;
	[dreg:$0x1] =	wrdreg $0xFFFFFFFF  }
0xa7: {  	s28 =	simm.s32 $_size_execute0_lowered;
	s2 =	sadd.s32 s2, s4;
	[dreg:$0x0] =	wrdreg $0x0  }
0xa8: {  	s4 =	sshll.u32 s28, $0x1;
	[dreg:$0x2] =	wrdreg s2  }
0xa9: {  	[dreg:$0x3] =	wrdreg s4  }
0xaa: {  	[dreg:$0x4] =	wrdreg $0xC0  }
0xab: {  	_ =	task [dreg:s6], $0x5FFFF  }
0xac: {  	[dreg:$0x1] =	wrdreg $0xFFFFFFFF  }
0xad: {  	[dreg:$0x0] =	wrdreg $0x60  }
0xae: {  	[dreg:$0x2] =	wrdreg s24  }
0xaf: {  	[dreg:$0x3] =	wrdreg $0xF3200  }
0xb0: {  	[dreg:$0x4] =	wrdreg $0x9  }
0xb1: {  	_ =	task.clear_ibuf [dreg:s6], $0x5FFFF;
	_ =	strace $0x9000004C  }
0xb2: {  	s29 =	simm.s32 $0x9;
	_ =	strace $0x8000004E  }
0xb3: {  	_ =	swait.ge [sflag:s29], $0x1  }
0xb4: {  	[sflag:s29] =	ssyncadd.s32 $0xFFFFFFFF  }
0xb5: {  	_ =	strace $0x9000004E  }
0xb6: {  	_ =	sfence  }
0xb7: {  	s30 =	sld [smem:$0x0];
	_ =	sdelay $0x2  }
0xb8: {  	s31 =	sshll.u32 s1, $0xD;
	s1 =	sshrl.u32 s1, $0x2  }
0xb9: {  	s3 =	sand.u32 $0x4000, s31;
	s1 =	sadd.s32 s1, s30  }
0xba: {  	s0 =	sor.u32 s3, s0;
	s1 =	sshll.u32 s1, $0x11  }
0xbb: {  	s0 =	sor.u32 s1, s0  }
0xbc: {  	s0 =	sadd.s32 $0x8F2B, s0  }
0xbd: {  	[sflag:s0] =	ssyncadd.remote.s32 $0x1  }
0xbe: {  	_ =	sfence.sel $0xFFFF  }
0xbf: {  	[dreg:$0x0] =	wrdreg $0xFFFFFFFF;
	(pc) =	sbr.abs _section_cstart, $3  }
0xc0: {  	[dreg:$0x1] =	wrdreg $0xFFFFFFFF  }
0xc1: {  	_ =	task.clear_ibuf [dreg:s6], $0x2FFFF;
	_ =	strace $0x9FFFFFFF  }
0xc2: {  	(tm) =	ssettm $0x7FFFFFFF  }
0xc3: {  	_ =	shalt  }
tec
execute0_lowered:
.L_overlay_start_1:
0x0: {  	(tag) =	ssettag $0x1  }
0x1: {  	s0 =	rddreg [dreg:$0x0]  }
0x2: {  	s1 =	rddreg [dreg:$0x1];
	s2 =	srdreg.scid;
	s3 =	simm.s32 $0x0  }
0x3: {  	s8 =	stileid.u32;
	s11 =	simm.s32 $0x3;
	s12 =	simm.s32 $0x1  }
0x4: {  	s13 =	simm.s32 $0x190;
	s14 =	simm.s32 $0x4E20;
	s15 =	simm.s32 $0x6720  }
0x5: {  	s17 =	simm.s32 $0x8020;
	s19 =	simm.s32 $0x9920;
	s21 =	simm.s32 $0xB220  }
0x6: {  	s28 =	simm.s32 $0x4650;
	s29 =	simm.s32 $0x47E0;
	s6 =	smul.u32 $0x2800, s8  }
0x7: {  	s30 =	simm.s32 $0x4970;
	s31 =	simm.s32 $0x4B00;
	s7 =	smul.u32 $0xA000, s8  }
0x8: {  	s2 =	sand.u32 $0x1, s2;
	[smem:$0x7FF] =	sst s3;
	s8 =	smul.u32 $0x2710, s8  }
0x9: {  	s4 =	sadd.s32 $0x2C00, s0;
	s9 =	sadd.s32 $0x16A00, s0;
	s5 =	smul.u32 $0x28000, s2  }
0xa: {  	_ =	strace $0x8000004D;
	s22 =	smul.u32 $0x27100, s2;
	s2 =	ssub.s32 $0x2, s2  }
0xb: {  	s23 =	sshrl.u32 s2, $0x1;
	s7 =	sshrl.u32 s7, $0x2;
	s5 =	sadd.s32 s6, s5  }
0xc: {  	s2 =	ssub.s32 s2, s23;
	s24 =	sadd.s32 s8, s22;
	s22 =	simm.s32 $0x2710  }
0xd: {  	s23 =	simm.s32 $0x2;
	s5 =	sshrl.u32 s5, $0x3;
	s25 =	sshrl.u32 s24, $0x3  }
0xe: {  	s10 =	sadd.s32 $0x4E200, s24;
	s0 =	sadd.s32 s5, s0;
	s5 =	sadd.s32 s7, s1  }
0xf: {  	s7 =	smax.u32 s2, $0x1;
	s8 =	sadd.s32 s25, s9;
	s26 =	sshrl.u32 s10, $0x3  }
0x10: {  	s10 =	simm.s32 $0xCB20;
	s2 =	simm.s32 $0x0;
	s6 =	sadd.s32 $0x7C00, s0  }
0x11: {  	v0 =	vimm.f32 $0.0e+00;
	s9 =	sadd.s32 s26, s9;
	s0 =	simm.s32 $0x4C90;
	s26 =	simm.s32 $0x0  }
.LBB2_1:
0x12: {  	s16 =	sadd.s32 $0x0, s8;
	s25 =	sadd.s32 $0x0, s9  }
0x13: {  	[tilespmem:s3], [sflag:$0x1] =	stream.linear.gather [hbm4b:s16+s3], $0x190, $0x38;
	[tilespmem:$0x11B20] =	vst v63  }
0x14: {  	s18 =	simm.s32 $0x0;
	s20 =	simm.s32 $0x2710;
	s16 =	simm.s32 $0x32  }
0x15: {  	[tilespmem:s22], [sflag:$0x1] =	stream.linear.gather [hbm4b:s25+s3], $0x190, $0x38;
	[tilespmem:$0x11B20] =	vst v63  }
.LBB2_2:
0x16: {  	s24 =	sadd.s32 s16, s8;
	p0 =	sne.s32 s16, $0x4B0  }
.Ltmp0:
0x17: {  	s18 =	sadd.s32 $0x190, s18;
	s25 =	smov.u32 s16;
	(pc) =	sbr.rel @p0 .LBB2_2-.Ltmp0, $4  }
0x18: {  	s16 =	sadd.s32 $0x32, s16  }
0x19: {  	[tilespmem:s18], [sflag:$0x1] =	stream.linear.gather [hbm4b:s24+s26], $0x190, $0x38;
	[tilespmem:$0x11B20] =	vst v63  }
0x1a: {  	s20 =	sadd.s32 $0x190, s20;
	s24 =	sadd.s32 s25, s9  }
0x1b: {  	[tilespmem:s20], [sflag:$0x1] =	stream.linear.gather [hbm4b:s24+s26], $0x190, $0x38;
	[tilespmem:$0x11B20] =	vst v63  }
0x1c: {  	s16 =	simm.s32 $0x40;
	s18 =	simm.s32 $0x0  }
.LBB2_4:
0x1d: {  	p0 =	sne.s32 s16, $0x9FC0;
	[tilespmem:s18+$0xCB20] =	vst v0;
	s18 =	smov.u32 s16;
	s16 =	sadd.s32 $0x40, s16  }
.Ltmp1:
0x1e: {  	(pc) =	sbr.rel @p0 .LBB2_4-.Ltmp1, $2  }
0x1f: {  	_ =	sdelay $0x2  }
0x20: {  	s18 =	sshra.s32 s18, $0x2  }
0x21: {  	[tilespmem:s18+$0xCB20] =	vst v0  }
0x22: {  	[spmem:s5] =	stream.linear.scatter [tilespmem:s10], [sflag:$0x3], $0x2800, $0x38;
	[tilespmem:$0x11B20] =	vst v63  }
0x23: {  	_ =	swait.ge [sflag:s11], $0x2800  }
0x24: {  	[sflag:s11] =	ssyncset.done $0x0  }
0x25: {  	[sflag:s11] =	ssyncadd.s32 $0xFFFFD800  }
0x26: {  	_ =	swait.ge [sflag:s12], $0x190  }
0x27: {  	[sflag:s12] =	ssyncset.done $0x0  }
0x28: {  	[sflag:s12] =	ssyncadd.s32 $0xFFFFFE70  }
0x29: {  	_ =	swait.ge [sflag:s12], $0x190  }
0x2a: {  	s16 =	simm.s32 $0x18;
	[sflag:s12] =	ssyncset.done $0x0  }
.LBB2_6:
0x2b: {  	p0 =	sne.s32 s16, $0x1;
	s16 =	sadd.s32 $0xFFFFFFFF, s16;
	[sflag:s12] =	ssyncadd.s32 $0xFFFFFE70  }
.Ltmp2:
0x2c: {  	_ =	swait.ge [sflag:s12], $0x190;
	(pc) =	sbr.rel @p0 .LBB2_6-.Ltmp2, $4  }
0x2d: {  	[sflag:s12] =	ssyncset.done $0x0  }
0x2e: {  	[sflag:s12] =	ssyncadd.s32 $0xFFFFFE70  }
0x2f: {  	_ =	swait.ge [sflag:s12], $0x190  }
0x30: {  	[sflag:s12] =	ssyncset.done $0x0  }
0x31: {  	[sflag:s12] =	ssyncadd.s32 $0xFFFFFE70  }
0x32: {  	[bflag:$0x0] =	sbarrier.arrive $0xFFFF  }
0x33: {  	[tilespmem:s14], [sflag:$0x1] =	stream.indirect.gather [hbm4b:s4+s13], $0x10, s3, s13, $0xb8;
	[tilespmem:$0x11B20] =	vst v63  }
0x34: {  	_ = 	snop  }
0x35: {  	[tilespmem:s15], [sflag:$0x1] =	stream.indirect.gather [hbm4b:s4+s13], $0x10, s13, s13, $0xb8;
	[tilespmem:$0x11B20] =	vst v63  }
0x36: {  	s16 =	simm.s32 $0x320  }
0x37: {  	[tilespmem:s17], [sflag:$0x1] =	stream.indirect.gather [hbm4b:s4+s13], $0x10, s16, s13, $0xb8;
	[tilespmem:$0x11B20] =	vst v63  }
0x38: {  	s25 =	simm.s32 $0x4B0  }
0x39: {  	[tilespmem:s19], [sflag:$0x1] =	stream.indirect.gather [hbm4b:s4+s13], $0x10, s25, s13, $0xb8;
	[tilespmem:$0x11B20] =	vst v63  }
0x3a: {  	s18 =	simm.s32 $0x640  }
0x3b: {  	[tilespmem:s21], [sflag:$0x1] =	stream.indirect.gather [hbm4b:s4+s13], $0x10, s18, s13, $0xb8;
	[tilespmem:$0x11B20] =	vst v63  }
0x3c: {  	_ =	swait.ge [sflag:s12], $0x1900  }
0x3d: {  	[sflag:s12] =	ssyncset.done $0x0  }
0x3e: {  	[sflag:s12] =	ssyncadd.s32 $0xFFFFE700  }
0x3f: {  	[spmem:s1] =	stream.indirect.scatter.add.f32 [tilespmem:s14], [sflag:$0x2], $0x10, s22, s13, $0xb8;
	[tilespmem:$0x11B20] =	vst v63  }
0x40: {  	_ =	swait.ge [sflag:s23], $0x1900  }
0x41: {  	[sflag:s23] =	ssyncset.done $0x0  }
0x42: {  	s20 =	simm.s32 $0x7D0;
	[sflag:s23] =	ssyncadd.s32 $0xFFFFE700  }
0x43: {  	[tilespmem:s14], [sflag:$0x1] =	stream.indirect.gather [hbm4b:s4+s13], $0x10, s20, s13, $0xb8;
	[tilespmem:$0x11B20] =	vst v63  }
0x44: {  	_ =	swait.ge [sflag:s12], $0x1900  }
0x45: {  	[sflag:s12] =	ssyncset.done $0x0  }
0x46: {  	s24 =	simm.s32 $0x28A0;
	[sflag:s12] =	ssyncadd.s32 $0xFFFFE700  }
0x47: {  	[spmem:s1] =	stream.indirect.scatter.add.f32 [tilespmem:s15], [sflag:$0x2], $0x10, s24, s13, $0xb8;
	[tilespmem:$0x11B20] =	vst v63  }
0x48: {  	_ =	swait.ge [sflag:s23], $0x1900  }
0x49: {  	[sflag:s23] =	ssyncset.done $0x0  }
0x4a: {  	s25 =	simm.s32 $0x960;
	[sflag:s23] =	ssyncadd.s32 $0xFFFFE700  }
0x4b: {  	[tilespmem:s15], [sflag:$0x1] =	stream.indirect.gather [hbm4b:s4+s13], $0x10, s25, s13, $0xb8;
	[tilespmem:$0x11B20] =	vst v63  }
0x4c: {  	_ =	swait.ge [sflag:s12], $0x1900  }
0x4d: {  	[sflag:s12] =	ssyncset.done $0x0  }
0x4e: {  	s18 =	simm.s32 $0x2A30;
	[sflag:s12] =	ssyncadd.s32 $0xFFFFE700  }
0x4f: {  	[spmem:s1] =	stream.indirect.scatter.add.f32 [tilespmem:s17], [sflag:$0x2], $0x10, s18, s13, $0xb8;
	[tilespmem:$0x11B20] =	vst v63  }
0x50: {  	_ =	swait.ge [sflag:s23], $0x1900  }
0x51: {  	[sflag:s23] =	ssyncset.done $0x0  }
0x52: {  	s20 =	simm.s32 $0xAF0;
	[sflag:s23] =	ssyncadd.s32 $0xFFFFE700  }
0x53: {  	[tilespmem:s17], [sflag:$0x1] =	stream.indirect.gather [hbm4b:s4+s13], $0x10, s20, s13, $0xb8;
	[tilespmem:$0x11B20] =	vst v63  }
0x54: {  	_ =	swait.ge [sflag:s12], $0x1900  }
0x55: {  	[sflag:s12] =	ssyncset.done $0x0  }
0x56: {  	s24 =	simm.s32 $0x2BC0;
	[sflag:s12] =	ssyncadd.s32 $0xFFFFE700  }
0x57: {  	[spmem:s1] =	stream.indirect.scatter.add.f32 [tilespmem:s19], [sflag:$0x2], $0x10, s24, s13, $0xb8;
	[tilespmem:$0x11B20] =	vst v63  }
0x58: {  	_ =	swait.ge [sflag:s23], $0x1900  }
0x59: {  	[sflag:s23] =	ssyncset.done $0x0  }
0x5a: {  	s25 =	simm.s32 $0xC80;
	[sflag:s23] =	ssyncadd.s32 $0xFFFFE700  }
0x5b: {  	[tilespmem:s19], [sflag:$0x1] =	stream.indirect.gather [hbm4b:s4+s13], $0x10, s25, s13, $0xb8;
	[tilespmem:$0x11B20] =	vst v63  }
0x5c: {  	_ =	swait.ge [sflag:s12], $0x1900  }
0x5d: {  	[sflag:s12] =	ssyncset.done $0x0  }
0x5e: {  	s18 =	simm.s32 $0x2D50;
	[sflag:s12] =	ssyncadd.s32 $0xFFFFE700  }
0x5f: {  	[spmem:s1] =	stream.indirect.scatter.add.f32 [tilespmem:s21], [sflag:$0x2], $0x10, s18, s13, $0xb8;
	[tilespmem:$0x11B20] =	vst v63  }
0x60: {  	_ =	swait.ge [sflag:s23], $0x1900  }
0x61: {  	[sflag:s23] =	ssyncset.done $0x0  }
0x62: {  	s20 =	simm.s32 $0xE10;
	[sflag:s23] =	ssyncadd.s32 $0xFFFFE700  }
0x63: {  	[tilespmem:s21], [sflag:$0x1] =	stream.indirect.gather [hbm4b:s4+s13], $0x10, s20, s13, $0xb8;
	[tilespmem:$0x11B20] =	vst v63  }
0x64: {  	_ =	swait.ge [sflag:s12], $0x1900  }
0x65: {  	[sflag:s12] =	ssyncset.done $0x0  }
0x66: {  	s24 =	simm.s32 $0x2EE0;
	[sflag:s12] =	ssyncadd.s32 $0xFFFFE700  }
0x67: {  	[spmem:s1] =	stream.indirect.scatter.add.f32 [tilespmem:s14], [sflag:$0x2], $0x10, s24, s13, $0xb8;
	[tilespmem:$0x11B20] =	vst v63  }
0x68: {  	_ =	swait.ge [sflag:s23], $0x1900  }
0x69: {  	[sflag:s23] =	ssyncset.done $0x0  }
0x6a: {  	s25 =	simm.s32 $0xFA0;
	[sflag:s23] =	ssyncadd.s32 $0xFFFFE700  }
0x6b: {  	[tilespmem:s14], [sflag:$0x1] =	stream.indirect.gather [hbm4b:s4+s13], $0x10, s25, s13, $0xb8;
	[tilespmem:$0x11B20] =	vst v63  }
0x6c: {  	_ =	swait.ge [sflag:s12], $0x1900  }
0x6d: {  	[sflag:s12] =	ssyncset.done $0x0  }
0x6e: {  	s18 =	simm.s32 $0x3070;
	[sflag:s12] =	ssyncadd.s32 $0xFFFFE700  }
0x6f: {  	[spmem:s1] =	stream.indirect.scatter.add.f32 [tilespmem:s15], [sflag:$0x2], $0x10, s18, s13, $0xb8;
	[tilespmem:$0x11B20] =	vst v63  }
0x70: {  	_ =	swait.ge [sflag:s23], $0x1900  }
0x71: {  	[sflag:s23] =	ssyncset.done $0x0  }
0x72: {  	s20 =	simm.s32 $0x1130;
	[sflag:s23] =	ssyncadd.s32 $0xFFFFE700  }
0x73: {  	[tilespmem:s15], [sflag:$0x1] =	stream.indirect.gather [hbm4b:s4+s13], $0x10, s20, s13, $0xb8;
	[tilespmem:$0x11B20] =	vst v63  }
0x74: {  	_ =	swait.ge [sflag:s12], $0x1900  }
0x75: {  	[sflag:s12] =	ssyncset.done $0x0  }
0x76: {  	s24 =	simm.s32 $0x3200;
	[sflag:s12] =	ssyncadd.s32 $0xFFFFE700  }
0x77: {  	[spmem:s1] =	stream.indirect.scatter.add.f32 [tilespmem:s17], [sflag:$0x2], $0x10, s24, s13, $0xb8;
	[tilespmem:$0x11B20] =	vst v63  }
0x78: {  	_ =	swait.ge [sflag:s23], $0x1900  }
0x79: {  	[sflag:s23] =	ssyncset.done $0x0  }
0x7a: {  	s25 =	simm.s32 $0x12C0;
	[sflag:s23] =	ssyncadd.s32 $0xFFFFE700  }
0x7b: {  	[tilespmem:s17], [sflag:$0x1] =	stream.indirect.gather [hbm4b:s4+s13], $0x10, s25, s13, $0xb8;
	[tilespmem:$0x11B20] =	vst v63  }
0x7c: {  	_ =	swait.ge [sflag:s12], $0x1900  }
0x7d: {  	[sflag:s12] =	ssyncset.done $0x0  }
0x7e: {  	s18 =	simm.s32 $0x3390;
	[sflag:s12] =	ssyncadd.s32 $0xFFFFE700  }
0x7f: {  	[spmem:s1] =	stream.indirect.scatter.add.f32 [tilespmem:s19], [sflag:$0x2], $0x10, s18, s13, $0xb8;
	[tilespmem:$0x11B20] =	vst v63  }
0x80: {  	_ =	swait.ge [sflag:s23], $0x1900  }
0x81: {  	[sflag:s23] =	ssyncset.done $0x0  }
0x82: {  	s20 =	simm.s32 $0x1450;
	[sflag:s23] =	ssyncadd.s32 $0xFFFFE700  }
0x83: {  	[tilespmem:s19], [sflag:$0x1] =	stream.indirect.gather [hbm4b:s4+s13], $0x10, s20, s13, $0xb8;
	[tilespmem:$0x11B20] =	vst v63  }
0x84: {  	_ =	swait.ge [sflag:s12], $0x1900  }
0x85: {  	[sflag:s12] =	ssyncset.done $0x0  }
0x86: {  	s24 =	simm.s32 $0x3520;
	[sflag:s12] =	ssyncadd.s32 $0xFFFFE700  }
0x87: {  	[spmem:s1] =	stream.indirect.scatter.add.f32 [tilespmem:s21], [sflag:$0x2], $0x10, s24, s13, $0xb8;
	[tilespmem:$0x11B20] =	vst v63  }
0x88: {  	_ =	swait.ge [sflag:s23], $0x1900  }
0x89: {  	[sflag:s23] =	ssyncset.done $0x0  }
0x8a: {  	s25 =	simm.s32 $0x15E0;
	[sflag:s23] =	ssyncadd.s32 $0xFFFFE700  }
0x8b: {  	[tilespmem:s21], [sflag:$0x1] =	stream.indirect.gather [hbm4b:s4+s13], $0x10, s25, s13, $0xb8;
	[tilespmem:$0x11B20] =	vst v63  }
0x8c: {  	_ =	swait.ge [sflag:s12], $0x1900  }
0x8d: {  	[sflag:s12] =	ssyncset.done $0x0  }
0x8e: {  	s18 =	simm.s32 $0x36B0;
	[sflag:s12] =	ssyncadd.s32 $0xFFFFE700  }
0x8f: {  	[spmem:s1] =	stream.indirect.scatter.add.f32 [tilespmem:s14], [sflag:$0x2], $0x10, s18, s13, $0xb8;
	[tilespmem:$0x11B20] =	vst v63  }
0x90: {  	_ =	swait.ge [sflag:s23], $0x1900  }
0x91: {  	[sflag:s23] =	ssyncset.done $0x0  }
0x92: {  	s20 =	simm.s32 $0x1770;
	[sflag:s23] =	ssyncadd.s32 $0xFFFFE700  }
0x93: {  	[tilespmem:s14], [sflag:$0x1] =	stream.indirect.gather [hbm4b:s4+s13], $0x10, s20, s13, $0xb8;
	[tilespmem:$0x11B20] =	vst v63  }
0x94: {  	_ =	swait.ge [sflag:s12], $0x1900  }
0x95: {  	[sflag:s12] =	ssyncset.done $0x0  }
0x96: {  	s24 =	simm.s32 $0x3840;
	[sflag:s12] =	ssyncadd.s32 $0xFFFFE700  }
0x97: {  	[spmem:s1] =	stream.indirect.scatter.add.f32 [tilespmem:s15], [sflag:$0x2], $0x10, s24, s13, $0xb8;
	[tilespmem:$0x11B20] =	vst v63  }
0x98: {  	_ =	swait.ge [sflag:s23], $0x1900  }
0x99: {  	[sflag:s23] =	ssyncset.done $0x0  }
0x9a: {  	s25 =	simm.s32 $0x1900;
	[sflag:s23] =	ssyncadd.s32 $0xFFFFE700  }
0x9b: {  	[tilespmem:s15], [sflag:$0x1] =	stream.indirect.gather [hbm4b:s4+s13], $0x10, s25, s13, $0xb8;
	[tilespmem:$0x11B20] =	vst v63  }
0x9c: {  	_ =	swait.ge [sflag:s12], $0x1900  }
0x9d: {  	[sflag:s12] =	ssyncset.done $0x0  }
0x9e: {  	s18 =	simm.s32 $0x39D0;
	[sflag:s12] =	ssyncadd.s32 $0xFFFFE700  }
0x9f: {  	[spmem:s1] =	stream.indirect.scatter.add.f32 [tilespmem:s17], [sflag:$0x2], $0x10, s18, s13, $0xb8;
	[tilespmem:$0x11B20] =	vst v63  }
0xa0: {  	_ =	swait.ge [sflag:s23], $0x1900  }
0xa1: {  	[sflag:s23] =	ssyncset.done $0x0  }
0xa2: {  	s20 =	simm.s32 $0x1A90;
	[sflag:s23] =	ssyncadd.s32 $0xFFFFE700  }
0xa3: {  	[tilespmem:s17], [sflag:$0x1] =	stream.indirect.gather [hbm4b:s4+s13], $0x10, s20, s13, $0xb8;
	[tilespmem:$0x11B20] =	vst v63  }
0xa4: {  	_ =	swait.ge [sflag:s12], $0x1900  }
0xa5: {  	[sflag:s12] =	ssyncset.done $0x0  }
0xa6: {  	s24 =	simm.s32 $0x3B60;
	[sflag:s12] =	ssyncadd.s32 $0xFFFFE700  }
0xa7: {  	[spmem:s1] =	stream.indirect.scatter.add.f32 [tilespmem:s19], [sflag:$0x2], $0x10, s24, s13, $0xb8;
	[tilespmem:$0x11B20] =	vst v63  }
0xa8: {  	_ =	swait.ge [sflag:s23], $0x1900  }
0xa9: {  	[sflag:s23] =	ssyncset.done $0x0  }
0xaa: {  	s25 =	simm.s32 $0x1C20;
	[sflag:s23] =	ssyncadd.s32 $0xFFFFE700  }
0xab: {  	[tilespmem:s19], [sflag:$0x1] =	stream.indirect.gather [hbm4b:s4+s13], $0x10, s25, s13, $0xb8;
	[tilespmem:$0x11B20] =	vst v63  }
0xac: {  	_ =	swait.ge [sflag:s12], $0x1900  }
0xad: {  	[sflag:s12] =	ssyncset.done $0x0  }
0xae: {  	s18 =	simm.s32 $0x3CF0;
	[sflag:s12] =	ssyncadd.s32 $0xFFFFE700  }
0xaf: {  	[spmem:s1] =	stream.indirect.scatter.add.f32 [tilespmem:s21], [sflag:$0x2], $0x10, s18, s13, $0xb8;
	[tilespmem:$0x11B20] =	vst v63  }
0xb0: {  	_ =	swait.ge [sflag:s23], $0x1900  }
0xb1: {  	[sflag:s23] =	ssyncset.done $0x0  }
0xb2: {  	s20 =	simm.s32 $0x1DB0;
	[sflag:s23] =	ssyncadd.s32 $0xFFFFE700  }
0xb3: {  	[tilespmem:s21], [sflag:$0x1] =	stream.indirect.gather [hbm4b:s4+s13], $0x10, s20, s13, $0xb8;
	[tilespmem:$0x11B20] =	vst v63  }
0xb4: {  	_ =	swait.ge [sflag:s12], $0x1900  }
0xb5: {  	[sflag:s12] =	ssyncset.done $0x0  }
0xb6: {  	s24 =	simm.s32 $0x3E80;
	[sflag:s12] =	ssyncadd.s32 $0xFFFFE700  }
0xb7: {  	[spmem:s1] =	stream.indirect.scatter.add.f32 [tilespmem:s14], [sflag:$0x2], $0x10, s24, s13, $0xb8;
	[tilespmem:$0x11B20] =	vst v63  }
0xb8: {  	_ =	swait.ge [sflag:s23], $0x1900  }
0xb9: {  	[sflag:s23] =	ssyncset.done $0x0  }
0xba: {  	s25 =	simm.s32 $0x1F40;
	[sflag:s23] =	ssyncadd.s32 $0xFFFFE700  }
0xbb: {  	[tilespmem:s14], [sflag:$0x1] =	stream.indirect.gather [hbm4b:s4+s13], $0x10, s25, s13, $0xb8;
	[tilespmem:$0x11B20] =	vst v63  }
0xbc: {  	_ =	swait.ge [sflag:s12], $0x1900  }
0xbd: {  	[sflag:s12] =	ssyncset.done $0x0  }
0xbe: {  	s18 =	simm.s32 $0x4010;
	[sflag:s12] =	ssyncadd.s32 $0xFFFFE700  }
0xbf: {  	[spmem:s1] =	stream.indirect.scatter.add.f32 [tilespmem:s15], [sflag:$0x2], $0x10, s18, s13, $0xb8;
	[tilespmem:$0x11B20] =	vst v63  }
0xc0: {  	_ =	swait.ge [sflag:s23], $0x1900  }
0xc1: {  	[sflag:s23] =	ssyncset.done $0x0  }
0xc2: {  	s20 =	simm.s32 $0x20D0;
	[sflag:s23] =	ssyncadd.s32 $0xFFFFE700  }
0xc3: {  	[tilespmem:s15], [sflag:$0x1] =	stream.indirect.gather [hbm4b:s4+s13], $0x10, s20, s13, $0xb8;
	[tilespmem:$0x11B20] =	vst v63  }
0xc4: {  	_ =	swait.ge [sflag:s12], $0x1900  }
0xc5: {  	[sflag:s12] =	ssyncset.done $0x0  }
0xc6: {  	s24 =	simm.s32 $0x41A0;
	[sflag:s12] =	ssyncadd.s32 $0xFFFFE700  }
0xc7: {  	[spmem:s1] =	stream.indirect.scatter.add.f32 [tilespmem:s17], [sflag:$0x2], $0x10, s24, s13, $0xb8;
	[tilespmem:$0x11B20] =	vst v63  }
0xc8: {  	_ =	swait.ge [sflag:s23], $0x1900  }
0xc9: {  	[sflag:s23] =	ssyncset.done $0x0  }
0xca: {  	s25 =	simm.s32 $0x2260;
	[sflag:s23] =	ssyncadd.s32 $0xFFFFE700  }
0xcb: {  	[tilespmem:s17], [sflag:$0x1] =	stream.indirect.gather [hbm4b:s4+s13], $0x10, s25, s13, $0xb8;
	[tilespmem:$0x11B20] =	vst v63  }
0xcc: {  	_ =	swait.ge [sflag:s12], $0x1900  }
0xcd: {  	[sflag:s12] =	ssyncset.done $0x0  }
0xce: {  	s18 =	simm.s32 $0x4330;
	[sflag:s12] =	ssyncadd.s32 $0xFFFFE700  }
0xcf: {  	[spmem:s1] =	stream.indirect.scatter.add.f32 [tilespmem:s19], [sflag:$0x2], $0x10, s18, s13, $0xb8;
	[tilespmem:$0x11B20] =	vst v63  }
0xd0: {  	_ =	swait.ge [sflag:s23], $0x1900  }
0xd1: {  	[sflag:s23] =	ssyncset.done $0x0  }
0xd2: {  	s20 =	simm.s32 $0x23F0;
	[sflag:s23] =	ssyncadd.s32 $0xFFFFE700  }
0xd3: {  	[tilespmem:s19], [sflag:$0x1] =	stream.indirect.gather [hbm4b:s4+s13], $0x10, s20, s13, $0xb8;
	[tilespmem:$0x11B20] =	vst v63  }
0xd4: {  	_ =	swait.ge [sflag:s12], $0x1900  }
0xd5: {  	[sflag:s12] =	ssyncset.done $0x0  }
0xd6: {  	s24 =	simm.s32 $0x44C0;
	[sflag:s12] =	ssyncadd.s32 $0xFFFFE700  }
0xd7: {  	[spmem:s1] =	stream.indirect.scatter.add.f32 [tilespmem:s21], [sflag:$0x2], $0x10, s24, s13, $0xb8;
	[tilespmem:$0x11B20] =	vst v63  }
0xd8: {  	_ =	swait.ge [sflag:s23], $0x1900  }
0xd9: {  	[sflag:s23] =	ssyncset.done $0x0  }
0xda: {  	s25 =	simm.s32 $0x2580;
	[sflag:s23] =	ssyncadd.s32 $0xFFFFE700  }
0xdb: {  	[tilespmem:s21], [sflag:$0x1] =	stream.indirect.gather [hbm4b:s4+s13], $0x10, s25, s13, $0xb8;
	[tilespmem:$0x11B20] =	vst v63  }
0xdc: {  	_ =	swait.ge [sflag:s12], $0x1900  }
0xdd: {  	[sflag:s12] =	ssyncset.done $0x0  }
0xde: {  	[sflag:s12] =	ssyncadd.s32 $0xFFFFE700  }
0xdf: {  	[spmem:s1] =	stream.indirect.scatter.add.f32 [tilespmem:s14], [sflag:$0x2], $0x10, s28, s13, $0xb8;
	[tilespmem:$0x11B20] =	vst v63  }
0xe0: {  	_ =	swait.ge [sflag:s23], $0x1900  }
0xe1: {  	[sflag:s23] =	ssyncset.done $0x0  }
0xe2: {  	[sflag:s23] =	ssyncadd.s32 $0xFFFFE700  }
0xe3: {  	_ =	swait.ge [sflag:s12], $0x1900  }
0xe4: {  	[sflag:s12] =	ssyncset.done $0x0  }
0xe5: {  	[sflag:s12] =	ssyncadd.s32 $0xFFFFE700  }
0xe6: {  	[spmem:s1] =	stream.indirect.scatter.add.f32 [tilespmem:s15], [sflag:$0x2], $0x10, s29, s13, $0xb8;
	[tilespmem:$0x11B20] =	vst v63  }
0xe7: {  	_ =	swait.ge [sflag:s23], $0x1900  }
0xe8: {  	[sflag:s23] =	ssyncset.done $0x0  }
0xe9: {  	[sflag:s23] =	ssyncadd.s32 $0xFFFFE700  }
0xea: {  	_ =	swait.ge [sflag:s12], $0x1900  }
0xeb: {  	[sflag:s12] =	ssyncset.done $0x0  }
0xec: {  	[sflag:s12] =	ssyncadd.s32 $0xFFFFE700  }
0xed: {  	[spmem:s1] =	stream.indirect.scatter.add.f32 [tilespmem:s17], [sflag:$0x2], $0x10, s30, s13, $0xb8;
	[tilespmem:$0x11B20] =	vst v63  }
0xee: {  	_ =	swait.ge [sflag:s23], $0x1900  }
0xef: {  	[sflag:s23] =	ssyncset.done $0x0  }
0xf0: {  	[sflag:s23] =	ssyncadd.s32 $0xFFFFE700  }
0xf1: {  	_ =	swait.ge [sflag:s12], $0x1900  }
0xf2: {  	[sflag:s12] =	ssyncset.done $0x0  }
0xf3: {  	[sflag:s12] =	ssyncadd.s32 $0xFFFFE700  }
0xf4: {  	[spmem:s1] =	stream.indirect.scatter.add.f32 [tilespmem:s19], [sflag:$0x2], $0x10, s31, s13, $0xb8;
	[tilespmem:$0x11B20] =	vst v63  }
0xf5: {  	_ =	swait.ge [sflag:s23], $0x1900  }
0xf6: {  	[sflag:s23] =	ssyncset.done $0x0  }
0xf7: {  	[sflag:s23] =	ssyncadd.s32 $0xFFFFE700  }
0xf8: {  	_ =	swait.ge [sflag:s12], $0x1900  }
0xf9: {  	[sflag:s12] =	ssyncset.done $0x0  }
0xfa: {  	[sflag:s12] =	ssyncadd.s32 $0xFFFFE700  }
0xfb: {  	[spmem:s1] =	stream.indirect.scatter.add.f32 [tilespmem:s21], [sflag:$0x2], $0x10, s0, s13, $0xb8;
	[tilespmem:$0x11B20] =	vst v63  }
0xfc: {  	_ =	swait.ge [sflag:s23], $0x1900  }
0xfd: {  	[sflag:s23] =	ssyncset.done $0x0  }
0xfe: {  	[sflag:s23] =	ssyncadd.s32 $0xFFFFE700  }
0xff: {  	[bflag:$0x0] =	sbarrier.arrive $0xFFFF  }
0x100: {  	[tilespmem:s10], [sflag:$0x3] =	stream.linear.gather [spmem:s5], $0x2800, $0x38;
	[tilespmem:$0x11B20] =	vst v63  }
0x101: {  	s2 =	sadd.s32 $0x1, s2;
	_ =	swait.ge [sflag:s11], $0x2800  }
0x102: {  	p0 =	sne.s32 s2, s7;
	[sflag:s11] =	ssyncset.done $0x0  }
.Ltmp3:
0x103: {  	[sflag:s11] =	ssyncadd.s32 $0xFFFFD800;
	(pc) =	sbr.rel @p0 .LBB2_1-.Ltmp3, $4  }
0x104: {  	[hbm4b:s6+s3] =	stream.linear.scatter [tilespmem:s10], [sflag:$0x3], $0x2800, $0x38;
	[tilespmem:$0x11B20] =	vst v63  }
0x105: {  	_ =	swait.ge [sflag:s11], $0x2800  }
0x106: {  	[sflag:s11] =	ssyncset.done $0x0  }
0x107: {  	[sflag:s11] =	ssyncadd.s32 $0xFFFFD800  }
0x108: {  	_ =	sfence.sel $0x180000  }
0x109: {  	[bflag:$0x0] =	sbarrier.arrive $0xFFFF  }
0x10a: {  	_ =	strace $0x9000004D  }
0x10b: {  	s0 =	stileid.u32;
	[bflag:$0x2] =	sbarrier.arrive $0xFFFF  }
0x10c: {  	p0 =	sne.s32 s0, $0x0;
	s0 =	rddreg [dreg:$0x2]  }
0x10d: {  	s0 =	sadd.s32 @!p0 $0x100000, s0  }
0x10e: {  	[sflag:s0] =	ssyncadd.tile.s32 @!p0 $0x1;
	_ =	shalt  }
.Lfunc_end2:
_tile_overlayer_lowered:
.L_overlay_start_2:
0x10f: {  	(tag) =	ssettag $0x2  }
0x110: {  	s0 =	rddreg [dreg:$0x0];
	s2 =	stileid.u32  }
0x111: {  	s1 =	rddreg [dreg:$0x1];
	p0 =	sne.s32 s2, $0x0  }
0x112: {  	s3 =	rddreg [dreg:$0x2];
	[bflag:$0x3] =	sbarrier.arrive $0xFFFF;
	s2 =	simm.s32 @!p0 $0x1C03  }
0x113: {  	[timem:s3], [sflag:s2] =	dma.local @!p0 [hbm:s0], s1  }
0x114: {  	s0 =	simm.s32 @!p0 $0x3  }
0x115: {  	_ =	swait.ge @!p0 [sflag:s0], s1  }
0x116: {  	s1 =	ssub.s32 @!p0 $0x0, s1;
	[sflag:s0] =	ssyncset.done @!p0 $0x0  }
0x117: {  	[sflag:s0] =	ssyncadd.s32 @!p0 s1  }
0x118: {  	[bflag:$0x3] =	sbarrier.arrive $0xFFFF  }
0x119: {  	_ =	shalt  }

// kernel: kernel.9.cloned.1.call-start
scs
__scs_entry_jumppad:
0x0: {  	(pc) =	sbr.rel $0x88, $3  }
0x1: {  	(tag) =	ssettag $0x0;
	lr =	simm.s32 $0x1  }
0x2: {  	[smem:$0x3F99] =	sst lr;
	_ =	strace $0xD0000000  }
0x3: {  	_ = 	snop  }
0x4: {  	_ = 	snop  }
0x5: {  	_ = 	snop  }
0x6: {  	_ = 	snop  }
0x7: {  	_ = 	snop  }
__scs_overlays_trampoline_lowered:
0x8: {  	[smem:$0x3FA8] =	sst s0  }
0x9: {  	[smem:$0x3FA9] =	sst s1  }
0xa: {  	[smem:$0x3FAA] =	sst s2  }
0xb: {  	[smem:$0x3FAB] =	sst s3  }
0xc: {  	[smem:$0x3FAC] =	sst s4  }
0xd: {  	[smem:$0x3FAD] =	sst s5  }
0xe: {  	[smem:$0x3FAE] =	sst s6  }
0xf: {  	[smem:$0x3FAF] =	sst s7  }
0x10: {  	[smem:$0x3FB0] =	sst s8  }
0x11: {  	[smem:$0x3FB1] =	sst s9;
	s0 =	simm.s32 @!p0 $0x0  }
0x12: {  	s1 =	sld [smem:$0x3F97];
	s0 =	simm.s32 @p0 $0x1  }
0x13: {  	[smem:$0x3FB2] =	sst s0;
	s0 =	simm.s32 @!p1 $0x0  }
0x14: {  	s2 =	sld [smem:$0x3F96];
	s0 =	simm.s32 @p1 $0x1  }
0x15: {  	[smem:$0x3FB3] =	sst s0;
	s0 =	simm.s32 @!p2 $0x0  }
0x16: {  	s3 =	sld [smem:$0x3FDB];
	s0 =	simm.s32 @p2 $0x1  }
0x17: {  	s4 =	simm.s32 $0x1BF5;
	[smem:$0x3FB5] =	sst s0  }
0x18: {  	s0 =	sld [smem:$0x3F98];
	_ =	swait.ge [sflag:s4], $0x0  }
0x19: {  	s7 =	sld [smem:$0x3F99]  }
0x1a: {  	s8 =	sadd.s32 $0xFFFFE003, lr  }
0x1b: {  	s9 =	sadd.s32 $0xFFFFFEF7, lr;
	s5 =	simm.s32 $0xFFFFFFFF;
	p2 =	slt.u32 s8, $0xFFFFF086  }
0x1c: {  	p1 =	slt.u32 s9, $0xF7A;
	s5 =	simm.s32 @!p2 $0x0  }
0x1d: {  	s5 =	simm.s32 @p1 $0x1;
	p0 =	seq.s32 s7, s2  }
0x1e: {  	s7 =	smul.u32 @!p0 $0xF7A, s2;
	p2 =	seq.s32 @!p0 s5, $0x0  }
0x1f: {  	s9 =	smul.u32 $0xF7A, s1;
	s8 =	simm.s32 @!p0 $0x1BF5;
	p2 =	por !p2, p0  }
0x20: {  	[sflag:s8] =	ssyncset.s32 @!p0 $0xFFFFF086;
	s6 =	sadd.s32 @!p0 s3, s7;
	s7 =	simm.s32 @!p0 $0x108  }
0x21: {  	s3 =	sadd.s32 s3, s9;
	s6 =	sadd.s32 @!p0 $0x88, s6;
	s7 =	simm.s32 @p2 $0x1082  }
0x22: {  	[simem:s7], [sflag:s8] =	dma.local @!p0 [hbm:s6], $0xF7A  }
0x23: {  	s9 =	sor.u32 $0xD0000000, s2;
	s6 =	simm.s32 $0x108;
	_ =	swait.ge @!p0 [sflag:s8], $0x0  }
0x24: {  	s3 =	sadd.s32 $0x88, s3;
	s6 =	simm.s32 @!p1 $0x1082;
	[sflag:s4] =	ssyncset.s32 $0xFFFFF086  }
0x25: {  	[simem:s6], [sflag:s4] =	dma.local [hbm:s3], $0xF7A  }
0x26: {  	[smem:$0x3F99] =	sst s1;
	(tag) =	ssettag s2;
	_ =	strace s9  }
0x27: {  	s1 =	sld [smem:$0x3FA9]  }
0x28: {  	s2 =	sld [smem:$0x3FAA]  }
0x29: {  	s4 =	sld [smem:$0x3FAC]  }
0x2a: {  	p0 =	seq.s32 s5, $0x0;
	s5 =	sld [smem:$0x3FAD]  }
0x2b: {  	s6 =	sld [smem:$0x3FAE]  }
0x2c: {  	s7 =	sld [smem:$0x3FAF]  }
0x2d: {  	s3 =	simm.s32 $0x108;
	s8 =	sld [smem:$0x3FB0]  }
0x2e: {  	s3 =	simm.s32 @!p0 $0x1082;
	s9 =	sld [smem:$0x3FB1]  }
0x2f: {  	lr =	sadd.s32 s0, s3;
	s0 =	sld [smem:$0x3FA8]  }
0x30: {  	s3 =	sld [smem:$0x3FAB]  }
0x31: {  	[smem:$0x3FB4] =	sst s10  }
0x32: {  	s10 =	sld [smem:$0x3FB2];
	_ =	sdelay $0x3  }
0x33: {  	p0 =	seq.s32 s10, $0x1;
	s10 =	sld [smem:$0x3FB4];
	_ =	sdelay $0x3  }
0x34: {  	[smem:$0x3FB4] =	sst s10  }
0x35: {  	s10 =	sld [smem:$0x3FB3];
	_ =	sdelay $0x3  }
0x36: {  	p1 =	seq.s32 s10, $0x1;
	s10 =	sld [smem:$0x3FB4];
	_ =	sdelay $0x3  }
0x37: {  	[smem:$0x3FB4] =	sst s10  }
0x38: {  	s10 =	sld [smem:$0x3FB5]  }
0x39: {  	_ = 	snop;
	(pc) =	sbr.ind lr, $3  }
0x3a: {  	_ = 	snop  }
0x3b: {  	_ = 	snop  }
0x3c: {  	p2 =	seq.s32 s10, $0x1;
	s10 =	sld [smem:$0x3FB4]  }
0x3d: {  	_ =	shalt  }
0x3e: {  	_ =	shalt  }
0x3f: {  	_ =	shalt  }
0x40: {  	_ =	shalt  }
0x41: {  	_ =	shalt  }
0x42: {  	_ =	shalt  }
0x43: {  	_ =	shalt  }
0x44: {  	_ =	shalt  }
0x45: {  	_ =	shalt  }
0x46: {  	_ =	shalt  }
0x47: {  	_ =	shalt  }
0x48: {  	_ =	shalt  }
0x49: {  	_ =	shalt  }
0x4a: {  	_ =	shalt  }
0x4b: {  	_ =	shalt  }
0x4c: {  	_ =	shalt  }
0x4d: {  	_ =	shalt  }
0x4e: {  	_ =	shalt  }
0x4f: {  	_ =	shalt  }
0x50: {  	_ =	shalt  }
0x51: {  	_ =	shalt  }
0x52: {  	_ =	shalt  }
0x53: {  	_ =	shalt  }
0x54: {  	_ =	shalt  }
0x55: {  	_ =	shalt  }
0x56: {  	_ =	shalt  }
0x57: {  	_ =	shalt  }
0x58: {  	_ =	shalt  }
0x59: {  	_ =	shalt  }
0x5a: {  	_ =	shalt  }
0x5b: {  	_ =	shalt  }
0x5c: {  	_ =	shalt  }
0x5d: {  	_ =	shalt  }
0x5e: {  	_ =	shalt  }
0x5f: {  	_ =	shalt  }
0x60: {  	_ =	shalt  }
0x61: {  	_ =	shalt  }
0x62: {  	_ =	shalt  }
0x63: {  	_ =	shalt  }
0x64: {  	_ =	shalt  }
0x65: {  	_ =	shalt  }
0x66: {  	_ =	shalt  }
0x67: {  	_ =	shalt  }
0x68: {  	_ =	shalt  }
0x69: {  	_ =	shalt  }
0x6a: {  	_ =	shalt  }
0x6b: {  	_ =	shalt  }
0x6c: {  	_ =	shalt  }
0x6d: {  	_ =	shalt  }
0x6e: {  	_ =	shalt  }
0x6f: {  	_ =	shalt  }
0x70: {  	_ =	shalt  }
0x71: {  	_ =	shalt  }
0x72: {  	_ =	shalt  }
0x73: {  	_ =	shalt  }
0x74: {  	_ =	shalt  }
0x75: {  	_ =	shalt  }
0x76: {  	_ =	shalt  }
0x77: {  	_ =	shalt  }
0x78: {  	_ =	shalt  }
0x79: {  	_ =	shalt  }
0x7a: {  	_ =	shalt  }
0x7b: {  	_ =	shalt  }
0x7c: {  	_ =	shalt  }
0x7d: {  	_ =	shalt  }
0x7e: {  	_ =	shalt  }
0x7f: {  	_ =	shalt  }
0x80: {  	_ =	shalt  }
0x81: {  	_ =	shalt  }
0x82: {  	_ =	shalt  }
0x83: {  	_ =	shalt  }
0x84: {  	_ =	shalt  }
0x85: {  	_ =	shalt  }
0x86: {  	_ =	shalt  }
0x87: {  	_ =	shalt  }
.Lfunc_end0:
.L_simem_size_0:
called_computation_lowered:
.L_overlay_start_0:
0x88: {  	s2 =	sld [smem:$0x3FD9]  }
0x89: {  	s3 =	sld [smem:$0x3FFE];
	_ =	sdelay $0x1  }
0x8a: {  	s1 =	srdreg.scid  }
0x8b: {  	s0 =	sand.u32 $0x1, s1  }
0x8c: {  	s16 =	sshll.u32 s0, $0xA;
	s2 =	sadd.s32 s3, s2  }
0x8d: {  	s2 =	sadd.s32 s2, s16  }
0x8e: {  	[smem:$0x3FC0] =	sst s2  }
0x8f: {  	_ = 	snop  }
0x90: {  	(tm) =	ssettm $0x1  }
0x91: {  	s17 =	sld [smem:$0x3FFB];
	_ =	sdelay $0x3  }
0x92: {  	_ =	strace s17  }
0x93: {  	s2 =	sld [smem:$0x3FFC];
	_ =	sdelay $0x3  }
0x94: {  	_ =	strace s2  }
0x95: {  	s2 =	sld [smem:$0x3FFD];
	_ =	sdelay $0x3  }
0x96: {  	_ =	strace s2  }
0x97: {  	_ =	strace $0x8FFFFFFF  }
0x98: {  	s18 =	sld [smem:$0x3FDB];
	_ =	sdelay $0x1  }
0x99: {  	s19 =	simm.s32 $_scs_section_size  }
0x9a: {  	s4 =	simm.s32 $_size__tile_overlayer_lowered;
	s5 =	simm.s32 $_tile_overlayer_lowered  }
0x9b: {  	s22 =	simm.s32 $0x1BFF;
	s21 =	sshll.u32 s5, $0x1;
	s2 =	sadd.s32 s19, s18  }
0x9c: {  	s6 =	simm.s32 $0x0;
	s20 =	sshll.u32 s4, $0x1;
	s4 =	sadd.s32 s21, s2  }
0x9d: {  	[timem:s6], [sflag:s22] =	dma.local [hbm:s4], s20  }
0x9e: {  	_ =	swait.ge [sflag:s22], s20  }
0x9f: {  	s3 =	ssub.s32 $0x0, s20;
	[sflag:s22] =	ssyncset.done $0x0  }
0xa0: {  	[sflag:s22] =	ssyncadd.s32 s3;
	_ =	sdelay $0x1  }
0xa1: {  	s23 =	simm.s32 $0x1B8B  }
0xa2: {  	_ =	swait.ge [sflag:s23], $0x1  }
0xa3: {  	[sflag:s23] =	ssyncset.done $0x0  }
0xa4: {  	s25 =	simm.s32 $0x1B8E;
	s24 =	sld [smem:$0x3FFE];
	[sflag:s23] =	ssyncadd.s32 $0xFFFFFFFF  }
0xa5: {  	s26 =	simm.s32 $execute0_lowered;
	[smem:$0x3FD2] =	sst s25  }
0xa6: {  	s4 =	sshll.u32 s26, $0x1;
	_ =	strace $0x80000046;
	[dreg:$0x1] =	wrdreg $0xFFFFFFFF  }
0xa7: {  	s28 =	simm.s32 $_size_execute0_lowered;
	s2 =	sadd.s32 s2, s4;
	[dreg:$0x0] =	wrdreg $0x0  }
0xa8: {  	s4 =	sshll.u32 s28, $0x1;
	[dreg:$0x2] =	wrdreg s2  }
0xa9: {  	[dreg:$0x3] =	wrdreg s4  }
0xaa: {  	[dreg:$0x4] =	wrdreg $0xC0  }
0xab: {  	_ =	task [dreg:s6], $0x5FFFF  }
0xac: {  	[dreg:$0x1] =	wrdreg $0xFFFFFFFF  }
0xad: {  	[dreg:$0x0] =	wrdreg $0x60  }
0xae: {  	[dreg:$0x2] =	wrdreg s24  }
0xaf: {  	[dreg:$0x3] =	wrdreg $0x68100  }
0xb0: {  	[dreg:$0x4] =	wrdreg $0x9  }
0xb1: {  	_ =	task.clear_ibuf [dreg:s6], $0x5FFFF;
	_ =	strace $0x90000046  }
0xb2: {  	s29 =	simm.s32 $0x9;
	_ =	strace $0x80000048  }
0xb3: {  	_ =	swait.ge [sflag:s29], $0x1  }
0xb4: {  	[sflag:s29] =	ssyncadd.s32 $0xFFFFFFFF  }
0xb5: {  	_ =	strace $0x90000048  }
0xb6: {  	_ =	sfence  }
0xb7: {  	s30 =	sld [smem:$0x0];
	_ =	sdelay $0x2  }
0xb8: {  	s31 =	sshll.u32 s1, $0xD;
	s1 =	sshrl.u32 s1, $0x2  }
0xb9: {  	s3 =	sand.u32 $0x4000, s31;
	s1 =	sadd.s32 s1, s30  }
0xba: {  	s0 =	sor.u32 s3, s0;
	s1 =	sshll.u32 s1, $0x11  }
0xbb: {  	s0 =	sor.u32 s1, s0  }
0xbc: {  	s0 =	sadd.s32 $0x8F2B, s0  }
0xbd: {  	[sflag:s0] =	ssyncadd.remote.s32 $0x1  }
0xbe: {  	_ =	sfence.sel $0xFFFF  }
0xbf: {  	[dreg:$0x0] =	wrdreg $0xFFFFFFFF;
	(pc) =	sbr.abs _section_cstart, $3  }
0xc0: {  	[dreg:$0x1] =	wrdreg $0xFFFFFFFF  }
0xc1: {  	_ =	task.clear_ibuf [dreg:s6], $0x2FFFF;
	_ =	strace $0x9FFFFFFF  }
0xc2: {  	(tm) =	ssettm $0x7FFFFFFF  }
0xc3: {  	_ =	shalt  }
tec
execute0_lowered:
.L_overlay_start_1:
0x0: {  	(tag) =	ssettag $0x1  }
0x1: {  	s4 =	rddreg [dreg:$0x0]  }
0x2: {  	s0 =	srdreg.scid;
	s2 =	rddreg [dreg:$0x1]  }
0x3: {  	s1 =	rddreg [dreg:$0x2];
	s5 =	sand.u32 $0x1, s0  }
0x4: {  	s0 =	stileid.u32;
	s6 =	smul.u32 $0x27100, s5  }
0x5: {  	s3 =	simm.s32 $0x0;
	s11 =	simm.s32 $0x190;
	s7 =	smul.u32 $0x2710, s0  }
0x6: {  	s12 =	simm.s32 $0x2710;
	[smem:$0x7FF] =	sst s3;
	s8 =	smul.u32 $0x28000, s5  }
0x7: {  	s13 =	simm.s32 $0x0;
	s28 =	smul.u32 $0x2800, s0;
	_ =	strace $0x80000047  }
0x8: {  	s9 =	smul.u32 $0xA000, s0;
	s5 =	ssub.s32 $0x2, s5;
	s6 =	sadd.s32 s7, s6  }
0x9: {  	s30 =	sshrl.u32 s5, $0x1;
	s29 =	sadd.s32 s28, s8;
	s6 =	sshrl.u32 s6, $0x3  }
0xa: {  	s31 =	sshrl.u32 s9, $0x2;
	s10 =	sadd.s32 s6, s4;
	s6 =	sshrl.u32 s29, $0x3  }
0xb: {  	s7 =	ssub.s32 s5, s30;
	s8 =	simm.s32 $0x4010;
	s6 =	sadd.s32 s6, s4  }
0xc: {  	s9 =	simm.s32 $0x2;
	s4 =	sadd.s32 s31, s2;
	s5 =	sadd.s32 $0xCA00, s6  }
0xd: {  	v0 =	vimm.f32 $1.000000000e+00;
	v1 =	vimm.f32 $0.0e+00;
	s6 =	smax.u32 s7, $0x1;
	s7 =	sadd.s32 $0x2C00, s10;
	s10 =	simm.s32 $0x1  }
.LBB2_1:
0xe: {  	s14 =	simm.s32 $0x40;
	s16 =	simm.s32 $0x0  }
.LBB2_2:
0xf: {  	p0 =	sne.s32 s14, $0x63C0;
	[tilespmem:s16+$0x2710] =	vst v0;
	s15 =	smov.u32 s14;
	s14 =	sadd.s32 $0x40, s14  }
.Ltmp0:
0x10: {  	(pc) =	sbr.rel @p0 .LBB2_2-.Ltmp0, $2  }
0x11: {  	_ =	sdelay $0x2  }
0x12: {  	s16 =	sshra.s32 s15, $0x2  }
0x13: {  	s14 =	simm.s32 $0x0;
	s15 =	simm.s32 $0x32  }
0x14: {  	[tilespmem:s16+$0x2710] =	vst v0;
	s18 =	sadd.s32 $0x0, s7;
	s16 =	simm.s32 $0x190;
	s17 =	simm.s32 $0x0  }
.LBB2_4:
0x15: {  	[tilespmem:s17], [sflag:$0x1] =	stream.linear.gather [hbm4b:s18+s14], $0x190, $0x38;
	[tilespmem:$0x9010] =	vst v63  }
0x16: {  	s18 =	smov.u32 s15;
	s17 =	smov.u32 s16;
	p0 =	sne.s32 s15, $0x4B0  }
.Ltmp1:
0x17: {  	s15 =	sadd.s32 $0x32, s15;
	(pc) =	sbr.rel @p0 .LBB2_4-.Ltmp1, $2  }
0x18: {  	_ =	sdelay $0x2  }
0x19: {  	s16 =	sadd.s32 $0x190, s16;
	s18 =	sadd.s32 s18, s7  }
0x1a: {  	[tilespmem:s17], [sflag:$0x1] =	stream.linear.gather [hbm4b:s18+s14], $0x190, $0x38;
	[tilespmem:$0x9010] =	vst v63  }
0x1b: {  	s14 =	simm.s32 $0x40;
	s15 =	simm.s32 $0x0  }
.LBB2_6:
0x1c: {  	p0 =	sne.s32 s14, $0x9FC0;
	[tilespmem:s15+$0x4010] =	vst v1;
	s15 =	smov.u32 s14;
	s14 =	sadd.s32 $0x40, s14  }
.Ltmp2:
0x1d: {  	(pc) =	sbr.rel @p0 .LBB2_6-.Ltmp2, $2  }
0x1e: {  	_ =	sdelay $0x2  }
0x1f: {  	s15 =	sshra.s32 s15, $0x2  }
0x20: {  	[tilespmem:s15+$0x4010] =	vst v1  }
0x21: {  	[spmem:s4] =	stream.linear.scatter [tilespmem:s8], [sflag:$0x2], $0x2800, $0x38;
	[tilespmem:$0x9010] =	vst v63  }
0x22: {  	_ =	swait.ge [sflag:s9], $0x2800  }
0x23: {  	[sflag:s9] =	ssyncset.done $0x0  }
0x24: {  	[sflag:s9] =	ssyncadd.s32 $0xFFFFD800  }
0x25: {  	_ =	swait.ge [sflag:s10], $0x190  }
0x26: {  	[sflag:s10] =	ssyncset.done $0x0  }
0x27: {  	[sflag:s10] =	ssyncadd.s32 $0xFFFFFE70  }
0x28: {  	_ =	swait.ge [sflag:s10], $0x190  }
0x29: {  	[sflag:s10] =	ssyncset.done $0x0  }
0x2a: {  	[sflag:s10] =	ssyncadd.s32 $0xFFFFFE70  }
0x2b: {  	_ =	swait.ge [sflag:s10], $0x190  }
0x2c: {  	[sflag:s10] =	ssyncset.done $0x0  }
0x2d: {  	[sflag:s10] =	ssyncadd.s32 $0xFFFFFE70  }
0x2e: {  	_ =	swait.ge [sflag:s10], $0x190  }
0x2f: {  	[sflag:s10] =	ssyncset.done $0x0  }
0x30: {  	[sflag:s10] =	ssyncadd.s32 $0xFFFFFE70  }
0x31: {  	_ =	swait.ge [sflag:s10], $0x190  }
0x32: {  	[sflag:s10] =	ssyncset.done $0x0  }
0x33: {  	[sflag:s10] =	ssyncadd.s32 $0xFFFFFE70  }
0x34: {  	_ =	swait.ge [sflag:s10], $0x190  }
0x35: {  	[sflag:s10] =	ssyncset.done $0x0  }
0x36: {  	[sflag:s10] =	ssyncadd.s32 $0xFFFFFE70  }
0x37: {  	_ =	swait.ge [sflag:s10], $0x190  }
0x38: {  	[sflag:s10] =	ssyncset.done $0x0  }
0x39: {  	[sflag:s10] =	ssyncadd.s32 $0xFFFFFE70  }
0x3a: {  	_ =	swait.ge [sflag:s10], $0x190  }
0x3b: {  	[sflag:s10] =	ssyncset.done $0x0  }
0x3c: {  	[sflag:s10] =	ssyncadd.s32 $0xFFFFFE70  }
0x3d: {  	_ =	swait.ge [sflag:s10], $0x190  }
0x3e: {  	[sflag:s10] =	ssyncset.done $0x0  }
0x3f: {  	[sflag:s10] =	ssyncadd.s32 $0xFFFFFE70  }
0x40: {  	_ =	swait.ge [sflag:s10], $0x190  }
0x41: {  	[sflag:s10] =	ssyncset.done $0x0  }
0x42: {  	[sflag:s10] =	ssyncadd.s32 $0xFFFFFE70  }
0x43: {  	_ =	swait.ge [sflag:s10], $0x190  }
0x44: {  	[sflag:s10] =	ssyncset.done $0x0  }
0x45: {  	[sflag:s10] =	ssyncadd.s32 $0xFFFFFE70  }
0x46: {  	_ =	swait.ge [sflag:s10], $0x190  }
0x47: {  	[sflag:s10] =	ssyncset.done $0x0  }
0x48: {  	[sflag:s10] =	ssyncadd.s32 $0xFFFFFE70  }
0x49: {  	_ =	swait.ge [sflag:s10], $0x190  }
0x4a: {  	[sflag:s10] =	ssyncset.done $0x0  }
0x4b: {  	[sflag:s10] =	ssyncadd.s32 $0xFFFFFE70  }
0x4c: {  	_ =	swait.ge [sflag:s10], $0x190  }
0x4d: {  	[sflag:s10] =	ssyncset.done $0x0  }
0x4e: {  	[sflag:s10] =	ssyncadd.s32 $0xFFFFFE70  }
0x4f: {  	_ =	swait.ge [sflag:s10], $0x190  }
0x50: {  	[sflag:s10] =	ssyncset.done $0x0  }
0x51: {  	[sflag:s10] =	ssyncadd.s32 $0xFFFFFE70  }
0x52: {  	_ =	swait.ge [sflag:s10], $0x190  }
0x53: {  	[sflag:s10] =	ssyncset.done $0x0  }
0x54: {  	[sflag:s10] =	ssyncadd.s32 $0xFFFFFE70  }
0x55: {  	_ =	swait.ge [sflag:s10], $0x190  }
0x56: {  	[sflag:s10] =	ssyncset.done $0x0  }
0x57: {  	[sflag:s10] =	ssyncadd.s32 $0xFFFFFE70  }
0x58: {  	_ =	swait.ge [sflag:s10], $0x190  }
0x59: {  	[sflag:s10] =	ssyncset.done $0x0  }
0x5a: {  	[sflag:s10] =	ssyncadd.s32 $0xFFFFFE70  }
0x5b: {  	_ =	swait.ge [sflag:s10], $0x190  }
0x5c: {  	[sflag:s10] =	ssyncset.done $0x0  }
0x5d: {  	[sflag:s10] =	ssyncadd.s32 $0xFFFFFE70  }
0x5e: {  	_ =	swait.ge [sflag:s10], $0x190  }
0x5f: {  	[sflag:s10] =	ssyncset.done $0x0  }
0x60: {  	[sflag:s10] =	ssyncadd.s32 $0xFFFFFE70  }
0x61: {  	_ =	swait.ge [sflag:s10], $0x190  }
0x62: {  	[sflag:s10] =	ssyncset.done $0x0  }
0x63: {  	[sflag:s10] =	ssyncadd.s32 $0xFFFFFE70  }
0x64: {  	_ =	swait.ge [sflag:s10], $0x190  }
0x65: {  	[sflag:s10] =	ssyncset.done $0x0  }
0x66: {  	[sflag:s10] =	ssyncadd.s32 $0xFFFFFE70  }
0x67: {  	_ =	swait.ge [sflag:s10], $0x190  }
0x68: {  	[sflag:s10] =	ssyncset.done $0x0  }
0x69: {  	[sflag:s10] =	ssyncadd.s32 $0xFFFFFE70  }
0x6a: {  	_ =	swait.ge [sflag:s10], $0x190  }
0x6b: {  	[sflag:s10] =	ssyncset.done $0x0  }
0x6c: {  	[sflag:s10] =	ssyncadd.s32 $0xFFFFFE70  }
0x6d: {  	_ =	swait.ge [sflag:s10], $0x190  }
0x6e: {  	[sflag:s10] =	ssyncset.done $0x0  }
0x6f: {  	p0 =	por $0x1, $0x1;
	[sflag:s10] =	ssyncadd.s32 $0xFFFFFE70  }
0x70: {  	s14 =	simm.s32 $0x0;
	s16 =	simm.s32 @!p0 $0x1;
	[bflag:$0x0] =	sbarrier.arrive $0xFFFF  }
0x71: {  	[spmem:s2] =	stream.indirect.scatter.add.f32 [tilespmem:s12], [sflag:$0x1], $0x10, s14, s11, $0xb8;
	[tilespmem:$0x9010] =	vst v63  }
0x72: {  	_ =	swait.ge @!p0 [sflag:s16], $0x1900  }
0x73: {  	s15 =	simm.s32 $0x1;
	[sflag:s16] =	ssyncset.done @!p0 $0x0  }
.LBB2_8:
0x74: {  	[sflag:s16] =	ssyncadd.s32 @!p0 $0xFFFFE700  }
0x75: {  	s14 =	sadd.s32 $0x190, s14;
	s16 =	smov.u32 s15;
	s15 =	sadd.s32 $0x1, s15  }
0x76: {  	p1 =	sne.s32 s15, $0x19  }
0x77: {  	[spmem:s2] =	stream.indirect.scatter.add.f32 [tilespmem:s12], [sflag:$0x1], $0x10, s14, s11, $0xb8;
	[tilespmem:$0x9010] =	vst v63  }
.Ltmp3:
0x78: {  	_ = 	snop;
	(pc) =	sbr.rel @p1 .LBB2_8-.Ltmp3, $4  }
0x79: {  	p0 =	slt.u32 s16, $0x8  }
0x7a: {  	s16 =	simm.s32 @!p0 $0x1  }
0x7b: {  	_ =	swait.ge @!p0 [sflag:s16], $0x1900  }
0x7c: {  	[sflag:s16] =	ssyncset.done @!p0 $0x0  }
0x7d: {  	[sflag:s16] =	ssyncadd.s32 @!p0 $0xFFFFE700  }
0x7e: {  	_ =	swait.ge [sflag:s10], $0x1900  }
0x7f: {  	[sflag:s10] =	ssyncset.done $0x0  }
0x80: {  	[sflag:s10] =	ssyncadd.s32 $0xFFFFE700  }
0x81: {  	_ =	swait.ge [sflag:s10], $0x1900  }
0x82: {  	[sflag:s10] =	ssyncset.done $0x0  }
0x83: {  	[sflag:s10] =	ssyncadd.s32 $0xFFFFE700  }
0x84: {  	_ =	swait.ge [sflag:s10], $0x1900  }
0x85: {  	[sflag:s10] =	ssyncset.done $0x0  }
0x86: {  	[sflag:s10] =	ssyncadd.s32 $0xFFFFE700  }
0x87: {  	_ =	swait.ge [sflag:s10], $0x1900  }
0x88: {  	[sflag:s10] =	ssyncset.done $0x0  }
0x89: {  	[sflag:s10] =	ssyncadd.s32 $0xFFFFE700  }
0x8a: {  	_ =	swait.ge [sflag:s10], $0x1900  }
0x8b: {  	[sflag:s10] =	ssyncset.done $0x0  }
0x8c: {  	[sflag:s10] =	ssyncadd.s32 $0xFFFFE700  }
0x8d: {  	_ =	swait.ge [sflag:s10], $0x1900  }
0x8e: {  	[sflag:s10] =	ssyncset.done $0x0  }
0x8f: {  	[sflag:s10] =	ssyncadd.s32 $0xFFFFE700  }
0x90: {  	_ =	swait.ge [sflag:s10], $0x1900  }
0x91: {  	[sflag:s10] =	ssyncset.done $0x0  }
0x92: {  	[sflag:s10] =	ssyncadd.s32 $0xFFFFE700  }
0x93: {  	_ =	swait.ge [sflag:s10], $0x1900  }
0x94: {  	[sflag:s10] =	ssyncset.done $0x0  }
0x95: {  	[sflag:s10] =	ssyncadd.s32 $0xFFFFE700  }
0x96: {  	[bflag:$0x0] =	sbarrier.arrive $0xFFFF  }
0x97: {  	[tilespmem:s8], [sflag:$0x2] =	stream.linear.gather [spmem:s4], $0x2800, $0x38;
	[tilespmem:$0x9010] =	vst v63  }
0x98: {  	s13 =	sadd.s32 $0x1, s13;
	_ =	swait.ge [sflag:s9], $0x2800  }
0x99: {  	p0 =	sne.s32 s13, s6;
	[sflag:s9] =	ssyncset.done $0x0  }
.Ltmp4:
0x9a: {  	[sflag:s9] =	ssyncadd.s32 $0xFFFFD800;
	(pc) =	sbr.rel @p0 .LBB2_1-.Ltmp4, $4  }
0x9b: {  	[hbm4b:s5+s3] =	stream.linear.scatter [tilespmem:s8], [sflag:$0x2], $0x2800, $0x38;
	[tilespmem:$0x9010] =	vst v63  }
0x9c: {  	_ =	swait.ge [sflag:s9], $0x2800  }
0x9d: {  	[sflag:s9] =	ssyncset.done $0x0  }
0x9e: {  	[sflag:s9] =	ssyncadd.s32 $0xFFFFD800  }
0x9f: {  	_ =	sfence.sel $0x180000  }
0xa0: {  	[bflag:$0x0] =	sbarrier.arrive $0xFFFF  }
0xa1: {  	p0 =	sne.s32 s0, $0x0;
	_ =	strace $0x90000047  }
0xa2: {  	s0 =	sadd.s32 @!p0 $0x100000, s1;
	[bflag:$0x2] =	sbarrier.arrive $0xFFFF  }
0xa3: {  	[sflag:s0] =	ssyncadd.tile.s32 @!p0 $0x1;
	_ =	shalt  }
.Lfunc_end2:
_tile_overlayer_lowered:
.L_overlay_start_2:
0xa4: {  	(tag) =	ssettag $0x2  }
0xa5: {  	s0 =	rddreg [dreg:$0x0];
	s2 =	stileid.u32  }
0xa6: {  	s1 =	rddreg [dreg:$0x1];
	p0 =	sne.s32 s2, $0x0  }
0xa7: {  	s3 =	rddreg [dreg:$0x2];
	[bflag:$0x3] =	sbarrier.arrive $0xFFFF;
	s2 =	simm.s32 @!p0 $0x1C02  }
0xa8: {  	[timem:s3], [sflag:s2] =	dma.local @!p0 [hbm:s0], s1  }
0xa9: {  	s0 =	simm.s32 @!p0 $0x2  }
0xaa: {  	_ =	swait.ge @!p0 [sflag:s0], s1  }
0xab: {  	s1 =	ssub.s32 @!p0 $0x0, s1;
	[sflag:s0] =	ssyncset.done @!p0 $0x0  }
0xac: {  	[sflag:s0] =	ssyncadd.s32 @!p0 s1  }
0xad: {  	[bflag:$0x3] =	sbarrier.arrive $0xFFFF  }
0xae: {  	_ =	shalt  }

</sc_bundles>
